<compile_context>
chip_gen: v7x
topology: tpu7x:2x2x1
jax: 0.10.2.dev20260603
libtpu: 0.0.44.dev20260713+nightly
codegen_flags: <defaults>
</compile_context>

<pallas_src>
import functools

import jax
import jax.numpy as jnp
from jax import lax
from jax.experimental import pallas as pl
from jax.experimental.pallas import tpu as pltpu
from jax.experimental.pallas import tpu_sc as plsc

N = 100000
F = 32
FH = 16
H = 64
E = 1600000

NC, NS, L = 2, 16, 16
NPAD = 100352
CH = 128
ECH = E // CH
RPT = NPAD // NS
ROWT = 781
EXTRA = ECH - NS * ROWT
BLKB = 4
NBLK = ROWT // BLKB
TAILROW = NBLK * BLKB
DEGB = 5
DEGROWS = ECH // (NC * NS)
DEGX = ECH - NC * NS * DEGROWS

BC = 2048
NBC = NPAD // BC


def _deg_body(dst2d, zeros1, out, sp_deg, idx, ones, isem, ssem):
    c = lax.axis_index("c")
    s = lax.axis_index("s")
    wid = c * NS + s

    @pl.when(s == 0)
    def _():
        pltpu.sync_copy(zeros1, sp_deg)

    for k in range(CH // L):
        ones[pl.ds(k * L, L)] = jnp.full((L,), 1.0, jnp.float32)
    plsc.subcore_barrier()

    base = wid * DEGROWS
    nblk = DEGROWS // DEGB

    def idx_fetch(b, slot):
        pltpu.async_copy(dst2d.at[pl.ds(base + b * DEGB, DEGB)],
                         idx.at[slot], isem)

    def drain(slot4):
        for j in range(DEGB):
            pltpu.make_async_copy(ones, sp_deg.at[idx.at[slot4, j]],
                                  ssem).wait()

    idx_fetch(0, 0)

    def blk(b, carry):
        p4 = lax.rem(b, 4)
        pltpu.make_async_copy(dst2d.at[pl.ds(0, DEGB)],
                              idx.at[p4], isem).wait()

        @pl.when(b + 1 < nblk)
        def _():
            idx_fetch(b + 1, lax.rem(b + 1, 4))

        @pl.when(b >= 1)
        def _():
            drain(p4)

        for j in range(DEGB):
            pltpu.async_copy(ones, sp_deg.at[idx.at[p4, j]], ssem, add=True)
        return carry

    lax.fori_loop(0, nblk, blk, 0)
    drain((nblk - 1) % 4)

    @pl.when(wid < DEGX)
    def _():
        row0 = NC * NS * DEGROWS + wid
        pltpu.sync_copy(dst2d.at[pl.ds(row0, 1)], idx.at[0, pl.ds(0, 1)])
        pltpu.sync_copy(ones, sp_deg.at[idx.at[0, 0]], add=True)

    plsc.subcore_barrier()
    pltpu.sync_copy(sp_deg.at[pl.ds(s * RPT, RPT)],
                    out.at[pl.ds(c * NPAD + s * RPT, RPT)])


@functools.lru_cache(maxsize=None)
def _deg_call():
    mesh = plsc.VectorSubcoreMesh(core_axis_name="c", subcore_axis_name="s",
                                  num_cores=NC, num_subcores=NS)
    return pl.kernel(
        _deg_body,
        out_type=jax.ShapeDtypeStruct((NC * NPAD,), jnp.float32),
        mesh=mesh,
        compiler_params=pltpu.CompilerParams(use_tc_tiling_on_sc=False),
        scratch_types=[
            pltpu.VMEM_SHARED((NPAD,), jnp.float32),
            pltpu.VMEM((4, DEGB, CH), jnp.int32),
            pltpu.VMEM((CH,), jnp.float32),
            pltpu.SemaphoreType.DMA,
            pltpu.SemaphoreType.DMA,
        ],
    )


def _agg_body(src2d, dst2d, p0, p1, dinv_h, z16, z1, agg_out, cs_out,
              sp_agg, sp_cs, sp_dinv, sidx, didx, rowbuf, csbuf,
              gsem, ssem, isem, cgsem, cssem):
    c = lax.axis_index("c")
    s = lax.axis_index("s")

    @pl.when(s == 0)
    def _():
        pltpu.sync_copy(z16, sp_agg)
        pltpu.sync_copy(z1, sp_cs)

    @pl.when(s == 1)
    def _():
        pltpu.sync_copy(dinv_h, sp_dinv)

    plsc.subcore_barrier()

    halfblk = (NBLK + 1) // 2

    def idx_fetch(b, slot):
        row0 = s * ROWT + b * BLKB
        pltpu.async_copy(src2d.at[pl.ds(row0, BLKB)], sidx.at[slot], isem)
        pltpu.async_copy(dst2d.at[pl.ds(row0, BLKB)], didx.at[slot], isem)

    def cs_active(b):
        return jnp.logical_xor(b < halfblk, c != 0)

    def drain_agg(slot4):
        for j in range(BLKB):
            pltpu.make_async_copy(rowbuf.at[j],
                                  sp_agg.at[didx.at[slot4, j]], ssem).wait()

    def drain_cs(slot4):
        for j in range(BLKB):
            pltpu.make_async_copy(csbuf.at[j],
                                  sp_cs.at[sidx.at[slot4, j]], cssem).wait()

    idx_fetch(0, 0)

    def blk(b, carry):
        p4 = lax.rem(b, 4)
        pltpu.make_async_copy(src2d.at[pl.ds(0, BLKB)],
                              sidx.at[p4], isem).wait()
        pltpu.make_async_copy(dst2d.at[pl.ds(0, BLKB)],
                              didx.at[p4], isem).wait()

        @pl.when(b + 1 < NBLK)
        def _():
            idx_fetch(b + 1, lax.rem(b + 1, 4))

        @pl.when(b >= 1)
        def _():
            drain_agg(p4)

        @pl.when(jnp.logical_and(b >= 1, cs_active(b - 1)))
        def _():
            drain_cs(p4)

        @pl.when(cs_active(b))
        def _():
            for j in range(BLKB):
                pltpu.async_copy(sp_dinv.at[didx.at[p4, j]],
                                 csbuf.at[j], cgsem)

        def p_pipe(p_half):
            gd = [pltpu.async_copy(p_half.at[sidx.at[p4, j]],
                                   rowbuf.at[j], gsem)
                  for j in range(BLKB)]
            for j in range(BLKB):
                gd[j].wait()
                pltpu.async_copy(rowbuf.at[j],
                                 sp_agg.at[didx.at[p4, j]], ssem, add=True)

        @pl.when(c == 0)
        def _():
            p_pipe(p0)

        @pl.when(c == 1)
        def _():
            p_pipe(p1)

        @pl.when(cs_active(b))
        def _():
            for j in range(BLKB):
                pltpu.make_async_copy(sp_dinv.at[didx.at[p4, j]],
                                      csbuf.at[j], cgsem).wait()
                pltpu.async_copy(csbuf.at[j],
                                 sp_cs.at[sidx.at[p4, j]], cssem, add=True)

        return carry

    lax.fori_loop(0, NBLK, blk, 0)

    drain_agg((NBLK - 1) % 4)

    @pl.when(c == 1)
    def _():
        drain_cs((NBLK - 1) % 4)

    def tail_chunk(row0, do_cs):
        pltpu.sync_copy(src2d.at[pl.ds(row0, 1)], sidx.at[0, pl.ds(0, 1)])
        pltpu.sync_copy(dst2d.at[pl.ds(row0, 1)], didx.at[0, pl.ds(0, 1)])

        def tp_pipe(p_half):
            pltpu.async_copy(p_half.at[sidx.at[0, 0]],
                             rowbuf.at[0], gsem).wait()
            pltpu.sync_copy(rowbuf.at[0],
                            sp_agg.at[didx.at[0, 0]], add=True)

        @pl.when(c == 0)
        def _():
            tp_pipe(p0)

        @pl.when(c == 1)
        def _():
            tp_pipe(p1)

        @pl.when(do_cs)
        def _():
            pltpu.async_copy(sp_dinv.at[didx.at[0, 0]],
                             csbuf.at[0], cgsem).wait()
            pltpu.sync_copy(csbuf.at[0],
                            sp_cs.at[sidx.at[0, 0]], add=True)

    tail_chunk(s * ROWT + TAILROW, c == 0)

    @pl.when(s < EXTRA)
    def _():
        tail_chunk(NS * ROWT + s, c == 1)

    plsc.subcore_barrier()
    pltpu.sync_copy(sp_agg.at[pl.ds(s * RPT, RPT)],
                    agg_out.at[pl.ds(c * NPAD + s * RPT, RPT)])
    pltpu.sync_copy(sp_cs.at[pl.ds(s * RPT, RPT)],
                    cs_out.at[pl.ds(c * NPAD + s * RPT, RPT)])


@functools.lru_cache(maxsize=None)
def _agg_call():
    mesh = plsc.VectorSubcoreMesh(core_axis_name="c", subcore_axis_name="s",
                                  num_cores=NC, num_subcores=NS)
    return pl.kernel(
        _agg_body,
        out_type=(jax.ShapeDtypeStruct((NC * NPAD, FH), jnp.float32),
                  jax.ShapeDtypeStruct((NC * NPAD,), jnp.float32)),
        mesh=mesh,
        compiler_params=pltpu.CompilerParams(use_tc_tiling_on_sc=False),
        scratch_types=[
            pltpu.VMEM_SHARED((NPAD, FH), jnp.float32),
            pltpu.VMEM_SHARED((NPAD,), jnp.float32),
            pltpu.VMEM_SHARED((NPAD,), jnp.float32),
            pltpu.VMEM((4, BLKB, CH), jnp.int32),
            pltpu.VMEM((4, BLKB, CH), jnp.int32),
            pltpu.VMEM((BLKB, CH, FH), jnp.float32),
            pltpu.VMEM((BLKB, CH), jnp.float32),
            pltpu.SemaphoreType.DMA,
            pltpu.SemaphoreType.DMA,
            pltpu.SemaphoreType.DMA,
            pltpu.SemaphoreType.DMA,
            pltpu.SemaphoreType.DMA,
        ],
    )


def _prep_body(degA, degB, xr, pA, pB, dinvo):
    i = pl.program_id(0)
    deg = degA[...] + degB[...]
    col = lax.broadcasted_iota(jnp.int32, (BC,), 0) + i * BC
    dinv1 = jnp.where(col < N, lax.rsqrt(deg + 1.0), 0.0)
    dinvo[...] = dinv1
    dcol = dinv1.reshape(BC, 1)
    xb = xr[...]
    pA[...] = jnp.where(dcol > 0, xb[:, :FH] * dcol, 0.0)
    pB[...] = jnp.where(dcol > 0, xb[:, FH:] * dcol, 0.0)


def _prep_call(degp, x):
    return pl.pallas_call(
        _prep_body,
        grid=(NBC,),
        in_specs=[
            pl.BlockSpec((BC,), lambda i: (i,)),
            pl.BlockSpec((BC,), lambda i: (i + NBC,)),
            pl.BlockSpec((BC, F), lambda i: (i, 0)),
        ],
        out_specs=[
            pl.BlockSpec((BC, FH), lambda i: (i, 0)),
            pl.BlockSpec((BC, FH), lambda i: (i, 0)),
            pl.BlockSpec((BC,), lambda i: (i,)),
        ],
        out_shape=[
            jax.ShapeDtypeStruct((NPAD, FH), jnp.float32),
            jax.ShapeDtypeStruct((NPAD, FH), jnp.float32),
            jax.ShapeDtypeStruct((NPAD,), jnp.float32),
        ],
    )(degp, degp, x)


def _final_body(aggA, aggB, pAr, pBr, dinvb, csA, csB,
                W1r, b1c, W2r, b2r, out, acc):
    i = pl.program_id(0)

    @pl.when(i == 0)
    def _():
        acc[...] = jnp.zeros_like(acc)

    dinvrow = dinvb[...].reshape(1, BC)
    cwrow = dinvrow * (csA[...].reshape(1, BC)
                       + csB[...].reshape(1, BC) + dinvrow)
    t = jnp.concatenate([aggA[...] + pAr[...], aggB[...] + pBr[...]],
                        axis=1)
    mT = lax.dot_general(W1r[...], t, (((0,), (1,)), ((), ())),
                         preferred_element_type=jnp.float32)
    hT = jnp.maximum(mT * dinvrow + b1c[...], 0.0)
    acc[...] += jnp.sum(hT * cwrow, axis=1, keepdims=True)

    @pl.when(i == pl.num_programs(0) - 1)
    def _():
        vT = lax.dot_general(W2r[...], acc[...] * (1.0 / N),
                             (((0,), (0,)), ((), ())),
                             preferred_element_type=jnp.float32)
        out[...] = vT.reshape(1, H) + b2r[...]


def _final_call(agg, pA, pB, dinv1d, csp, W1, b1c, W2, b2r):
    return pl.pallas_call(
        _final_body,
        grid=(NBC,),
        in_specs=[
            pl.BlockSpec((BC, FH), lambda i: (i, 0)),
            pl.BlockSpec((BC, FH), lambda i: (i + NBC, 0)),
            pl.BlockSpec((BC, FH), lambda i: (i, 0)),
            pl.BlockSpec((BC, FH), lambda i: (i, 0)),
            pl.BlockSpec((BC,), lambda i: (i,)),
            pl.BlockSpec((BC,), lambda i: (i,)),
            pl.BlockSpec((BC,), lambda i: (i + NBC,)),
            pl.BlockSpec((F, H), lambda i: (0, 0)),
            pl.BlockSpec((H, 1), lambda i: (0, 0)),
            pl.BlockSpec((H, H), lambda i: (0, 0)),
            pl.BlockSpec((1, H), lambda i: (0, 0)),
        ],
        out_specs=pl.BlockSpec((1, H), lambda i: (0, 0)),
        out_shape=jax.ShapeDtypeStruct((1, H), jnp.float32),
        scratch_shapes=[pltpu.VMEM((H, 1), jnp.float32)],
    )(agg, agg, pA, pB, dinv1d, csp, csp, W1, b1c, W2, b2r)


def kernel(x, edge_index, W1, b1, W2, b2):
    ei = edge_index.astype(jnp.int32)
    src2d = ei[0].reshape(ECH, CH)
    dst2d = ei[1].reshape(ECH, CH)

    z1 = jnp.zeros((NPAD,), jnp.float32)
    z16 = jnp.zeros((NPAD, FH), jnp.float32)

    degp = _deg_call()(dst2d, z1)
    pA, pB, dinv1d = _prep_call(degp, x)
    agg, csp = _agg_call()(src2d, dst2d, pA, pB, dinv1d, z16, z1)

    return _final_call(agg, pA, pB, dinv1d, csp,
                       W1, b1.reshape(H, 1), W2, b2.reshape(1, H))

# --- scband reference (transcript-rebuilt; emitter-appended) ---
"""Pipeline reference for scband-advanced-transposable-gene-9543417332457 (READ-ONLY COPY).

The authoritative reference and input builder live on the scoring server;
editing this copy changes nothing except your own understanding.
"""

import jax, jax.numpy as jnp
import numpy as np

FEATURE_DIM = 32
HIDDEN_DIM = 64
N_NODES = 100000
N_EDGES = 1600000


def gcn_conv(x, edge_index, W, b):
    # Faithful PyG GCNConv: add self-loops, symmetric normalization, scatter-add aggregation
    num_nodes = x.shape[0]
    src = edge_index[0]
    dst = edge_index[1]
    loop = jnp.arange(num_nodes, dtype=src.dtype)
    src = jnp.concatenate([src, loop])
    dst = jnp.concatenate([dst, loop])
    deg = jnp.zeros((num_nodes,), dtype=x.dtype).at[dst].add(1.0)
    dinv = jnp.where(deg > 0, deg ** -0.5, 0.0)
    norm = dinv[src] * dinv[dst]
    h = x @ W
    msg = h[src] * norm[:, None]
    out = jnp.zeros((num_nodes, W.shape[1]), dtype=x.dtype).at[dst].add(msg)
    return out + b


def setup_inputs(seed: int = 0) -> dict:
    key = jax.random.key(seed)
    k_x, k_e, k_w1, k_w2 = jax.random.split(key, 4)
    x = jax.random.normal(k_x, (N_NODES, FEATURE_DIM), dtype=jnp.float32)
    edge_index = jax.random.randint(k_e, (2, N_EDGES), 0, N_NODES, dtype=jnp.int64)
    # GCNConv weights (glorot-style scale) and zero biases
    W1 = jax.random.normal(k_w1, (FEATURE_DIM, HIDDEN_DIM), dtype=jnp.float32) * (1.0 / np.sqrt(FEATURE_DIM))
    b1 = jnp.zeros((HIDDEN_DIM,), dtype=jnp.float32)
    W2 = jax.random.normal(k_w2, (HIDDEN_DIM, HIDDEN_DIM), dtype=jnp.float32) * (1.0 / np.sqrt(HIDDEN_DIM))
    b2 = jnp.zeros((HIDDEN_DIM,), dtype=jnp.float32)
    return {"x": x, "edge_index": edge_index, "W1": W1, "b1": b1, "W2": W2, "b2": b2}


def reference(x, edge_index, W1, b1, W2, b2):
    # AdvancedTransposableGene.forward, Mariner family path:
    # methylation_level=0.0, no cargo, not inverted, age=0 -> activity_factor=1.0, batch=None
    h = jax.nn.relu(gcn_conv(x, edge_index, W1, b1))
    h = gcn_conv(h, edge_index, W2, b2)
    h = h.mean(axis=0, keepdims=True)
    activity_factor = 1.0 / (1.0 + 0 * 0.01)
    return h * activity_factor

if __name__ == "__main__":
    import jax
    _d = setup_inputs()
    print(jax.jit(kernel)(*tuple(_d.values())))

</pallas_src>

<mosaic_0001>
#map = affine_map<(d0, d1) -> (0, 0)>
#map1 = affine_map<(d0, d1) -> (0)>
module attributes {stable_mosaic.version = 14 : i64} {
  func.func @_deg_body(%arg0: i32, %arg1: i32, %arg2: memref<12500x128xi32, #tpu.memory_space<hbm>>, %arg3: memref<100352xf32, #tpu.memory_space<hbm>>, %arg4: memref<200704xf32, #tpu.memory_space<hbm>>, %arg5: memref<100352xf32, #tpu.memory_space<vmem_shared>>, %arg6: memref<4x5x128xi32, #tpu.memory_space<vmem>>, %arg7: memref<128xf32, #tpu.memory_space<vmem>>, %arg8: memref<!tpu.dma_semaphore, #tpu.memory_space<semaphore_mem>>, %arg9: memref<!tpu.dma_semaphore, #tpu.memory_space<semaphore_mem>>) attributes {dimension_semantics = [#tpu.dimension_semantics<core_parallel>, #tpu.dimension_semantics<subcore_parallel>], iteration_bounds = array<i64: 2, 16>, scalar_prefetch = 0 : i64, scratch_operands = 5 : i64, tpu.core_type = #tpu.core_type<sc_vector_subcore>, window_params = [{transform_indices = #map}, {transform_indices = #map1}, {transform_indices = #map1}]} {
    %mul3A = arith.constant 16 : i32
    %mul3A_0 = arith.muli %arg0, %mul3A : i32
    %add3A = arith.addi %mul3A_0, %arg1 : i32
    %eq3A = arith.constant 0 : i32
    %eq3A_1 = arith.cmpi eq, %arg1, %eq3A : i32
    %convert_element_type3A = arith.extui %eq3A_1 : i1 to i32
    %cond3A = arith.constant 0 : i32
    %cond3A_2 = arith.cmpi ne, %convert_element_type3A, %cond3A : i32
    scf.if %cond3A_2 {
      "tpu.region"() ({
        %run_scoped3A = tpu.sem_alloc : memref<!tpu.dma_semaphore, #tpu.memory_space<semaphore_mem>>
        tpu.enqueue_dma source(%arg3 : memref<100352xf32, #tpu.memory_space<hbm>>) target(%arg5 : memref<100352xf32, #tpu.memory_space<vmem_shared>>) target_semaphore(%run_scoped3A : memref<!tpu.dma_semaphore, #tpu.memory_space<semaphore_mem>>)
        tpu.wait_dma2 semaphore(%run_scoped3A : memref<!tpu.dma_semaphore, #tpu.memory_space<semaphore_mem>>) src(%arg3 : memref<100352xf32, #tpu.memory_space<hbm>>) dst(%arg5 : memref<100352xf32, #tpu.memory_space<vmem_shared>>)
        tpu.yield
      }) : () -> ()
    } else {
    }
    %broadcast_in_dim3A = arith.constant 1.000000e+00 : f32
    %broadcast_in_dim3A_3 = vector.broadcast %broadcast_in_dim3A : f32 to vector<16xf32>
    %swap3A = arith.constant 0 : index
    %swap3A_4 = tpu.vector_load %arg7[%swap3A] {strides = array<i32>} : memref<128xf32, #tpu.memory_space<vmem>>, vector<16xf32>,
    %swap3A_5 = vector.shape_cast %swap3A_4 : vector<16xf32> to vector<16xf32>
    %swap3A_6 = vector.shape_cast %broadcast_in_dim3A_3 : vector<16xf32> to vector<16xf32>
    tpu.vector_store %arg7[%swap3A], %swap3A_6 {strides = array<i32>} : memref<128xf32, #tpu.memory_space<vmem>>, vector<16xf32>,
    %broadcast_in_dim3A_7 = arith.constant 1.000000e+00 : f32
    %broadcast_in_dim3A_8 = vector.broadcast %broadcast_in_dim3A_7 : f32 to vector<16xf32>
    %swap3A_9 = arith.constant 16 : index
    %swap3A_10 = tpu.vector_load %arg7[%swap3A_9] {strides = array<i32>} : memref<128xf32, #tpu.memory_space<vmem>>, vector<16xf32>,
    %swap3A_11 = vector.shape_cast %swap3A_10 : vector<16xf32> to vector<16xf32>
    %swap3A_12 = vector.shape_cast %broadcast_in_dim3A_8 : vector<16xf32> to vector<16xf32>
    tpu.vector_store %arg7[%swap3A_9], %swap3A_12 {strides = array<i32>} : memref<128xf32, #tpu.memory_space<vmem>>, vector<16xf32>,
    %broadcast_in_dim3A_13 = arith.constant 1.000000e+00 : f32
    %broadcast_in_dim3A_14 = vector.broadcast %broadcast_in_dim3A_13 : f32 to vector<16xf32>
    %swap3A_15 = arith.constant 32 : index
    %swap3A_16 = tpu.vector_load %arg7[%swap3A_15] {strides = array<i32>} : memref<128xf32, #tpu.memory_space<vmem>>, vector<16xf32>,
    %swap3A_17 = vector.shape_cast %swap3A_16 : vector<16xf32> to vector<16xf32>
    %swap3A_18 = vector.shape_cast %broadcast_in_dim3A_14 : vector<16xf32> to vector<16xf32>
    tpu.vector_store %arg7[%swap3A_15], %swap3A_18 {strides = array<i32>} : memref<128xf32, #tpu.memory_space<vmem>>, vector<16xf32>,
    %broadcast_in_dim3A_19 = arith.constant 1.000000e+00 : f32
    %broadcast_in_dim3A_20 = vector.broadcast %broadcast_in_dim3A_19 : f32 to vector<16xf32>
    %swap3A_21 = arith.constant 48 : index
    %swap3A_22 = tpu.vector_load %arg7[%swap3A_21] {strides = array<i32>} : memref<128xf32, #tpu.memory_space<vmem>>, vector<16xf32>,
    %swap3A_23 = vector.shape_cast %swap3A_22 : vector<16xf32> to vector<16xf32>
    %swap3A_24 = vector.shape_cast %broadcast_in_dim3A_20 : vector<16xf32> to vector<16xf32>
    tpu.vector_store %arg7[%swap3A_21], %swap3A_24 {strides = array<i32>} : memref<128xf32, #tpu.memory_space<vmem>>, vector<16xf32>,
    %broadcast_in_dim3A_25 = arith.constant 1.000000e+00 : f32
    %broadcast_in_dim3A_26 = vector.broadcast %broadcast_in_dim3A_25 : f32 to vector<16xf32>
    %swap3A_27 = arith.constant 64 : index
    %swap3A_28 = tpu.vector_load %arg7[%swap3A_27] {strides = array<i32>} : memref<128xf32, #tpu.memory_space<vmem>>, vector<16xf32>,
    %swap3A_29 = vector.shape_cast %swap3A_28 : vector<16xf32> to vector<16xf32>
    %swap3A_30 = vector.shape_cast %broadcast_in_dim3A_26 : vector<16xf32> to vector<16xf32>
    tpu.vector_store %arg7[%swap3A_27], %swap3A_30 {strides = array<i32>} : memref<128xf32, #tpu.memory_space<vmem>>, vector<16xf32>,
    %broadcast_in_dim3A_31 = arith.constant 1.000000e+00 : f32
    %broadcast_in_dim3A_32 = vector.broadcast %broadcast_in_dim3A_31 : f32 to vector<16xf32>
    %swap3A_33 = arith.constant 80 : index
    %swap3A_34 = tpu.vector_load %arg7[%swap3A_33] {strides = array<i32>} : memref<128xf32, #tpu.memory_space<vmem>>, vector<16xf32>,
    %swap3A_35 = vector.shape_cast %swap3A_34 : vector<16xf32> to vector<16xf32>
    %swap3A_36 = vector.shape_cast %broadcast_in_dim3A_32 : vector<16xf32> to vector<16xf32>
    tpu.vector_store %arg7[%swap3A_33], %swap3A_36 {strides = array<i32>} : memref<128xf32, #tpu.memory_space<vmem>>, vector<16xf32>,
    %broadcast_in_dim3A_37 = arith.constant 1.000000e+00 : f32
    %broadcast_in_dim3A_38 = vector.broadcast %broadcast_in_dim3A_37 : f32 to vector<16xf32>
    %swap3A_39 = arith.constant 96 : index
    %swap3A_40 = tpu.vector_load %arg7[%swap3A_39] {strides = array<i32>} : memref<128xf32, #tpu.memory_space<vmem>>, vector<16xf32>,
    %swap3A_41 = vector.shape_cast %swap3A_40 : vector<16xf32> to vector<16xf32>
    %swap3A_42 = vector.shape_cast %broadcast_in_dim3A_38 : vector<16xf32> to vector<16xf32>
    tpu.vector_store %arg7[%swap3A_39], %swap3A_42 {strides = array<i32>} : memref<128xf32, #tpu.memory_space<vmem>>, vector<16xf32>,
    %broadcast_in_dim3A_43 = arith.constant 1.000000e+00 : f32
    %broadcast_in_dim3A_44 = vector.broadcast %broadcast_in_dim3A_43 : f32 to vector<16xf32>
    %swap3A_45 = arith.constant 112 : index
    %swap3A_46 = tpu.vector_load %arg7[%swap3A_45] {strides = array<i32>} : memref<128xf32, #tpu.memory_space<vmem>>, vector<16xf32>,
    %swap3A_47 = vector.shape_cast %swap3A_46 : vector<16xf32> to vector<16xf32>
    %swap3A_48 = vector.shape_cast %broadcast_in_dim3A_44 : vector<16xf32> to vector<16xf32>
    tpu.vector_store %arg7[%swap3A_45], %swap3A_48 {strides = array<i32>} : memref<128xf32, #tpu.memory_space<vmem>>, vector<16xf32>,
    %barrier3A = arith.constant 0 : index
    tpu.barrier barrier_id(%barrier3A)
    %mul3A_49 = arith.constant 390 : i32
    %mul3A_50 = arith.muli %add3A, %mul3A_49 : i32
    %add3A_51 = arith.constant 0 : i32
    %add3A_52 = arith.addi %mul3A_50, %add3A_51 : i32
    %dma_start3A = arith.constant 0 : i32
    %dma_start3A_53 = arith.constant 0 : i32
    %dma_start3A_54 = arith.constant 0 : i32
    %dma_start3A_55 = tpu.memref_slice %arg6[%dma_start3A, %dma_start3A_53, %dma_start3A_54] : memref<4x5x128xi32, #tpu.memory_space<vmem>> -> memref<1x5x128xi32, #tpu.memory_space<vmem>>
    %dma_start3A_56 = tpu.memref_squeeze %dma_start3A_55 : memref<1x5x128xi32, #tpu.memory_space<vmem>> -> memref<5x128xi32, #tpu.memory_space<vmem>>
    %dma_start3A_57 = arith.constant 0 : i32
    %dma_start3A_58 = tpu.memref_slice %arg2[%add3A_52, %dma_start3A_57] : memref<12500x128xi32, #tpu.memory_space<hbm>> -> memref<5x128xi32, #tpu.memory_space<hbm>>
    %dma_start3A_59 = arith.constant 0 : i32
    %dma_start3A_60 = arith.constant 0 : i32
    %dma_start3A_61 = tpu.memref_slice %arg6[%dma_start3A, %dma_start3A_59, %dma_start3A_60] : memref<4x5x128xi32, #tpu.memory_space<vmem>> -> memref<1x5x128xi32, #tpu.memory_space<vmem>>
    %dma_start3A_62 = tpu.memref_squeeze %dma_start3A_61 : memref<1x5x128xi32, #tpu.memory_space<vmem>> -> memref<5x128xi32, #tpu.memory_space<vmem>>
    %dma_start3A_63 = arith.constant 0 : i32
    %dma_start3A_64 = tpu.memref_slice %arg2[%add3A_52, %dma_start3A_63] : memref<12500x128xi32, #tpu.memory_space<hbm>> -> memref<5x128xi32, #tpu.memory_space<hbm>>
    tpu.enqueue_dma source(%dma_start3A_64 : memref<5x128xi32, #tpu.memory_space<hbm>>) target(%dma_start3A_62 : memref<5x128xi32, #tpu.memory_space<vmem>>) target_semaphore(%arg8 : memref<!tpu.dma_semaphore, #tpu.memory_space<semaphore_mem>>)
    %scan3A = arith.constant 0 : i32
    %scan3A_65 = arith.constant 0 : i32
    %scan3A_66 = arith.constant 78 : i32
    %scan3A_67 = arith.addi %scan3A_65, %scan3A_66 : i32
    %scan3A_68 = arith.constant 1 : i32
    scf.for %scan3A_116 = %scan3A_65 to %scan3A_67 step %scan3A_68  : i32 {
      %rem3A = arith.constant 4 : i32
      %rem3A_117 = arith.remsi %scan3A_116, %rem3A : i32
      %dma_wait3A_118 = arith.constant 0 : i32
      %dma_wait3A_119 = arith.constant 0 : i32
      %dma_wait3A_120 = tpu.memref_slice %arg6[%rem3A_117, %dma_wait3A_118, %dma_wait3A_119] : memref<4x5x128xi32, #tpu.memory_space<vmem>> -> memref<1x5x128xi32, #tpu.memory_space<vmem>>
      %dma_wait3A_121 = tpu.memref_squeeze %dma_wait3A_120 : memref<1x5x128xi32, #tpu.memory_space<vmem>> -> memref<5x128xi32, #tpu.memory_space<vmem>>
      %dma_wait3A_122 = arith.constant 0 : i32
      %dma_wait3A_123 = arith.constant 0 : i32
      %dma_wait3A_124 = tpu.memref_slice %arg2[%dma_wait3A_122, %dma_wait3A_123] : memref<12500x128xi32, #tpu.memory_space<hbm>> -> memref<5x128xi32, #tpu.memory_space<hbm>>
      %dma_wait3A_125 = arith.constant 0 : i32
      %dma_wait3A_126 = arith.constant 0 : i32
      %dma_wait3A_127 = tpu.memref_slice %arg6[%rem3A_117, %dma_wait3A_125, %dma_wait3A_126] : memref<4x5x128xi32, #tpu.memory_space<vmem>> -> memref<1x5x128xi32, #tpu.memory_space<vmem>>
      %dma_wait3A_128 = tpu.memref_squeeze %dma_wait3A_127 : memref<1x5x128xi32, #tpu.memory_space<vmem>> -> memref<5x128xi32, #tpu.memory_space<vmem>>
      %dma_wait3A_129 = arith.constant 0 : i32
      %dma_wait3A_130 = arith.constant 0 : i32
      %dma_wait3A_131 = tpu.memref_slice %arg2[%dma_wait3A_129, %dma_wait3A_130] : memref<12500x128xi32, #tpu.memory_space<hbm>> -> memref<5x128xi32, #tpu.memory_space<hbm>>
      tpu.wait_dma2 semaphore(%arg8 : memref<!tpu.dma_semaphore, #tpu.memory_space<semaphore_mem>>) src(%dma_wait3A_131 : memref<5x128xi32, #tpu.memory_space<hbm>>) dst(%dma_wait3A_128 : memref<5x128xi32, #tpu.memory_space<vmem>>)
      %add3A_132 = arith.constant 1 : i32
      %add3A_133 = arith.addi %scan3A_116, %add3A_132 : i32
      %lt3A_134 = arith.constant 78 : i32
      %lt3A_135 = arith.cmpi slt, %add3A_133, %lt3A_134 : i32
      %convert_element_type3A_136 = arith.extui %lt3A_135 : i1 to i32
      %cond3A_137 = arith.constant 0 : i32
      %cond3A_138 = arith.cmpi ne, %convert_element_type3A_136, %cond3A_137 : i32
      scf.if %cond3A_138 {
        %add3A_173 = arith.constant 1 : i32
        %add3A_174 = arith.addi %scan3A_116, %add3A_173 : i32
        %add3A_175 = arith.constant 1 : i32
        %add3A_176 = arith.addi %scan3A_116, %add3A_175 : i32
        %rem3A_177 = arith.constant 4 : i32
        %rem3A_178 = arith.remsi %add3A_176, %rem3A_177 : i32
        %mul3A_179 = arith.constant 5 : i32
        %mul3A_180 = arith.muli %add3A_174, %mul3A_179 : i32
        %add3A_181 = arith.addi %mul3A_50, %mul3A_180 : i32
        %dma_start3A_182 = arith.constant 0 : i32
        %dma_start3A_183 = arith.constant 0 : i32
        %dma_start3A_184 = tpu.memref_slice %arg6[%rem3A_178, %dma_start3A_182, %dma_start3A_183] : memref<4x5x128xi32, #tpu.memory_space<vmem>> -> memref<1x5x128xi32, #tpu.memory_space<vmem>>
        %dma_start3A_185 = tpu.memref_squeeze %dma_start3A_184 : memref<1x5x128xi32, #tpu.memory_space<vmem>> -> memref<5x128xi32, #tpu.memory_space<vmem>>
        %dma_start3A_186 = arith.constant 0 : i32
        %dma_start3A_187 = tpu.memref_slice %arg2[%add3A_181, %dma_start3A_186] : memref<12500x128xi32, #tpu.memory_space<hbm>> -> memref<5x128xi32, #tpu.memory_space<hbm>>
        %dma_start3A_188 = arith.constant 0 : i32
        %dma_start3A_189 = arith.constant 0 : i32
        %dma_start3A_190 = tpu.memref_slice %arg6[%rem3A_178, %dma_start3A_188, %dma_start3A_189] : memref<4x5x128xi32, #tpu.memory_space<vmem>> -> memref<1x5x128xi32, #tpu.memory_space<vmem>>
        %dma_start3A_191 = tpu.memref_squeeze %dma_start3A_190 : memref<1x5x128xi32, #tpu.memory_space<vmem>> -> memref<5x128xi32, #tpu.memory_space<vmem>>
        %dma_start3A_192 = arith.constant 0 : i32
        %dma_start3A_193 = tpu.memref_slice %arg2[%add3A_181, %dma_start3A_192] : memref<12500x128xi32, #tpu.memory_space<hbm>> -> memref<5x128xi32, #tpu.memory_space<hbm>>
        tpu.enqueue_dma source(%dma_start3A_193 : memref<5x128xi32, #tpu.memory_space<hbm>>) target(%dma_start3A_191 : memref<5x128xi32, #tpu.memory_space<vmem>>) target_semaphore(%arg8 : memref<!tpu.dma_semaphore, #tpu.memory_space<semaphore_mem>>)
      } else {
      }
      %ge3A = arith.constant 1 : i32
      %ge3A_139 = arith.cmpi sge, %scan3A_116, %ge3A : i32
      %convert_element_type3A_140 = arith.extui %ge3A_139 : i1 to i32
      %cond3A_141 = arith.constant 0 : i32
      %cond3A_142 = arith.cmpi ne, %convert_element_type3A_140, %cond3A_141 : i32
      scf.if %cond3A_142 {
        %dma_wait3A_173 = arith.constant 0 : i32
        %dma_wait3A_174 = arith.constant 0 : i32
        %dma_wait3A_175 = tpu.memref_slice %arg6[%rem3A_117, %dma_wait3A_173, %dma_wait3A_174] : memref<4x5x128xi32, #tpu.memory_space<vmem>> -> memref<1x1x128xi32, #tpu.memory_space<vmem>>
        %dma_wait3A_176 = tpu.memref_squeeze %dma_wait3A_175 : memref<1x1x128xi32, #tpu.memory_space<vmem>> -> memref<128xi32, #tpu.memory_space<vmem>>
        %dma_wait3A_177 = arith.constant 0 : i32
        %dma_wait3A_178 = tpu.memref_slice %arg5[%dma_wait3A_177] : memref<100352xf32, #tpu.memory_space<vmem_shared>> -> memref<100352xf32, #tpu.memory_space<vmem_shared>>
        tpu.wait_indirect_dma semaphore(%arg9 : memref<!tpu.dma_semaphore, #tpu.memory_space<semaphore_mem>>) src(%arg7 : memref<128xf32, #tpu.memory_space<vmem>>) dst(%dma_wait3A_178 : memref<100352xf32, #tpu.memory_space<vmem_shared>>)
        %dma_wait3A_179 = arith.constant 1 : i32
        %dma_wait3A_180 = arith.constant 0 : i32
        %dma_wait3A_181 = tpu.memref_slice %arg6[%rem3A_117, %dma_wait3A_179, %dma_wait3A_180] : memref<4x5x128xi32, #tpu.memory_space<vmem>> -> memref<1x1x128xi32, #tpu.memory_space<vmem>>
        %dma_wait3A_182 = tpu.memref_squeeze %dma_wait3A_181 : memref<1x1x128xi32, #tpu.memory_space<vmem>> -> memref<128xi32, #tpu.memory_space<vmem>>
        %dma_wait3A_183 = arith.constant 0 : i32
        %dma_wait3A_184 = tpu.memref_slice %arg5[%dma_wait3A_183] : memref<100352xf32, #tpu.memory_space<vmem_shared>> -> memref<100352xf32, #tpu.memory_space<vmem_shared>>
        tpu.wait_indirect_dma semaphore(%arg9 : memref<!tpu.dma_semaphore, #tpu.memory_space<semaphore_mem>>) src(%arg7 : memref<128xf32, #tpu.memory_space<vmem>>) dst(%dma_wait3A_184 : memref<100352xf32, #tpu.memory_space<vmem_shared>>)
        %dma_wait3A_185 = arith.constant 2 : i32
        %dma_wait3A_186 = arith.constant 0 : i32
        %dma_wait3A_187 = tpu.memref_slice %arg6[%rem3A_117, %dma_wait3A_185, %dma_wait3A_186] : memref<4x5x128xi32, #tpu.memory_space<vmem>> -> memref<1x1x128xi32, #tpu.memory_space<vmem>>
        %dma_wait3A_188 = tpu.memref_squeeze %dma_wait3A_187 : memref<1x1x128xi32, #tpu.memory_space<vmem>> -> memref<128xi32, #tpu.memory_space<vmem>>
        %dma_wait3A_189 = arith.constant 0 : i32
        %dma_wait3A_190 = tpu.memref_slice %arg5[%dma_wait3A_189] : memref<100352xf32, #tpu.memory_space<vmem_shared>> -> memref<100352xf32, #tpu.memory_space<vmem_shared>>
        tpu.wait_indirect_dma semaphore(%arg9 : memref<!tpu.dma_semaphore, #tpu.memory_space<semaphore_mem>>) src(%arg7 : memref<128xf32, #tpu.memory_space<vmem>>) dst(%dma_wait3A_190 : memref<100352xf32, #tpu.memory_space<vmem_shared>>)
        %dma_wait3A_191 = arith.constant 3 : i32
        %dma_wait3A_192 = arith.constant 0 : i32
        %dma_wait3A_193 = tpu.memref_slice %arg6[%rem3A_117, %dma_wait3A_191, %dma_wait3A_192] : memref<4x5x128xi32, #tpu.memory_space<vmem>> -> memref<1x1x128xi32, #tpu.memory_space<vmem>>
        %dma_wait3A_194 = tpu.memref_squeeze %dma_wait3A_193 : memref<1x1x128xi32, #tpu.memory_space<vmem>> -> memref<128xi32, #tpu.memory_space<vmem>>
        %dma_wait3A_195 = arith.constant 0 : i32
        %dma_wait3A_196 = tpu.memref_slice %arg5[%dma_wait3A_195] : memref<100352xf32, #tpu.memory_space<vmem_shared>> -> memref<100352xf32, #tpu.memory_space<vmem_shared>>
        tpu.wait_indirect_dma semaphore(%arg9 : memref<!tpu.dma_semaphore, #tpu.memory_space<semaphore_mem>>) src(%arg7 : memref<128xf32, #tpu.memory_space<vmem>>) dst(%dma_wait3A_196 : memref<100352xf32, #tpu.memory_space<vmem_shared>>)
        %dma_wait3A_197 = arith.constant 4 : i32
        %dma_wait3A_198 = arith.constant 0 : i32
        %dma_wait3A_199 = tpu.memref_slice %arg6[%rem3A_117, %dma_wait3A_197, %dma_wait3A_198] : memref<4x5x128xi32, #tpu.memory_space<vmem>> -> memref<1x1x128xi32, #tpu.memory_space<vmem>>
        %dma_wait3A_200 = tpu.memref_squeeze %dma_wait3A_199 : memref<1x1x128xi32, #tpu.memory_space<vmem>> -> memref<128xi32, #tpu.memory_space<vmem>>
        %dma_wait3A_201 = arith.constant 0 : i32
        %dma_wait3A_202 = tpu.memref_slice %arg5[%dma_wait3A_201] : memref<100352xf32, #tpu.memory_space<vmem_shared>> -> memref<100352xf32, #tpu.memory_space<vmem_shared>>
        tpu.wait_indirect_dma semaphore(%arg9 : memref<!tpu.dma_semaphore, #tpu.memory_space<semaphore_mem>>) src(%arg7 : memref<128xf32, #tpu.memory_space<vmem>>) dst(%dma_wait3A_202 : memref<100352xf32, #tpu.memory_space<vmem_shared>>)
      } else {
      }
      %dma_start3A_143 = arith.constant 0 : i32
      %dma_start3A_144 = arith.constant 0 : i32
      %dma_start3A_145 = tpu.memref_slice %arg6[%rem3A_117, %dma_start3A_143, %dma_start3A_144] : memref<4x5x128xi32, #tpu.memory_space<vmem>> -> memref<1x1x128xi32, #tpu.memory_space<vmem>>
      %dma_start3A_146 = tpu.memref_squeeze %dma_start3A_145 : memref<1x1x128xi32, #tpu.memory_space<vmem>> -> memref<128xi32, #tpu.memory_space<vmem>>
      %dma_start3A_147 = arith.constant 0 : i32
      %dma_start3A_148 = tpu.memref_slice %arg5[%dma_start3A_147] : memref<100352xf32, #tpu.memory_space<vmem_shared>> -> memref<100352xf32, #tpu.memory_space<vmem_shared>>
      tpu.enqueue_indirect_dma source(%arg7 : memref<128xf32, #tpu.memory_space<vmem>>) target(%dma_start3A_148 : memref<100352xf32, #tpu.memory_space<vmem_shared>>) offsets(%dma_start3A_146 : memref<128xi32, #tpu.memory_space<vmem>>) semaphore(%arg9 : memref<!tpu.dma_semaphore, #tpu.memory_space<semaphore_mem>>) {add = true}
      %dma_start3A_149 = arith.constant 1 : i32
      %dma_start3A_150 = arith.constant 0 : i32
      %dma_start3A_151 = tpu.memref_slice %arg6[%rem3A_117, %dma_start3A_149, %dma_start3A_150] : memref<4x5x128xi32, #tpu.memory_space<vmem>> -> memref<1x1x128xi32, #tpu.memory_space<vmem>>
      %dma_start3A_152 = tpu.memref_squeeze %dma_start3A_151 : memref<1x1x128xi32, #tpu.memory_space<vmem>> -> memref<128xi32, #tpu.memory_space<vmem>>
      %dma_start3A_153 = arith.constant 0 : i32
      %dma_start3A_154 = tpu.memref_slice %arg5[%dma_start3A_153] : memref<100352xf32, #tpu.memory_space<vmem_shared>> -> memref<100352xf32, #tpu.memory_space<vmem_shared>>
      tpu.enqueue_indirect_dma source(%arg7 : memref<128xf32, #tpu.memory_space<vmem>>) target(%dma_start3A_154 : memref<100352xf32, #tpu.memory_space<vmem_shared>>) offsets(%dma_start3A_152 : memref<128xi32, #tpu.memory_space<vmem>>) semaphore(%arg9 : memref<!tpu.dma_semaphore, #tpu.memory_space<semaphore_mem>>) {add = true}
      %dma_start3A_155 = arith.constant 2 : i32
      %dma_start3A_156 = arith.constant 0 : i32
      %dma_start3A_157 = tpu.memref_slice %arg6[%rem3A_117, %dma_start3A_155, %dma_start3A_156] : memref<4x5x128xi32, #tpu.memory_space<vmem>> -> memref<1x1x128xi32, #tpu.memory_space<vmem>>
      %dma_start3A_158 = tpu.memref_squeeze %dma_start3A_157 : memref<1x1x128xi32, #tpu.memory_space<vmem>> -> memref<128xi32, #tpu.memory_space<vmem>>
      %dma_start3A_159 = arith.constant 0 : i32
      %dma_start3A_160 = tpu.memref_slice %arg5[%dma_start3A_159] : memref<100352xf32, #tpu.memory_space<vmem_shared>> -> memref<100352xf32, #tpu.memory_space<vmem_shared>>
      tpu.enqueue_indirect_dma source(%arg7 : memref<128xf32, #tpu.memory_space<vmem>>) target(%dma_start3A_160 : memref<100352xf32, #tpu.memory_space<vmem_shared>>) offsets(%dma_start3A_158 : memref<128xi32, #tpu.memory_space<vmem>>) semaphore(%arg9 : memref<!tpu.dma_semaphore, #tpu.memory_space<semaphore_mem>>) {add = true}
      %dma_start3A_161 = arith.constant 3 : i32
      %dma_start3A_162 = arith.constant 0 : i32
      %dma_start3A_163 = tpu.memref_slice %arg6[%rem3A_117, %dma_start3A_161, %dma_start3A_162] : memref<4x5x128xi32, #tpu.memory_space<vmem>> -> memref<1x1x128xi32, #tpu.memory_space<vmem>>
      %dma_start3A_164 = tpu.memref_squeeze %dma_start3A_163 : memref<1x1x128xi32, #tpu.memory_space<vmem>> -> memref<128xi32, #tpu.memory_space<vmem>>
      %dma_start3A_165 = arith.constant 0 : i32
      %dma_start3A_166 = tpu.memref_slice %arg5[%dma_start3A_165] : memref<100352xf32, #tpu.memory_space<vmem_shared>> -> memref<100352xf32, #tpu.memory_space<vmem_shared>>
      tpu.enqueue_indirect_dma source(%arg7 : memref<128xf32, #tpu.memory_space<vmem>>) target(%dma_start3A_166 : memref<100352xf32, #tpu.memory_space<vmem_shared>>) offsets(%dma_start3A_164 : memref<128xi32, #tpu.memory_space<vmem>>) semaphore(%arg9 : memref<!tpu.dma_semaphore, #tpu.memory_space<semaphore_mem>>) {add = true}
      %dma_start3A_167 = arith.constant 4 : i32
      %dma_start3A_168 = arith.constant 0 : i32
      %dma_start3A_169 = tpu.memref_slice %arg6[%rem3A_117, %dma_start3A_167, %dma_start3A_168] : memref<4x5x128xi32, #tpu.memory_space<vmem>> -> memref<1x1x128xi32, #tpu.memory_space<vmem>>
      %dma_start3A_170 = tpu.memref_squeeze %dma_start3A_169 : memref<1x1x128xi32, #tpu.memory_space<vmem>> -> memref<128xi32, #tpu.memory_space<vmem>>
      %dma_start3A_171 = arith.constant 0 : i32
      %dma_start3A_172 = tpu.memref_slice %arg5[%dma_start3A_171] : memref<100352xf32, #tpu.memory_space<vmem_shared>> -> memref<100352xf32, #tpu.memory_space<vmem_shared>>
      tpu.enqueue_indirect_dma source(%arg7 : memref<128xf32, #tpu.memory_space<vmem>>) target(%dma_start3A_172 : memref<100352xf32, #tpu.memory_space<vmem_shared>>) offsets(%dma_start3A_170 : memref<128xi32, #tpu.memory_space<vmem>>) semaphore(%arg9 : memref<!tpu.dma_semaphore, #tpu.memory_space<semaphore_mem>>) {add = true}
    }
    %scan3A_69 = arith.constant 78 : i32
    %dma_wait3A = arith.constant 1 : i32
    %dma_wait3A_70 = arith.constant 0 : i32
    %dma_wait3A_71 = arith.constant 0 : i32
    %dma_wait3A_72 = tpu.memref_slice %arg6[%dma_wait3A, %dma_wait3A_70, %dma_wait3A_71] : memref<4x5x128xi32, #tpu.memory_space<vmem>> -> memref<1x1x128xi32, #tpu.memory_space<vmem>>
    %dma_wait3A_73 = tpu.memref_squeeze %dma_wait3A_72 : memref<1x1x128xi32, #tpu.memory_space<vmem>> -> memref<128xi32, #tpu.memory_space<vmem>>
    %dma_wait3A_74 = arith.constant 0 : i32
    %dma_wait3A_75 = tpu.memref_slice %arg5[%dma_wait3A_74] : memref<100352xf32, #tpu.memory_space<vmem_shared>> -> memref<100352xf32, #tpu.memory_space<vmem_shared>>
    tpu.wait_indirect_dma semaphore(%arg9 : memref<!tpu.dma_semaphore, #tpu.memory_space<semaphore_mem>>) src(%arg7 : memref<128xf32, #tpu.memory_space<vmem>>) dst(%dma_wait3A_75 : memref<100352xf32, #tpu.memory_space<vmem_shared>>)
    %dma_wait3A_76 = arith.constant 1 : i32
    %dma_wait3A_77 = arith.constant 1 : i32
    %dma_wait3A_78 = arith.constant 0 : i32
    %dma_wait3A_79 = tpu.memref_slice %arg6[%dma_wait3A_76, %dma_wait3A_77, %dma_wait3A_78] : memref<4x5x128xi32, #tpu.memory_space<vmem>> -> memref<1x1x128xi32, #tpu.memory_space<vmem>>
    %dma_wait3A_80 = tpu.memref_squeeze %dma_wait3A_79 : memref<1x1x128xi32, #tpu.memory_space<vmem>> -> memref<128xi32, #tpu.memory_space<vmem>>
    %dma_wait3A_81 = arith.constant 0 : i32
    %dma_wait3A_82 = tpu.memref_slice %arg5[%dma_wait3A_81] : memref<100352xf32, #tpu.memory_space<vmem_shared>> -> memref<100352xf32, #tpu.memory_space<vmem_shared>>
    tpu.wait_indirect_dma semaphore(%arg9 : memref<!tpu.dma_semaphore, #tpu.memory_space<semaphore_mem>>) src(%arg7 : memref<128xf32, #tpu.memory_space<vmem>>) dst(%dma_wait3A_82 : memref<100352xf32, #tpu.memory_space<vmem_shared>>)
    %dma_wait3A_83 = arith.constant 1 : i32
    %dma_wait3A_84 = arith.constant 2 : i32
    %dma_wait3A_85 = arith.constant 0 : i32
    %dma_wait3A_86 = tpu.memref_slice %arg6[%dma_wait3A_83, %dma_wait3A_84, %dma_wait3A_85] : memref<4x5x128xi32, #tpu.memory_space<vmem>> -> memref<1x1x128xi32, #tpu.memory_space<vmem>>
    %dma_wait3A_87 = tpu.memref_squeeze %dma_wait3A_86 : memref<1x1x128xi32, #tpu.memory_space<vmem>> -> memref<128xi32, #tpu.memory_space<vmem>>
    %dma_wait3A_88 = arith.constant 0 : i32
    %dma_wait3A_89 = tpu.memref_slice %arg5[%dma_wait3A_88] : memref<100352xf32, #tpu.memory_space<vmem_shared>> -> memref<100352xf32, #tpu.memory_space<vmem_shared>>
    tpu.wait_indirect_dma semaphore(%arg9 : memref<!tpu.dma_semaphore, #tpu.memory_space<semaphore_mem>>) src(%arg7 : memref<128xf32, #tpu.memory_space<vmem>>) dst(%dma_wait3A_89 : memref<100352xf32, #tpu.memory_space<vmem_shared>>)
    %dma_wait3A_90 = arith.constant 1 : i32
    %dma_wait3A_91 = arith.constant 3 : i32
    %dma_wait3A_92 = arith.constant 0 : i32
    %dma_wait3A_93 = tpu.memref_slice %arg6[%dma_wait3A_90, %dma_wait3A_91, %dma_wait3A_92] : memref<4x5x128xi32, #tpu.memory_space<vmem>> -> memref<1x1x128xi32, #tpu.memory_space<vmem>>
    %dma_wait3A_94 = tpu.memref_squeeze %dma_wait3A_93 : memref<1x1x128xi32, #tpu.memory_space<vmem>> -> memref<128xi32, #tpu.memory_space<vmem>>
    %dma_wait3A_95 = arith.constant 0 : i32
    %dma_wait3A_96 = tpu.memref_slice %arg5[%dma_wait3A_95] : memref<100352xf32, #tpu.memory_space<vmem_shared>> -> memref<100352xf32, #tpu.memory_space<vmem_shared>>
    tpu.wait_indirect_dma semaphore(%arg9 : memref<!tpu.dma_semaphore, #tpu.memory_space<semaphore_mem>>) src(%arg7 : memref<128xf32, #tpu.memory_space<vmem>>) dst(%dma_wait3A_96 : memref<100352xf32, #tpu.memory_space<vmem_shared>>)
    %dma_wait3A_97 = arith.constant 1 : i32
    %dma_wait3A_98 = arith.constant 4 : i32
    %dma_wait3A_99 = arith.constant 0 : i32
    %dma_wait3A_100 = tpu.memref_slice %arg6[%dma_wait3A_97, %dma_wait3A_98, %dma_wait3A_99] : memref<4x5x128xi32, #tpu.memory_space<vmem>> -> memref<1x1x128xi32, #tpu.memory_space<vmem>>
    %dma_wait3A_101 = tpu.memref_squeeze %dma_wait3A_100 : memref<1x1x128xi32, #tpu.memory_space<vmem>> -> memref<128xi32, #tpu.memory_space<vmem>>
    %dma_wait3A_102 = arith.constant 0 : i32
    %dma_wait3A_103 = tpu.memref_slice %arg5[%dma_wait3A_102] : memref<100352xf32, #tpu.memory_space<vmem_shared>> -> memref<100352xf32, #tpu.memory_space<vmem_shared>>
    tpu.wait_indirect_dma semaphore(%arg9 : memref<!tpu.dma_semaphore, #tpu.memory_space<semaphore_mem>>) src(%arg7 : memref<128xf32, #tpu.memory_space<vmem>>) dst(%dma_wait3A_103 : memref<100352xf32, #tpu.memory_space<vmem_shared>>)
    %lt3A = arith.constant 20 : i32
    %lt3A_104 = arith.cmpi slt, %add3A, %lt3A : i32
    %convert_element_type3A_105 = arith.extui %lt3A_104 : i1 to i32
    %cond3A_106 = arith.constant 0 : i32
    %cond3A_107 = arith.cmpi ne, %convert_element_type3A_105, %cond3A_106 : i32
    scf.if %cond3A_107 {
      %add3A_116 = arith.constant 12480 : i32
      %add3A_117 = arith.addi %add3A_116, %add3A : i32
      %run_scoped3A = arith.constant 0 : i32
      "tpu.region"() ({
        %run_scoped3A_120 = tpu.sem_alloc : memref<!tpu.dma_semaphore, #tpu.memory_space<semaphore_mem>>
        %dma_start3A_121 = arith.constant 0 : i32
        %dma_start3A_122 = arith.constant 0 : i32
        %dma_start3A_123 = tpu.memref_slice %arg6[%run_scoped3A, %dma_start3A_121, %dma_start3A_122] : memref<4x5x128xi32, #tpu.memory_space<vmem>> -> memref<1x1x128xi32, #tpu.memory_space<vmem>>
        %dma_start3A_124 = tpu.memref_squeeze %dma_start3A_123 : memref<1x1x128xi32, #tpu.memory_space<vmem>> -> memref<1x128xi32, #tpu.memory_space<vmem>>
        %dma_start3A_125 = arith.constant 0 : i32
        %dma_start3A_126 = tpu.memref_slice %arg2[%add3A_117, %dma_start3A_125] : memref<12500x128xi32, #tpu.memory_space<hbm>> -> memref<1x128xi32, #tpu.memory_space<hbm>>
        %dma_start3A_127 = arith.constant 0 : i32
        %dma_start3A_128 = arith.constant 0 : i32
        %dma_start3A_129 = tpu.memref_slice %arg6[%run_scoped3A, %dma_start3A_127, %dma_start3A_128] : memref<4x5x128xi32, #tpu.memory_space<vmem>> -> memref<1x1x128xi32, #tpu.memory_space<vmem>>
        %dma_start3A_130 = tpu.memref_squeeze %dma_start3A_129 : memref<1x1x128xi32, #tpu.memory_space<vmem>> -> memref<1x128xi32, #tpu.memory_space<vmem>>
        %dma_start3A_131 = arith.constant 0 : i32
        %dma_start3A_132 = tpu.memref_slice %arg2[%add3A_117, %dma_start3A_131] : memref<12500x128xi32, #tpu.memory_space<hbm>> -> memref<1x128xi32, #tpu.memory_space<hbm>>
        tpu.enqueue_dma source(%dma_start3A_132 : memref<1x128xi32, #tpu.memory_space<hbm>>) target(%dma_start3A_130 : memref<1x128xi32, #tpu.memory_space<vmem>>) target_semaphore(%run_scoped3A_120 : memref<!tpu.dma_semaphore, #tpu.memory_space<semaphore_mem>>)
        %dma_wait3A_133 = arith.constant 0 : i32
        %dma_wait3A_134 = arith.constant 0 : i32
        %dma_wait3A_135 = tpu.memref_slice %arg6[%run_scoped3A, %dma_wait3A_133, %dma_wait3A_134] : memref<4x5x128xi32, #tpu.memory_space<vmem>> -> memref<1x1x128xi32, #tpu.memory_space<vmem>>
        %dma_wait3A_136 = tpu.memref_squeeze %dma_wait3A_135 : memref<1x1x128xi32, #tpu.memory_space<vmem>> -> memref<1x128xi32, #tpu.memory_space<vmem>>
        %dma_wait3A_137 = arith.constant 0 : i32
        %dma_wait3A_138 = tpu.memref_slice %arg2[%add3A_117, %dma_wait3A_137] : memref<12500x128xi32, #tpu.memory_space<hbm>> -> memref<1x128xi32, #tpu.memory_space<hbm>>
        %dma_wait3A_139 = arith.constant 0 : i32
        %dma_wait3A_140 = arith.constant 0 : i32
        %dma_wait3A_141 = tpu.memref_slice %arg6[%run_scoped3A, %dma_wait3A_139, %dma_wait3A_140] : memref<4x5x128xi32, #tpu.memory_space<vmem>> -> memref<1x1x128xi32, #tpu.memory_space<vmem>>
        %dma_wait3A_142 = tpu.memref_squeeze %dma_wait3A_141 : memref<1x1x128xi32, #tpu.memory_space<vmem>> -> memref<1x128xi32, #tpu.memory_space<vmem>>
        %dma_wait3A_143 = arith.constant 0 : i32
        %dma_wait3A_144 = tpu.memref_slice %arg2[%add3A_117, %dma_wait3A_143] : memref<12500x128xi32, #tpu.memory_space<hbm>> -> memref<1x128xi32, #tpu.memory_space<hbm>>
        tpu.wait_dma2 semaphore(%run_scoped3A_120 : memref<!tpu.dma_semaphore, #tpu.memory_space<semaphore_mem>>) src(%dma_wait3A_144 : memref<1x128xi32, #tpu.memory_space<hbm>>) dst(%dma_wait3A_142 : memref<1x128xi32, #tpu.memory_space<vmem>>)
        tpu.yield
      }) : () -> ()
      %run_scoped3A_118 = arith.constant 0 : i32
      %run_scoped3A_119 = arith.constant 0 : i32
      "tpu.region"() ({
        %run_scoped3A_120 = tpu.sem_alloc : memref<!tpu.dma_semaphore, #tpu.memory_space<semaphore_mem>>
        %dma_start3A_121 = arith.constant 0 : i32
        %dma_start3A_122 = tpu.memref_slice %arg6[%run_scoped3A_118, %run_scoped3A_119, %dma_start3A_121] : memref<4x5x128xi32, #tpu.memory_space<vmem>> -> memref<1x1x128xi32, #tpu.memory_space<vmem>>
        %dma_start3A_123 = tpu.memref_squeeze %dma_start3A_122 : memref<1x1x128xi32, #tpu.memory_space<vmem>> -> memref<128xi32, #tpu.memory_space<vmem>>
        %dma_start3A_124 = arith.constant 0 : i32
        %dma_start3A_125 = tpu.memref_slice %arg5[%dma_start3A_124] : memref<100352xf32, #tpu.memory_space<vmem_shared>> -> memref<100352xf32, #tpu.memory_space<vmem_shared>>
        tpu.enqueue_indirect_dma source(%arg7 : memref<128xf32, #tpu.memory_space<vmem>>) target(%dma_start3A_125 : memref<100352xf32, #tpu.memory_space<vmem_shared>>) offsets(%dma_start3A_123 : memref<128xi32, #tpu.memory_space<vmem>>) semaphore(%run_scoped3A_120 : memref<!tpu.dma_semaphore, #tpu.memory_space<semaphore_mem>>) {add = true}
        %dma_wait3A_126 = arith.constant 0 : i32
        %dma_wait3A_127 = tpu.memref_slice %arg6[%run_scoped3A_118, %run_scoped3A_119, %dma_wait3A_126] : memref<4x5x128xi32, #tpu.memory_space<vmem>> -> memref<1x1x128xi32, #tpu.memory_space<vmem>>
        %dma_wait3A_128 = tpu.memref_squeeze %dma_wait3A_127 : memref<1x1x128xi32, #tpu.memory_space<vmem>> -> memref<128xi32, #tpu.memory_space<vmem>>
        %dma_wait3A_129 = arith.constant 0 : i32
        %dma_wait3A_130 = tpu.memref_slice %arg5[%dma_wait3A_129] : memref<100352xf32, #tpu.memory_space<vmem_shared>> -> memref<100352xf32, #tpu.memory_space<vmem_shared>>
        tpu.wait_indirect_dma semaphore(%run_scoped3A_120 : memref<!tpu.dma_semaphore, #tpu.memory_space<semaphore_mem>>) src(%arg7 : memref<128xf32, #tpu.memory_space<vmem>>) dst(%dma_wait3A_130 : memref<100352xf32, #tpu.memory_space<vmem_shared>>)
        tpu.yield
      }) : () -> ()
    } else {
    }
    %barrier3A_108 = arith.constant 0 : index
    tpu.barrier barrier_id(%barrier3A_108)
    %mul3A_109 = arith.constant 6272 : i32
    %mul3A_110 = arith.muli %arg1, %mul3A_109 : i32
    %mul3A_111 = arith.constant 100352 : i32
    %mul3A_112 = arith.muli %arg0, %mul3A_111 : i32
    %mul3A_113 = arith.constant 6272 : i32
    %mul3A_114 = arith.muli %arg1, %mul3A_113 : i32
    %add3A_115 = arith.addi %mul3A_112, %mul3A_114 : i32
    "tpu.region"() ({
      %run_scoped3A = tpu.sem_alloc : memref<!tpu.dma_semaphore, #tpu.memory_space<semaphore_mem>>
      %dma_start3A_116 = tpu.memref_slice %arg4[%add3A_115] : memref<200704xf32, #tpu.memory_space<hbm>> -> memref<6272xf32, #tpu.memory_space<hbm>>
      %dma_start3A_117 = tpu.memref_slice %arg5[%mul3A_110] : memref<100352xf32, #tpu.memory_space<vmem_shared>> -> memref<6272xf32, #tpu.memory_space<vmem_shared>>
      tpu.enqueue_dma source(%dma_start3A_117 : memref<6272xf32, #tpu.memory_space<vmem_shared>>) target(%dma_start3A_116 : memref<6272xf32, #tpu.memory_space<hbm>>) target_semaphore(%run_scoped3A : memref<!tpu.dma_semaphore, #tpu.memory_space<semaphore_mem>>)
      %dma_wait3A_118 = tpu.memref_slice %arg4[%add3A_115] : memref<200704xf32, #tpu.memory_space<hbm>> -> memref<6272xf32, #tpu.memory_space<hbm>>
      %dma_wait3A_119 = tpu.memref_slice %arg5[%mul3A_110] : memref<100352xf32, #tpu.memory_space<vmem_shared>> -> memref<6272xf32, #tpu.memory_space<vmem_shared>>
      tpu.wait_dma2 semaphore(%run_scoped3A : memref<!tpu.dma_semaphore, #tpu.memory_space<semaphore_mem>>) src(%dma_wait3A_119 : memref<6272xf32, #tpu.memory_space<vmem_shared>>) dst(%dma_wait3A_118 : memref<6272xf32, #tpu.memory_space<hbm>>)
      tpu.yield
    }) : () -> ()
    return
  }
}

#map = affine_map<(d0, d1) -> (0, 0)>
#map1 = affine_map<(d0, d1) -> (0)>
module attributes {stable_mosaic.version = 14 : i64} {
  func.func @_agg_body(%arg0: i32, %arg1: i32, %arg2: memref<12500x128xi32, #tpu.memory_space<hbm>>, %arg3: memref<12500x128xi32, #tpu.memory_space<hbm>>, %arg4: memref<100352x16xf32, #tpu.memory_space<hbm>>, %arg5: memref<100352x16xf32, #tpu.memory_space<hbm>>, %arg6: memref<100352xf32, #tpu.memory_space<hbm>>, %arg7: memref<100352x16xf32, #tpu.memory_space<hbm>>, %arg8: memref<100352xf32, #tpu.memory_space<hbm>>, %arg9: memref<200704x16xf32, #tpu.memory_space<hbm>>, %arg10: memref<200704xf32, #tpu.memory_space<hbm>>, %arg11: memref<100352x16xf32, #tpu.memory_space<vmem_shared>>, %arg12: memref<100352xf32, #tpu.memory_space<vmem_shared>>, %arg13: memref<100352xf32, #tpu.memory_space<vmem_shared>>, %arg14: memref<4x4x128xi32, #tpu.memory_space<vmem>>, %arg15: memref<4x4x128xi32, #tpu.memory_space<vmem>>, %arg16: memref<4x128x16xf32, #tpu.memory_space<vmem>>, %arg17: memref<4x128xf32, #tpu.memory_space<vmem>>, %arg18: memref<!tpu.dma_semaphore, #tpu.memory_space<semaphore_mem>>, %arg19: memref<!tpu.dma_semaphore, #tpu.memory_space<semaphore_mem>>, %arg20: memref<!tpu.dma_semaphore, #tpu.memory_space<semaphore_mem>>, %arg21: memref<!tpu.dma_semaphore, #tpu.memory_space<semaphore_mem>>, %arg22: memref<!tpu.dma_semaphore, #tpu.memory_space<semaphore_mem>>) attributes {dimension_semantics = [#tpu.dimension_semantics<core_parallel>, #tpu.dimension_semantics<subcore_parallel>], iteration_bounds = array<i64: 2, 16>, scalar_prefetch = 0 : i64, scratch_operands = 12 : i64, tpu.core_type = #tpu.core_type<sc_vector_subcore>, window_params = [{transform_indices = #map}, {transform_indices = #map}, {transform_indices = #map}, {transform_indices = #map}, {transform_indices = #map1}, {transform_indices = #map}, {transform_indices = #map1}, {transform_indices = #map}, {transform_indices = #map1}]} {
    %eq3A = arith.constant 0 : i32
    %eq3A_0 = arith.cmpi eq, %arg1, %eq3A : i32
    %convert_element_type3A = arith.extui %eq3A_0 : i1 to i32
    %cond3A = arith.constant 0 : i32
    %cond3A_1 = arith.cmpi ne, %convert_element_type3A, %cond3A : i32
    scf.if %cond3A_1 {
      "tpu.region"() ({
        %run_scoped3A_134 = tpu.sem_alloc : memref<!tpu.dma_semaphore, #tpu.memory_space<semaphore_mem>>
        tpu.enqueue_dma source(%arg7 : memref<100352x16xf32, #tpu.memory_space<hbm>>) target(%arg11 : memref<100352x16xf32, #tpu.memory_space<vmem_shared>>) target_semaphore(%run_scoped3A_134 : memref<!tpu.dma_semaphore, #tpu.memory_space<semaphore_mem>>)
        tpu.wait_dma2 semaphore(%run_scoped3A_134 : memref<!tpu.dma_semaphore, #tpu.memory_space<semaphore_mem>>) src(%arg7 : memref<100352x16xf32, #tpu.memory_space<hbm>>) dst(%arg11 : memref<100352x16xf32, #tpu.memory_space<vmem_shared>>)
        tpu.yield
      }) : () -> ()
      "tpu.region"() ({
        %run_scoped3A_134 = tpu.sem_alloc : memref<!tpu.dma_semaphore, #tpu.memory_space<semaphore_mem>>
        tpu.enqueue_dma source(%arg8 : memref<100352xf32, #tpu.memory_space<hbm>>) target(%arg12 : memref<100352xf32, #tpu.memory_space<vmem_shared>>) target_semaphore(%run_scoped3A_134 : memref<!tpu.dma_semaphore, #tpu.memory_space<semaphore_mem>>)
        tpu.wait_dma2 semaphore(%run_scoped3A_134 : memref<!tpu.dma_semaphore, #tpu.memory_space<semaphore_mem>>) src(%arg8 : memref<100352xf32, #tpu.memory_space<hbm>>) dst(%arg12 : memref<100352xf32, #tpu.memory_space<vmem_shared>>)
        tpu.yield
      }) : () -> ()
    } else {
    }
    %eq3A_2 = arith.constant 1 : i32
    %eq3A_3 = arith.cmpi eq, %arg1, %eq3A_2 : i32
    %convert_element_type3A_4 = arith.extui %eq3A_3 : i1 to i32
    %cond3A_5 = arith.constant 0 : i32
    %cond3A_6 = arith.cmpi ne, %convert_element_type3A_4, %cond3A_5 : i32
    scf.if %cond3A_6 {
      "tpu.region"() ({
        %run_scoped3A_134 = tpu.sem_alloc : memref<!tpu.dma_semaphore, #tpu.memory_space<semaphore_mem>>
        tpu.enqueue_dma source(%arg6 : memref<100352xf32, #tpu.memory_space<hbm>>) target(%arg13 : memref<100352xf32, #tpu.memory_space<vmem_shared>>) target_semaphore(%run_scoped3A_134 : memref<!tpu.dma_semaphore, #tpu.memory_space<semaphore_mem>>)
        tpu.wait_dma2 semaphore(%run_scoped3A_134 : memref<!tpu.dma_semaphore, #tpu.memory_space<semaphore_mem>>) src(%arg6 : memref<100352xf32, #tpu.memory_space<hbm>>) dst(%arg13 : memref<100352xf32, #tpu.memory_space<vmem_shared>>)
        tpu.yield
      }) : () -> ()
    } else {
    }
    %barrier3A = arith.constant 0 : index
    tpu.barrier barrier_id(%barrier3A)
    %mul3A = arith.constant 781 : i32
    %mul3A_7 = arith.muli %arg1, %mul3A : i32
    %add3A = arith.constant 0 : i32
    %add3A_8 = arith.addi %mul3A_7, %add3A : i32
    %dma_start3A = arith.constant 0 : i32
    %dma_start3A_9 = arith.constant 0 : i32
    %dma_start3A_10 = arith.constant 0 : i32
    %dma_start3A_11 = tpu.memref_slice %arg14[%dma_start3A, %dma_start3A_9, %dma_start3A_10] : memref<4x4x128xi32, #tpu.memory_space<vmem>> -> memref<1x4x128xi32, #tpu.memory_space<vmem>>
    %dma_start3A_12 = tpu.memref_squeeze %dma_start3A_11 : memref<1x4x128xi32, #tpu.memory_space<vmem>> -> memref<4x128xi32, #tpu.memory_space<vmem>>
    %dma_start3A_13 = arith.constant 0 : i32
    %dma_start3A_14 = tpu.memref_slice %arg2[%add3A_8, %dma_start3A_13] : memref<12500x128xi32, #tpu.memory_space<hbm>> -> memref<4x128xi32, #tpu.memory_space<hbm>>
    %dma_start3A_15 = arith.constant 0 : i32
    %dma_start3A_16 = arith.constant 0 : i32
    %dma_start3A_17 = tpu.memref_slice %arg14[%dma_start3A, %dma_start3A_15, %dma_start3A_16] : memref<4x4x128xi32, #tpu.memory_space<vmem>> -> memref<1x4x128xi32, #tpu.memory_space<vmem>>
    %dma_start3A_18 = tpu.memref_squeeze %dma_start3A_17 : memref<1x4x128xi32, #tpu.memory_space<vmem>> -> memref<4x128xi32, #tpu.memory_space<vmem>>
    %dma_start3A_19 = arith.constant 0 : i32
    %dma_start3A_20 = tpu.memref_slice %arg2[%add3A_8, %dma_start3A_19] : memref<12500x128xi32, #tpu.memory_space<hbm>> -> memref<4x128xi32, #tpu.memory_space<hbm>>
    tpu.enqueue_dma source(%dma_start3A_20 : memref<4x128xi32, #tpu.memory_space<hbm>>) target(%dma_start3A_18 : memref<4x128xi32, #tpu.memory_space<vmem>>) target_semaphore(%arg20 : memref<!tpu.dma_semaphore, #tpu.memory_space<semaphore_mem>>)
    %dma_start3A_21 = arith.constant 0 : i32
    %dma_start3A_22 = arith.constant 0 : i32
    %dma_start3A_23 = arith.constant 0 : i32
    %dma_start3A_24 = tpu.memref_slice %arg15[%dma_start3A_21, %dma_start3A_22, %dma_start3A_23] : memref<4x4x128xi32, #tpu.memory_space<vmem>> -> memref<1x4x128xi32, #tpu.memory_space<vmem>>
    %dma_start3A_25 = tpu.memref_squeeze %dma_start3A_24 : memref<1x4x128xi32, #tpu.memory_space<vmem>> -> memref<4x128xi32, #tpu.memory_space<vmem>>
    %dma_start3A_26 = arith.constant 0 : i32
    %dma_start3A_27 = tpu.memref_slice %arg3[%add3A_8, %dma_start3A_26] : memref<12500x128xi32, #tpu.memory_space<hbm>> -> memref<4x128xi32, #tpu.memory_space<hbm>>
    %dma_start3A_28 = arith.constant 0 : i32
    %dma_start3A_29 = arith.constant 0 : i32
    %dma_start3A_30 = tpu.memref_slice %arg15[%dma_start3A_21, %dma_start3A_28, %dma_start3A_29] : memref<4x4x128xi32, #tpu.memory_space<vmem>> -> memref<1x4x128xi32, #tpu.memory_space<vmem>>
    %dma_start3A_31 = tpu.memref_squeeze %dma_start3A_30 : memref<1x4x128xi32, #tpu.memory_space<vmem>> -> memref<4x128xi32, #tpu.memory_space<vmem>>
    %dma_start3A_32 = arith.constant 0 : i32
    %dma_start3A_33 = tpu.memref_slice %arg3[%add3A_8, %dma_start3A_32] : memref<12500x128xi32, #tpu.memory_space<hbm>> -> memref<4x128xi32, #tpu.memory_space<hbm>>
    tpu.enqueue_dma source(%dma_start3A_33 : memref<4x128xi32, #tpu.memory_space<hbm>>) target(%dma_start3A_31 : memref<4x128xi32, #tpu.memory_space<vmem>>) target_semaphore(%arg20 : memref<!tpu.dma_semaphore, #tpu.memory_space<semaphore_mem>>)
    %scan3A = arith.constant 0 : i32
    %scan3A_34 = arith.constant 0 : i32
    %scan3A_35 = arith.constant 195 : i32
    %scan3A_36 = arith.addi %scan3A_34, %scan3A_35 : i32
    %scan3A_37 = arith.constant 1 : i32
    scf.for %scan3A_134 = %scan3A_34 to %scan3A_36 step %scan3A_37  : i32 {
      %rem3A = arith.constant 4 : i32
      %rem3A_135 = arith.remsi %scan3A_134, %rem3A : i32
      %dma_wait3A_136 = arith.constant 0 : i32
      %dma_wait3A_137 = arith.constant 0 : i32
      %dma_wait3A_138 = tpu.memref_slice %arg14[%rem3A_135, %dma_wait3A_136, %dma_wait3A_137] : memref<4x4x128xi32, #tpu.memory_space<vmem>> -> memref<1x4x128xi32, #tpu.memory_space<vmem>>
      %dma_wait3A_139 = tpu.memref_squeeze %dma_wait3A_138 : memref<1x4x128xi32, #tpu.memory_space<vmem>> -> memref<4x128xi32, #tpu.memory_space<vmem>>
      %dma_wait3A_140 = arith.constant 0 : i32
      %dma_wait3A_141 = arith.constant 0 : i32
      %dma_wait3A_142 = tpu.memref_slice %arg2[%dma_wait3A_140, %dma_wait3A_141] : memref<12500x128xi32, #tpu.memory_space<hbm>> -> memref<4x128xi32, #tpu.memory_space<hbm>>
      %dma_wait3A_143 = arith.constant 0 : i32
      %dma_wait3A_144 = arith.constant 0 : i32
      %dma_wait3A_145 = tpu.memref_slice %arg14[%rem3A_135, %dma_wait3A_143, %dma_wait3A_144] : memref<4x4x128xi32, #tpu.memory_space<vmem>> -> memref<1x4x128xi32, #tpu.memory_space<vmem>>
      %dma_wait3A_146 = tpu.memref_squeeze %dma_wait3A_145 : memref<1x4x128xi32, #tpu.memory_space<vmem>> -> memref<4x128xi32, #tpu.memory_space<vmem>>
      %dma_wait3A_147 = arith.constant 0 : i32
      %dma_wait3A_148 = arith.constant 0 : i32
      %dma_wait3A_149 = tpu.memref_slice %arg2[%dma_wait3A_147, %dma_wait3A_148] : memref<12500x128xi32, #tpu.memory_space<hbm>> -> memref<4x128xi32, #tpu.memory_space<hbm>>
      tpu.wait_dma2 semaphore(%arg20 : memref<!tpu.dma_semaphore, #tpu.memory_space<semaphore_mem>>) src(%dma_wait3A_149 : memref<4x128xi32, #tpu.memory_space<hbm>>) dst(%dma_wait3A_146 : memref<4x128xi32, #tpu.memory_space<vmem>>)
      %dma_wait3A_150 = arith.constant 0 : i32
      %dma_wait3A_151 = arith.constant 0 : i32
      %dma_wait3A_152 = tpu.memref_slice %arg15[%rem3A_135, %dma_wait3A_150, %dma_wait3A_151] : memref<4x4x128xi32, #tpu.memory_space<vmem>> -> memref<1x4x128xi32, #tpu.memory_space<vmem>>
      %dma_wait3A_153 = tpu.memref_squeeze %dma_wait3A_152 : memref<1x4x128xi32, #tpu.memory_space<vmem>> -> memref<4x128xi32, #tpu.memory_space<vmem>>
      %dma_wait3A_154 = arith.constant 0 : i32
      %dma_wait3A_155 = arith.constant 0 : i32
      %dma_wait3A_156 = tpu.memref_slice %arg3[%dma_wait3A_154, %dma_wait3A_155] : memref<12500x128xi32, #tpu.memory_space<hbm>> -> memref<4x128xi32, #tpu.memory_space<hbm>>
      %dma_wait3A_157 = arith.constant 0 : i32
      %dma_wait3A_158 = arith.constant 0 : i32
      %dma_wait3A_159 = tpu.memref_slice %arg15[%rem3A_135, %dma_wait3A_157, %dma_wait3A_158] : memref<4x4x128xi32, #tpu.memory_space<vmem>> -> memref<1x4x128xi32, #tpu.memory_space<vmem>>
      %dma_wait3A_160 = tpu.memref_squeeze %dma_wait3A_159 : memref<1x4x128xi32, #tpu.memory_space<vmem>> -> memref<4x128xi32, #tpu.memory_space<vmem>>
      %dma_wait3A_161 = arith.constant 0 : i32
      %dma_wait3A_162 = arith.constant 0 : i32
      %dma_wait3A_163 = tpu.memref_slice %arg3[%dma_wait3A_161, %dma_wait3A_162] : memref<12500x128xi32, #tpu.memory_space<hbm>> -> memref<4x128xi32, #tpu.memory_space<hbm>>
      tpu.wait_dma2 semaphore(%arg20 : memref<!tpu.dma_semaphore, #tpu.memory_space<semaphore_mem>>) src(%dma_wait3A_163 : memref<4x128xi32, #tpu.memory_space<hbm>>) dst(%dma_wait3A_160 : memref<4x128xi32, #tpu.memory_space<vmem>>)
      %add3A_164 = arith.constant 1 : i32
      %add3A_165 = arith.addi %scan3A_134, %add3A_164 : i32
      %lt3A_166 = arith.constant 195 : i32
      %lt3A_167 = arith.cmpi slt, %add3A_165, %lt3A_166 : i32
      %convert_element_type3A_168 = arith.extui %lt3A_167 : i1 to i32
      %cond3A_169 = arith.constant 0 : i32
      %cond3A_170 = arith.cmpi ne, %convert_element_type3A_168, %cond3A_169 : i32
      scf.if %cond3A_170 {
        %add3A_210 = arith.constant 1 : i32
        %add3A_211 = arith.addi %scan3A_134, %add3A_210 : i32
        %add3A_212 = arith.constant 1 : i32
        %add3A_213 = arith.addi %scan3A_134, %add3A_212 : i32
        %rem3A_214 = arith.constant 4 : i32
        %rem3A_215 = arith.remsi %add3A_213, %rem3A_214 : i32
        %mul3A_216 = arith.constant 781 : i32
        %mul3A_217 = arith.muli %arg1, %mul3A_216 : i32
        %mul3A_218 = arith.constant 4 : i32
        %mul3A_219 = arith.muli %add3A_211, %mul3A_218 : i32
        %add3A_220 = arith.addi %mul3A_217, %mul3A_219 : i32
        %dma_start3A_221 = arith.constant 0 : i32
        %dma_start3A_222 = arith.constant 0 : i32
        %dma_start3A_223 = tpu.memref_slice %arg14[%rem3A_215, %dma_start3A_221, %dma_start3A_222] : memref<4x4x128xi32, #tpu.memory_space<vmem>> -> memref<1x4x128xi32, #tpu.memory_space<vmem>>
        %dma_start3A_224 = tpu.memref_squeeze %dma_start3A_223 : memref<1x4x128xi32, #tpu.memory_space<vmem>> -> memref<4x128xi32, #tpu.memory_space<vmem>>
        %dma_start3A_225 = arith.constant 0 : i32
        %dma_start3A_226 = tpu.memref_slice %arg2[%add3A_220, %dma_start3A_225] : memref<12500x128xi32, #tpu.memory_space<hbm>> -> memref<4x128xi32, #tpu.memory_space<hbm>>
        %dma_start3A_227 = arith.constant 0 : i32
        %dma_start3A_228 = arith.constant 0 : i32
        %dma_start3A_229 = tpu.memref_slice %arg14[%rem3A_215, %dma_start3A_227, %dma_start3A_228] : memref<4x4x128xi32, #tpu.memory_space<vmem>> -> memref<1x4x128xi32, #tpu.memory_space<vmem>>
        %dma_start3A_230 = tpu.memref_squeeze %dma_start3A_229 : memref<1x4x128xi32, #tpu.memory_space<vmem>> -> memref<4x128xi32, #tpu.memory_space<vmem>>
        %dma_start3A_231 = arith.constant 0 : i32
        %dma_start3A_232 = tpu.memref_slice %arg2[%add3A_220, %dma_start3A_231] : memref<12500x128xi32, #tpu.memory_space<hbm>> -> memref<4x128xi32, #tpu.memory_space<hbm>>
        tpu.enqueue_dma source(%dma_start3A_232 : memref<4x128xi32, #tpu.memory_space<hbm>>) target(%dma_start3A_230 : memref<4x128xi32, #tpu.memory_space<vmem>>) target_semaphore(%arg20 : memref<!tpu.dma_semaphore, #tpu.memory_space<semaphore_mem>>)
        %dma_start3A_233 = arith.constant 0 : i32
        %dma_start3A_234 = arith.constant 0 : i32
        %dma_start3A_235 = tpu.memref_slice %arg15[%rem3A_215, %dma_start3A_233, %dma_start3A_234] : memref<4x4x128xi32, #tpu.memory_space<vmem>> -> memref<1x4x128xi32, #tpu.memory_space<vmem>>
        %dma_start3A_236 = tpu.memref_squeeze %dma_start3A_235 : memref<1x4x128xi32, #tpu.memory_space<vmem>> -> memref<4x128xi32, #tpu.memory_space<vmem>>
        %dma_start3A_237 = arith.constant 0 : i32
        %dma_start3A_238 = tpu.memref_slice %arg3[%add3A_220, %dma_start3A_237] : memref<12500x128xi32, #tpu.memory_space<hbm>> -> memref<4x128xi32, #tpu.memory_space<hbm>>
        %dma_start3A_239 = arith.constant 0 : i32
        %dma_start3A_240 = arith.constant 0 : i32
        %dma_start3A_241 = tpu.memref_slice %arg15[%rem3A_215, %dma_start3A_239, %dma_start3A_240] : memref<4x4x128xi32, #tpu.memory_space<vmem>> -> memref<1x4x128xi32, #tpu.memory_space<vmem>>
        %dma_start3A_242 = tpu.memref_squeeze %dma_start3A_241 : memref<1x4x128xi32, #tpu.memory_space<vmem>> -> memref<4x128xi32, #tpu.memory_space<vmem>>
        %dma_start3A_243 = arith.constant 0 : i32
        %dma_start3A_244 = tpu.memref_slice %arg3[%add3A_220, %dma_start3A_243] : memref<12500x128xi32, #tpu.memory_space<hbm>> -> memref<4x128xi32, #tpu.memory_space<hbm>>
        tpu.enqueue_dma source(%dma_start3A_244 : memref<4x128xi32, #tpu.memory_space<hbm>>) target(%dma_start3A_242 : memref<4x128xi32, #tpu.memory_space<vmem>>) target_semaphore(%arg20 : memref<!tpu.dma_semaphore, #tpu.memory_space<semaphore_mem>>)
      } else {
      }
      %ge3A = arith.constant 1 : i32
      %ge3A_171 = arith.cmpi sge, %scan3A_134, %ge3A : i32
      %convert_element_type3A_172 = arith.extui %ge3A_171 : i1 to i32
      %cond3A_173 = arith.constant 0 : i32
      %cond3A_174 = arith.cmpi ne, %convert_element_type3A_172, %cond3A_173 : i32
      scf.if %cond3A_174 {
        %dma_wait3A_210 = arith.constant 0 : i32
        %dma_wait3A_211 = arith.constant 0 : i32
        %dma_wait3A_212 = arith.constant 0 : i32
        %dma_wait3A_213 = arith.constant 0 : i32
        %dma_wait3A_214 = tpu.memref_slice %arg16[%dma_wait3A_210, %dma_wait3A_212, %dma_wait3A_213] : memref<4x128x16xf32, #tpu.memory_space<vmem>> -> memref<1x128x16xf32, #tpu.memory_space<vmem>>
        %dma_wait3A_215 = tpu.memref_squeeze %dma_wait3A_214 : memref<1x128x16xf32, #tpu.memory_space<vmem>> -> memref<128x16xf32, #tpu.memory_space<vmem>>
        %dma_wait3A_216 = arith.constant 0 : i32
        %dma_wait3A_217 = tpu.memref_slice %arg15[%rem3A_135, %dma_wait3A_211, %dma_wait3A_216] : memref<4x4x128xi32, #tpu.memory_space<vmem>> -> memref<1x1x128xi32, #tpu.memory_space<vmem>>
        %dma_wait3A_218 = tpu.memref_squeeze %dma_wait3A_217 : memref<1x1x128xi32, #tpu.memory_space<vmem>> -> memref<128xi32, #tpu.memory_space<vmem>>
        %dma_wait3A_219 = arith.constant 0 : i32
        %dma_wait3A_220 = arith.constant 0 : i32
        %dma_wait3A_221 = tpu.memref_slice %arg11[%dma_wait3A_219, %dma_wait3A_220] : memref<100352x16xf32, #tpu.memory_space<vmem_shared>> -> memref<100352x16xf32, #tpu.memory_space<vmem_shared>>
        tpu.wait_indirect_dma semaphore(%arg19 : memref<!tpu.dma_semaphore, #tpu.memory_space<semaphore_mem>>) src(%dma_wait3A_215 : memref<128x16xf32, #tpu.memory_space<vmem>>) dst(%dma_wait3A_221 : memref<100352x16xf32, #tpu.memory_space<vmem_shared>>)
        %dma_wait3A_222 = arith.constant 1 : i32
        %dma_wait3A_223 = arith.constant 1 : i32
        %dma_wait3A_224 = arith.constant 0 : i32
        %dma_wait3A_225 = arith.constant 0 : i32
        %dma_wait3A_226 = tpu.memref_slice %arg16[%dma_wait3A_222, %dma_wait3A_224, %dma_wait3A_225] : memref<4x128x16xf32, #tpu.memory_space<vmem>> -> memref<1x128x16xf32, #tpu.memory_space<vmem>>
        %dma_wait3A_227 = tpu.memref_squeeze %dma_wait3A_226 : memref<1x128x16xf32, #tpu.memory_space<vmem>> -> memref<128x16xf32, #tpu.memory_space<vmem>>
        %dma_wait3A_228 = arith.constant 0 : i32
        %dma_wait3A_229 = tpu.memref_slice %arg15[%rem3A_135, %dma_wait3A_223, %dma_wait3A_228] : memref<4x4x128xi32, #tpu.memory_space<vmem>> -> memref<1x1x128xi32, #tpu.memory_space<vmem>>
        %dma_wait3A_230 = tpu.memref_squeeze %dma_wait3A_229 : memref<1x1x128xi32, #tpu.memory_space<vmem>> -> memref<128xi32, #tpu.memory_space<vmem>>
        %dma_wait3A_231 = arith.constant 0 : i32
        %dma_wait3A_232 = arith.constant 0 : i32
        %dma_wait3A_233 = tpu.memref_slice %arg11[%dma_wait3A_231, %dma_wait3A_232] : memref<100352x16xf32, #tpu.memory_space<vmem_shared>> -> memref<100352x16xf32, #tpu.memory_space<vmem_shared>>
        tpu.wait_indirect_dma semaphore(%arg19 : memref<!tpu.dma_semaphore, #tpu.memory_space<semaphore_mem>>) src(%dma_wait3A_227 : memref<128x16xf32, #tpu.memory_space<vmem>>) dst(%dma_wait3A_233 : memref<100352x16xf32, #tpu.memory_space<vmem_shared>>)
        %dma_wait3A_234 = arith.constant 2 : i32
        %dma_wait3A_235 = arith.constant 2 : i32
        %dma_wait3A_236 = arith.constant 0 : i32
        %dma_wait3A_237 = arith.constant 0 : i32
        %dma_wait3A_238 = tpu.memref_slice %arg16[%dma_wait3A_234, %dma_wait3A_236, %dma_wait3A_237] : memref<4x128x16xf32, #tpu.memory_space<vmem>> -> memref<1x128x16xf32, #tpu.memory_space<vmem>>
        %dma_wait3A_239 = tpu.memref_squeeze %dma_wait3A_238 : memref<1x128x16xf32, #tpu.memory_space<vmem>> -> memref<128x16xf32, #tpu.memory_space<vmem>>
        %dma_wait3A_240 = arith.constant 0 : i32
        %dma_wait3A_241 = tpu.memref_slice %arg15[%rem3A_135, %dma_wait3A_235, %dma_wait3A_240] : memref<4x4x128xi32, #tpu.memory_space<vmem>> -> memref<1x1x128xi32, #tpu.memory_space<vmem>>
        %dma_wait3A_242 = tpu.memref_squeeze %dma_wait3A_241 : memref<1x1x128xi32, #tpu.memory_space<vmem>> -> memref<128xi32, #tpu.memory_space<vmem>>
        %dma_wait3A_243 = arith.constant 0 : i32
        %dma_wait3A_244 = arith.constant 0 : i32
        %dma_wait3A_245 = tpu.memref_slice %arg11[%dma_wait3A_243, %dma_wait3A_244] : memref<100352x16xf32, #tpu.memory_space<vmem_shared>> -> memref<100352x16xf32, #tpu.memory_space<vmem_shared>>
        tpu.wait_indirect_dma semaphore(%arg19 : memref<!tpu.dma_semaphore, #tpu.memory_space<semaphore_mem>>) src(%dma_wait3A_239 : memref<128x16xf32, #tpu.memory_space<vmem>>) dst(%dma_wait3A_245 : memref<100352x16xf32, #tpu.memory_space<vmem_shared>>)
        %dma_wait3A_246 = arith.constant 3 : i32
        %dma_wait3A_247 = arith.constant 3 : i32
        %dma_wait3A_248 = arith.constant 0 : i32
        %dma_wait3A_249 = arith.constant 0 : i32
        %dma_wait3A_250 = tpu.memref_slice %arg16[%dma_wait3A_246, %dma_wait3A_248, %dma_wait3A_249] : memref<4x128x16xf32, #tpu.memory_space<vmem>> -> memref<1x128x16xf32, #tpu.memory_space<vmem>>
        %dma_wait3A_251 = tpu.memref_squeeze %dma_wait3A_250 : memref<1x128x16xf32, #tpu.memory_space<vmem>> -> memref<128x16xf32, #tpu.memory_space<vmem>>
        %dma_wait3A_252 = arith.constant 0 : i32
        %dma_wait3A_253 = tpu.memref_slice %arg15[%rem3A_135, %dma_wait3A_247, %dma_wait3A_252] : memref<4x4x128xi32, #tpu.memory_space<vmem>> -> memref<1x1x128xi32, #tpu.memory_space<vmem>>
        %dma_wait3A_254 = tpu.memref_squeeze %dma_wait3A_253 : memref<1x1x128xi32, #tpu.memory_space<vmem>> -> memref<128xi32, #tpu.memory_space<vmem>>
        %dma_wait3A_255 = arith.constant 0 : i32
        %dma_wait3A_256 = arith.constant 0 : i32
        %dma_wait3A_257 = tpu.memref_slice %arg11[%dma_wait3A_255, %dma_wait3A_256] : memref<100352x16xf32, #tpu.memory_space<vmem_shared>> -> memref<100352x16xf32, #tpu.memory_space<vmem_shared>>
        tpu.wait_indirect_dma semaphore(%arg19 : memref<!tpu.dma_semaphore, #tpu.memory_space<semaphore_mem>>) src(%dma_wait3A_251 : memref<128x16xf32, #tpu.memory_space<vmem>>) dst(%dma_wait3A_257 : memref<100352x16xf32, #tpu.memory_space<vmem_shared>>)
      } else {
      }
      %ge3A_175 = arith.constant 1 : i32
      %ge3A_176 = arith.cmpi sge, %scan3A_134, %ge3A_175 : i32
      %sub3A = arith.constant 1 : i32
      %sub3A_177 = arith.subi %scan3A_134, %sub3A : i32
      %lt3A_178 = arith.constant 98 : i32
      %lt3A_179 = arith.cmpi slt, %sub3A_177, %lt3A_178 : i32
      %ne3A = arith.constant 0 : i32
      %ne3A_180 = arith.cmpi ne, %arg0, %ne3A : i32
      %xor3A = arith.xori %lt3A_179, %ne3A_180 : i1
      %and3A = arith.andi %ge3A_176, %xor3A : i1
      %convert_element_type3A_181 = arith.extui %and3A : i1 to i32
      %cond3A_182 = arith.constant 0 : i32
      %cond3A_183 = arith.cmpi ne, %convert_element_type3A_181, %cond3A_182 : i32
      scf.if %cond3A_183 {
        %dma_wait3A_210 = arith.constant 0 : i32
        %dma_wait3A_211 = arith.constant 0 : i32
        %dma_wait3A_212 = arith.constant 0 : i32
        %dma_wait3A_213 = tpu.memref_slice %arg17[%dma_wait3A_210, %dma_wait3A_212] : memref<4x128xf32, #tpu.memory_space<vmem>> -> memref<1x128xf32, #tpu.memory_space<vmem>>
        %dma_wait3A_214 = tpu.memref_squeeze %dma_wait3A_213 : memref<1x128xf32, #tpu.memory_space<vmem>> -> memref<128xf32, #tpu.memory_space<vmem>>
        %dma_wait3A_215 = arith.constant 0 : i32
        %dma_wait3A_216 = tpu.memref_slice %arg14[%rem3A_135, %dma_wait3A_211, %dma_wait3A_215] : memref<4x4x128xi32, #tpu.memory_space<vmem>> -> memref<1x1x128xi32, #tpu.memory_space<vmem>>
        %dma_wait3A_217 = tpu.memref_squeeze %dma_wait3A_216 : memref<1x1x128xi32, #tpu.memory_space<vmem>> -> memref<128xi32, #tpu.memory_space<vmem>>
        %dma_wait3A_218 = arith.constant 0 : i32
        %dma_wait3A_219 = tpu.memref_slice %arg12[%dma_wait3A_218] : memref<100352xf32, #tpu.memory_space<vmem_shared>> -> memref<100352xf32, #tpu.memory_space<vmem_shared>>
        tpu.wait_indirect_dma semaphore(%arg22 : memref<!tpu.dma_semaphore, #tpu.memory_space<semaphore_mem>>) src(%dma_wait3A_214 : memref<128xf32, #tpu.memory_space<vmem>>) dst(%dma_wait3A_219 : memref<100352xf32, #tpu.memory_space<vmem_shared>>)
        %dma_wait3A_220 = arith.constant 1 : i32
        %dma_wait3A_221 = arith.constant 1 : i32
        %dma_wait3A_222 = arith.constant 0 : i32
        %dma_wait3A_223 = tpu.memref_slice %arg17[%dma_wait3A_220, %dma_wait3A_222] : memref<4x128xf32, #tpu.memory_space<vmem>> -> memref<1x128xf32, #tpu.memory_space<vmem>>
        %dma_wait3A_224 = tpu.memref_squeeze %dma_wait3A_223 : memref<1x128xf32, #tpu.memory_space<vmem>> -> memref<128xf32, #tpu.memory_space<vmem>>
        %dma_wait3A_225 = arith.constant 0 : i32
        %dma_wait3A_226 = tpu.memref_slice %arg14[%rem3A_135, %dma_wait3A_221, %dma_wait3A_225] : memref<4x4x128xi32, #tpu.memory_space<vmem>> -> memref<1x1x128xi32, #tpu.memory_space<vmem>>
        %dma_wait3A_227 = tpu.memref_squeeze %dma_wait3A_226 : memref<1x1x128xi32, #tpu.memory_space<vmem>> -> memref<128xi32, #tpu.memory_space<vmem>>
        %dma_wait3A_228 = arith.constant 0 : i32
        %dma_wait3A_229 = tpu.memref_slice %arg12[%dma_wait3A_228] : memref<100352xf32, #tpu.memory_space<vmem_shared>> -> memref<100352xf32, #tpu.memory_space<vmem_shared>>
        tpu.wait_indirect_dma semaphore(%arg22 : memref<!tpu.dma_semaphore, #tpu.memory_space<semaphore_mem>>) src(%dma_wait3A_224 : memref<128xf32, #tpu.memory_space<vmem>>) dst(%dma_wait3A_229 : memref<100352xf32, #tpu.memory_space<vmem_shared>>)
        %dma_wait3A_230 = arith.constant 2 : i32
        %dma_wait3A_231 = arith.constant 2 : i32
        %dma_wait3A_232 = arith.constant 0 : i32
        %dma_wait3A_233 = tpu.memref_slice %arg17[%dma_wait3A_230, %dma_wait3A_232] : memref<4x128xf32, #tpu.memory_space<vmem>> -> memref<1x128xf32, #tpu.memory_space<vmem>>
        %dma_wait3A_234 = tpu.memref_squeeze %dma_wait3A_233 : memref<1x128xf32, #tpu.memory_space<vmem>> -> memref<128xf32, #tpu.memory_space<vmem>>
        %dma_wait3A_235 = arith.constant 0 : i32
        %dma_wait3A_236 = tpu.memref_slice %arg14[%rem3A_135, %dma_wait3A_231, %dma_wait3A_235] : memref<4x4x128xi32, #tpu.memory_space<vmem>> -> memref<1x1x128xi32, #tpu.memory_space<vmem>>
        %dma_wait3A_237 = tpu.memref_squeeze %dma_wait3A_236 : memref<1x1x128xi32, #tpu.memory_space<vmem>> -> memref<128xi32, #tpu.memory_space<vmem>>
        %dma_wait3A_238 = arith.constant 0 : i32
        %dma_wait3A_239 = tpu.memref_slice %arg12[%dma_wait3A_238] : memref<100352xf32, #tpu.memory_space<vmem_shared>> -> memref<100352xf32, #tpu.memory_space<vmem_shared>>
        tpu.wait_indirect_dma semaphore(%arg22 : memref<!tpu.dma_semaphore, #tpu.memory_space<semaphore_mem>>) src(%dma_wait3A_234 : memref<128xf32, #tpu.memory_space<vmem>>) dst(%dma_wait3A_239 : memref<100352xf32, #tpu.memory_space<vmem_shared>>)
        %dma_wait3A_240 = arith.constant 3 : i32
        %dma_wait3A_241 = arith.constant 3 : i32
        %dma_wait3A_242 = arith.constant 0 : i32
        %dma_wait3A_243 = tpu.memref_slice %arg17[%dma_wait3A_240, %dma_wait3A_242] : memref<4x128xf32, #tpu.memory_space<vmem>> -> memref<1x128xf32, #tpu.memory_space<vmem>>
        %dma_wait3A_244 = tpu.memref_squeeze %dma_wait3A_243 : memref<1x128xf32, #tpu.memory_space<vmem>> -> memref<128xf32, #tpu.memory_space<vmem>>
        %dma_wait3A_245 = arith.constant 0 : i32
        %dma_wait3A_246 = tpu.memref_slice %arg14[%rem3A_135, %dma_wait3A_241, %dma_wait3A_245] : memref<4x4x128xi32, #tpu.memory_space<vmem>> -> memref<1x1x128xi32, #tpu.memory_space<vmem>>
        %dma_wait3A_247 = tpu.memref_squeeze %dma_wait3A_246 : memref<1x1x128xi32, #tpu.memory_space<vmem>> -> memref<128xi32, #tpu.memory_space<vmem>>
        %dma_wait3A_248 = arith.constant 0 : i32
        %dma_wait3A_249 = tpu.memref_slice %arg12[%dma_wait3A_248] : memref<100352xf32, #tpu.memory_space<vmem_shared>> -> memref<100352xf32, #tpu.memory_space<vmem_shared>>
        tpu.wait_indirect_dma semaphore(%arg22 : memref<!tpu.dma_semaphore, #tpu.memory_space<semaphore_mem>>) src(%dma_wait3A_244 : memref<128xf32, #tpu.memory_space<vmem>>) dst(%dma_wait3A_249 : memref<100352xf32, #tpu.memory_space<vmem_shared>>)
      } else {
      }
      %lt3A_184 = arith.constant 98 : i32
      %lt3A_185 = arith.cmpi slt, %scan3A_134, %lt3A_184 : i32
      %ne3A_186 = arith.constant 0 : i32
      %ne3A_187 = arith.cmpi ne, %arg0, %ne3A_186 : i32
      %xor3A_188 = arith.xori %lt3A_185, %ne3A_187 : i1
      %convert_element_type3A_189 = arith.extui %xor3A_188 : i1 to i32
      %cond3A_190 = arith.constant 0 : i32
      %cond3A_191 = arith.cmpi ne, %convert_element_type3A_189, %cond3A_190 : i32
      scf.if %cond3A_191 {
        %dma_start3A_210 = arith.constant 0 : i32
        %dma_start3A_211 = arith.constant 0 : i32
        %dma_start3A_212 = arith.constant 0 : i32
        %dma_start3A_213 = tpu.memref_slice %arg17[%dma_start3A_211, %dma_start3A_212] : memref<4x128xf32, #tpu.memory_space<vmem>> -> memref<1x128xf32, #tpu.memory_space<vmem>>
        %dma_start3A_214 = tpu.memref_squeeze %dma_start3A_213 : memref<1x128xf32, #tpu.memory_space<vmem>> -> memref<128xf32, #tpu.memory_space<vmem>>
        %dma_start3A_215 = arith.constant 0 : i32
        %dma_start3A_216 = tpu.memref_slice %arg15[%rem3A_135, %dma_start3A_210, %dma_start3A_215] : memref<4x4x128xi32, #tpu.memory_space<vmem>> -> memref<1x1x128xi32, #tpu.memory_space<vmem>>
        %dma_start3A_217 = tpu.memref_squeeze %dma_start3A_216 : memref<1x1x128xi32, #tpu.memory_space<vmem>> -> memref<128xi32, #tpu.memory_space<vmem>>
        %dma_start3A_218 = arith.constant 0 : i32
        %dma_start3A_219 = tpu.memref_slice %arg13[%dma_start3A_218] : memref<100352xf32, #tpu.memory_space<vmem_shared>> -> memref<100352xf32, #tpu.memory_space<vmem_shared>>
        tpu.enqueue_indirect_dma source(%dma_start3A_219 : memref<100352xf32, #tpu.memory_space<vmem_shared>>) target(%dma_start3A_214 : memref<128xf32, #tpu.memory_space<vmem>>) offsets(%dma_start3A_217 : memref<128xi32, #tpu.memory_space<vmem>>) semaphore(%arg21 : memref<!tpu.dma_semaphore, #tpu.memory_space<semaphore_mem>>)
        %dma_start3A_220 = arith.constant 1 : i32
        %dma_start3A_221 = arith.constant 1 : i32
        %dma_start3A_222 = arith.constant 0 : i32
        %dma_start3A_223 = tpu.memref_slice %arg17[%dma_start3A_221, %dma_start3A_222] : memref<4x128xf32, #tpu.memory_space<vmem>> -> memref<1x128xf32, #tpu.memory_space<vmem>>
        %dma_start3A_224 = tpu.memref_squeeze %dma_start3A_223 : memref<1x128xf32, #tpu.memory_space<vmem>> -> memref<128xf32, #tpu.memory_space<vmem>>
        %dma_start3A_225 = arith.constant 0 : i32
        %dma_start3A_226 = tpu.memref_slice %arg15[%rem3A_135, %dma_start3A_220, %dma_start3A_225] : memref<4x4x128xi32, #tpu.memory_space<vmem>> -> memref<1x1x128xi32, #tpu.memory_space<vmem>>
        %dma_start3A_227 = tpu.memref_squeeze %dma_start3A_226 : memref<1x1x128xi32, #tpu.memory_space<vmem>> -> memref<128xi32, #tpu.memory_space<vmem>>
        %dma_start3A_228 = arith.constant 0 : i32
        %dma_start3A_229 = tpu.memref_slice %arg13[%dma_start3A_228] : memref<100352xf32, #tpu.memory_space<vmem_shared>> -> memref<100352xf32, #tpu.memory_space<vmem_shared>>
        tpu.enqueue_indirect_dma source(%dma_start3A_229 : memref<100352xf32, #tpu.memory_space<vmem_shared>>) target(%dma_start3A_224 : memref<128xf32, #tpu.memory_space<vmem>>) offsets(%dma_start3A_227 : memref<128xi32, #tpu.memory_space<vmem>>) semaphore(%arg21 : memref<!tpu.dma_semaphore, #tpu.memory_space<semaphore_mem>>)
        %dma_start3A_230 = arith.constant 2 : i32
        %dma_start3A_231 = arith.constant 2 : i32
        %dma_start3A_232 = arith.constant 0 : i32
        %dma_start3A_233 = tpu.memref_slice %arg17[%dma_start3A_231, %dma_start3A_232] : memref<4x128xf32, #tpu.memory_space<vmem>> -> memref<1x128xf32, #tpu.memory_space<vmem>>
        %dma_start3A_234 = tpu.memref_squeeze %dma_start3A_233 : memref<1x128xf32, #tpu.memory_space<vmem>> -> memref<128xf32, #tpu.memory_space<vmem>>
        %dma_start3A_235 = arith.constant 0 : i32
        %dma_start3A_236 = tpu.memref_slice %arg15[%rem3A_135, %dma_start3A_230, %dma_start3A_235] : memref<4x4x128xi32, #tpu.memory_space<vmem>> -> memref<1x1x128xi32, #tpu.memory_space<vmem>>
        %dma_start3A_237 = tpu.memref_squeeze %dma_start3A_236 : memref<1x1x128xi32, #tpu.memory_space<vmem>> -> memref<128xi32, #tpu.memory_space<vmem>>
        %dma_start3A_238 = arith.constant 0 : i32
        %dma_start3A_239 = tpu.memref_slice %arg13[%dma_start3A_238] : memref<100352xf32, #tpu.memory_space<vmem_shared>> -> memref<100352xf32, #tpu.memory_space<vmem_shared>>
        tpu.enqueue_indirect_dma source(%dma_start3A_239 : memref<100352xf32, #tpu.memory_space<vmem_shared>>) target(%dma_start3A_234 : memref<128xf32, #tpu.memory_space<vmem>>) offsets(%dma_start3A_237 : memref<128xi32, #tpu.memory_space<vmem>>) semaphore(%arg21 : memref<!tpu.dma_semaphore, #tpu.memory_space<semaphore_mem>>)
        %dma_start3A_240 = arith.constant 3 : i32
        %dma_start3A_241 = arith.constant 3 : i32
        %dma_start3A_242 = arith.constant 0 : i32
        %dma_start3A_243 = tpu.memref_slice %arg17[%dma_start3A_241, %dma_start3A_242] : memref<4x128xf32, #tpu.memory_space<vmem>> -> memref<1x128xf32, #tpu.memory_space<vmem>>
        %dma_start3A_244 = tpu.memref_squeeze %dma_start3A_243 : memref<1x128xf32, #tpu.memory_space<vmem>> -> memref<128xf32, #tpu.memory_space<vmem>>
        %dma_start3A_245 = arith.constant 0 : i32
        %dma_start3A_246 = tpu.memref_slice %arg15[%rem3A_135, %dma_start3A_240, %dma_start3A_245] : memref<4x4x128xi32, #tpu.memory_space<vmem>> -> memref<1x1x128xi32, #tpu.memory_space<vmem>>
        %dma_start3A_247 = tpu.memref_squeeze %dma_start3A_246 : memref<1x1x128xi32, #tpu.memory_space<vmem>> -> memref<128xi32, #tpu.memory_space<vmem>>
        %dma_start3A_248 = arith.constant 0 : i32
        %dma_start3A_249 = tpu.memref_slice %arg13[%dma_start3A_248] : memref<100352xf32, #tpu.memory_space<vmem_shared>> -> memref<100352xf32, #tpu.memory_space<vmem_shared>>
        tpu.enqueue_indirect_dma source(%dma_start3A_249 : memref<100352xf32, #tpu.memory_space<vmem_shared>>) target(%dma_start3A_244 : memref<128xf32, #tpu.memory_space<vmem>>) offsets(%dma_start3A_247 : memref<128xi32, #tpu.memory_space<vmem>>) semaphore(%arg21 : memref<!tpu.dma_semaphore, #tpu.memory_space<semaphore_mem>>)
      } else {
      }
      %eq3A_192 = arith.constant 0 : i32
      %eq3A_193 = arith.cmpi eq, %arg0, %eq3A_192 : i32
      %convert_element_type3A_194 = arith.extui %eq3A_193 : i1 to i32
      %cond3A_195 = arith.constant 0 : i32
      %cond3A_196 = arith.cmpi ne, %convert_element_type3A_194, %cond3A_195 : i32
      scf.if %cond3A_196 {
        %dma_start3A_210 = arith.constant 0 : i32
        %dma_start3A_211 = arith.constant 0 : i32
        %dma_start3A_212 = arith.constant 0 : i32
        %dma_start3A_213 = arith.constant 0 : i32
        %dma_start3A_214 = tpu.memref_slice %arg16[%dma_start3A_211, %dma_start3A_212, %dma_start3A_213] : memref<4x128x16xf32, #tpu.memory_space<vmem>> -> memref<1x128x16xf32, #tpu.memory_space<vmem>>
        %dma_start3A_215 = tpu.memref_squeeze %dma_start3A_214 : memref<1x128x16xf32, #tpu.memory_space<vmem>> -> memref<128x16xf32, #tpu.memory_space<vmem>>
        %dma_start3A_216 = arith.constant 0 : i32
        %dma_start3A_217 = tpu.memref_slice %arg14[%rem3A_135, %dma_start3A_210, %dma_start3A_216] : memref<4x4x128xi32, #tpu.memory_space<vmem>> -> memref<1x1x128xi32, #tpu.memory_space<vmem>>
        %dma_start3A_218 = tpu.memref_squeeze %dma_start3A_217 : memref<1x1x128xi32, #tpu.memory_space<vmem>> -> memref<128xi32, #tpu.memory_space<vmem>>
        %dma_start3A_219 = arith.constant 0 : i32
        %dma_start3A_220 = arith.constant 0 : i32
        %dma_start3A_221 = tpu.memref_slice %arg4[%dma_start3A_219, %dma_start3A_220] : memref<100352x16xf32, #tpu.memory_space<hbm>> -> memref<100352x16xf32, #tpu.memory_space<hbm>>
        tpu.enqueue_indirect_dma source(%dma_start3A_221 : memref<100352x16xf32, #tpu.memory_space<hbm>>) target(%dma_start3A_215 : memref<128x16xf32, #tpu.memory_space<vmem>>) offsets(%dma_start3A_218 : memref<128xi32, #tpu.memory_space<vmem>>) semaphore(%arg18 : memref<!tpu.dma_semaphore, #tpu.memory_space<semaphore_mem>>)
        %dma_start3A_222 = arith.constant 1 : i32
        %dma_start3A_223 = arith.constant 1 : i32
        %dma_start3A_224 = arith.constant 0 : i32
        %dma_start3A_225 = arith.constant 0 : i32
        %dma_start3A_226 = tpu.memref_slice %arg16[%dma_start3A_223, %dma_start3A_224, %dma_start3A_225] : memref<4x128x16xf32, #tpu.memory_space<vmem>> -> memref<1x128x16xf32, #tpu.memory_space<vmem>>
        %dma_start3A_227 = tpu.memref_squeeze %dma_start3A_226 : memref<1x128x16xf32, #tpu.memory_space<vmem>> -> memref<128x16xf32, #tpu.memory_space<vmem>>
        %dma_start3A_228 = arith.constant 0 : i32
        %dma_start3A_229 = tpu.memref_slice %arg14[%rem3A_135, %dma_start3A_222, %dma_start3A_228] : memref<4x4x128xi32, #tpu.memory_space<vmem>> -> memref<1x1x128xi32, #tpu.memory_space<vmem>>
        %dma_start3A_230 = tpu.memref_squeeze %dma_start3A_229 : memref<1x1x128xi32, #tpu.memory_space<vmem>> -> memref<128xi32, #tpu.memory_space<vmem>>
        %dma_start3A_231 = arith.constant 0 : i32
        %dma_start3A_232 = arith.constant 0 : i32
        %dma_start3A_233 = tpu.memref_slice %arg4[%dma_start3A_231, %dma_start3A_232] : memref<100352x16xf32, #tpu.memory_space<hbm>> -> memref<100352x16xf32, #tpu.memory_space<hbm>>
        tpu.enqueue_indirect_dma source(%dma_start3A_233 : memref<100352x16xf32, #tpu.memory_space<hbm>>) target(%dma_start3A_227 : memref<128x16xf32, #tpu.memory_space<vmem>>) offsets(%dma_start3A_230 : memref<128xi32, #tpu.memory_space<vmem>>) semaphore(%arg18 : memref<!tpu.dma_semaphore, #tpu.memory_space<semaphore_mem>>)
        %dma_start3A_234 = arith.constant 2 : i32
        %dma_start3A_235 = arith.constant 2 : i32
        %dma_start3A_236 = arith.constant 0 : i32
        %dma_start3A_237 = arith.constant 0 : i32
        %dma_start3A_238 = tpu.memref_slice %arg16[%dma_start3A_235, %dma_start3A_236, %dma_start3A_237] : memref<4x128x16xf32, #tpu.memory_space<vmem>> -> memref<1x128x16xf32, #tpu.memory_space<vmem>>
        %dma_start3A_239 = tpu.memref_squeeze %dma_start3A_238 : memref<1x128x16xf32, #tpu.memory_space<vmem>> -> memref<128x16xf32, #tpu.memory_space<vmem>>
        %dma_start3A_240 = arith.constant 0 : i32
        %dma_start3A_241 = tpu.memref_slice %arg14[%rem3A_135, %dma_start3A_234, %dma_start3A_240] : memref<4x4x128xi32, #tpu.memory_space<vmem>> -> memref<1x1x128xi32, #tpu.memory_space<vmem>>
        %dma_start3A_242 = tpu.memref_squeeze %dma_start3A_241 : memref<1x1x128xi32, #tpu.memory_space<vmem>> -> memref<128xi32, #tpu.memory_space<vmem>>
        %dma_start3A_243 = arith.constant 0 : i32
        %dma_start3A_244 = arith.constant 0 : i32
        %dma_start3A_245 = tpu.memref_slice %arg4[%dma_start3A_243, %dma_start3A_244] : memref<100352x16xf32, #tpu.memory_space<hbm>> -> memref<100352x16xf32, #tpu.memory_space<hbm>>
        tpu.enqueue_indirect_dma source(%dma_start3A_245 : memref<100352x16xf32, #tpu.memory_space<hbm>>) target(%dma_start3A_239 : memref<128x16xf32, #tpu.memory_space<vmem>>) offsets(%dma_start3A_242 : memref<128xi32, #tpu.memory_space<vmem>>) semaphore(%arg18 : memref<!tpu.dma_semaphore, #tpu.memory_space<semaphore_mem>>)
        %dma_start3A_246 = arith.constant 3 : i32
        %dma_start3A_247 = arith.constant 3 : i32
        %dma_start3A_248 = arith.constant 0 : i32
        %dma_start3A_249 = arith.constant 0 : i32
        %dma_start3A_250 = tpu.memref_slice %arg16[%dma_start3A_247, %dma_start3A_248, %dma_start3A_249] : memref<4x128x16xf32, #tpu.memory_space<vmem>> -> memref<1x128x16xf32, #tpu.memory_space<vmem>>
        %dma_start3A_251 = tpu.memref_squeeze %dma_start3A_250 : memref<1x128x16xf32, #tpu.memory_space<vmem>> -> memref<128x16xf32, #tpu.memory_space<vmem>>
        %dma_start3A_252 = arith.constant 0 : i32
        %dma_start3A_253 = tpu.memref_slice %arg14[%rem3A_135, %dma_start3A_246, %dma_start3A_252] : memref<4x4x128xi32, #tpu.memory_space<vmem>> -> memref<1x1x128xi32, #tpu.memory_space<vmem>>
        %dma_start3A_254 = tpu.memref_squeeze %dma_start3A_253 : memref<1x1x128xi32, #tpu.memory_space<vmem>> -> memref<128xi32, #tpu.memory_space<vmem>>
        %dma_start3A_255 = arith.constant 0 : i32
        %dma_start3A_256 = arith.constant 0 : i32
        %dma_start3A_257 = tpu.memref_slice %arg4[%dma_start3A_255, %dma_start3A_256] : memref<100352x16xf32, #tpu.memory_space<hbm>> -> memref<100352x16xf32, #tpu.memory_space<hbm>>
        tpu.enqueue_indirect_dma source(%dma_start3A_257 : memref<100352x16xf32, #tpu.memory_space<hbm>>) target(%dma_start3A_251 : memref<128x16xf32, #tpu.memory_space<vmem>>) offsets(%dma_start3A_254 : memref<128xi32, #tpu.memory_space<vmem>>) semaphore(%arg18 : memref<!tpu.dma_semaphore, #tpu.memory_space<semaphore_mem>>)
        %dma_wait3A_258 = arith.constant 0 : i32
        %dma_wait3A_259 = arith.constant 0 : i32
        %dma_wait3A_260 = arith.constant 0 : i32
        %dma_wait3A_261 = arith.constant 0 : i32
        %dma_wait3A_262 = tpu.memref_slice %arg16[%dma_wait3A_259, %dma_wait3A_260, %dma_wait3A_261] : memref<4x128x16xf32, #tpu.memory_space<vmem>> -> memref<1x128x16xf32, #tpu.memory_space<vmem>>
        %dma_wait3A_263 = tpu.memref_squeeze %dma_wait3A_262 : memref<1x128x16xf32, #tpu.memory_space<vmem>> -> memref<128x16xf32, #tpu.memory_space<vmem>>
        %dma_wait3A_264 = arith.constant 0 : i32
        %dma_wait3A_265 = tpu.memref_slice %arg14[%rem3A_135, %dma_wait3A_258, %dma_wait3A_264] : memref<4x4x128xi32, #tpu.memory_space<vmem>> -> memref<1x1x128xi32, #tpu.memory_space<vmem>>
        %dma_wait3A_266 = tpu.memref_squeeze %dma_wait3A_265 : memref<1x1x128xi32, #tpu.memory_space<vmem>> -> memref<128xi32, #tpu.memory_space<vmem>>
        %dma_wait3A_267 = arith.constant 0 : i32
        %dma_wait3A_268 = arith.constant 0 : i32
        %dma_wait3A_269 = tpu.memref_slice %arg4[%dma_wait3A_267, %dma_wait3A_268] : memref<100352x16xf32, #tpu.memory_space<hbm>> -> memref<100352x16xf32, #tpu.memory_space<hbm>>
        tpu.wait_indirect_dma semaphore(%arg18 : memref<!tpu.dma_semaphore, #tpu.memory_space<semaphore_mem>>) src(%dma_wait3A_269 : memref<100352x16xf32, #tpu.memory_space<hbm>>) dst(%dma_wait3A_263 : memref<128x16xf32, #tpu.memory_space<vmem>>)
        %dma_start3A_270 = arith.constant 0 : i32
        %dma_start3A_271 = arith.constant 0 : i32
        %dma_start3A_272 = arith.constant 0 : i32
        %dma_start3A_273 = arith.constant 0 : i32
        %dma_start3A_274 = tpu.memref_slice %arg16[%dma_start3A_270, %dma_start3A_272, %dma_start3A_273] : memref<4x128x16xf32, #tpu.memory_space<vmem>> -> memref<1x128x16xf32, #tpu.memory_space<vmem>>
        %dma_start3A_275 = tpu.memref_squeeze %dma_start3A_274 : memref<1x128x16xf32, #tpu.memory_space<vmem>> -> memref<128x16xf32, #tpu.memory_space<vmem>>
        %dma_start3A_276 = arith.constant 0 : i32
        %dma_start3A_277 = tpu.memref_slice %arg15[%rem3A_135, %dma_start3A_271, %dma_start3A_276] : memref<4x4x128xi32, #tpu.memory_space<vmem>> -> memref<1x1x128xi32, #tpu.memory_space<vmem>>
        %dma_start3A_278 = tpu.memref_squeeze %dma_start3A_277 : memref<1x1x128xi32, #tpu.memory_space<vmem>> -> memref<128xi32, #tpu.memory_space<vmem>>
        %dma_start3A_279 = arith.constant 0 : i32
        %dma_start3A_280 = arith.constant 0 : i32
        %dma_start3A_281 = tpu.memref_slice %arg11[%dma_start3A_279, %dma_start3A_280] : memref<100352x16xf32, #tpu.memory_space<vmem_shared>> -> memref<100352x16xf32, #tpu.memory_space<vmem_shared>>
        tpu.enqueue_indirect_dma source(%dma_start3A_275 : memref<128x16xf32, #tpu.memory_space<vmem>>) target(%dma_start3A_281 : memref<100352x16xf32, #tpu.memory_space<vmem_shared>>) offsets(%dma_start3A_278 : memref<128xi32, #tpu.memory_space<vmem>>) semaphore(%arg19 : memref<!tpu.dma_semaphore, #tpu.memory_space<semaphore_mem>>) {add = true}
        %dma_wait3A_282 = arith.constant 1 : i32
        %dma_wait3A_283 = arith.constant 1 : i32
        %dma_wait3A_284 = arith.constant 0 : i32
        %dma_wait3A_285 = arith.constant 0 : i32
        %dma_wait3A_286 = tpu.memref_slice %arg16[%dma_wait3A_283, %dma_wait3A_284, %dma_wait3A_285] : memref<4x128x16xf32, #tpu.memory_space<vmem>> -> memref<1x128x16xf32, #tpu.memory_space<vmem>>
        %dma_wait3A_287 = tpu.memref_squeeze %dma_wait3A_286 : memref<1x128x16xf32, #tpu.memory_space<vmem>> -> memref<128x16xf32, #tpu.memory_space<vmem>>
        %dma_wait3A_288 = arith.constant 0 : i32
        %dma_wait3A_289 = tpu.memref_slice %arg14[%rem3A_135, %dma_wait3A_282, %dma_wait3A_288] : memref<4x4x128xi32, #tpu.memory_space<vmem>> -> memref<1x1x128xi32, #tpu.memory_space<vmem>>
        %dma_wait3A_290 = tpu.memref_squeeze %dma_wait3A_289 : memref<1x1x128xi32, #tpu.memory_space<vmem>> -> memref<128xi32, #tpu.memory_space<vmem>>
        %dma_wait3A_291 = arith.constant 0 : i32
        %dma_wait3A_292 = arith.constant 0 : i32
        %dma_wait3A_293 = tpu.memref_slice %arg4[%dma_wait3A_291, %dma_wait3A_292] : memref<100352x16xf32, #tpu.memory_space<hbm>> -> memref<100352x16xf32, #tpu.memory_space<hbm>>
        tpu.wait_indirect_dma semaphore(%arg18 : memref<!tpu.dma_semaphore, #tpu.memory_space<semaphore_mem>>) src(%dma_wait3A_293 : memref<100352x16xf32, #tpu.memory_space<hbm>>) dst(%dma_wait3A_287 : memref<128x16xf32, #tpu.memory_space<vmem>>)
        %dma_start3A_294 = arith.constant 1 : i32
        %dma_start3A_295 = arith.constant 1 : i32
        %dma_start3A_296 = arith.constant 0 : i32
        %dma_start3A_297 = arith.constant 0 : i32
        %dma_start3A_298 = tpu.memref_slice %arg16[%dma_start3A_294, %dma_start3A_296, %dma_start3A_297] : memref<4x128x16xf32, #tpu.memory_space<vmem>> -> memref<1x128x16xf32, #tpu.memory_space<vmem>>
        %dma_start3A_299 = tpu.memref_squeeze %dma_start3A_298 : memref<1x128x16xf32, #tpu.memory_space<vmem>> -> memref<128x16xf32, #tpu.memory_space<vmem>>
        %dma_start3A_300 = arith.constant 0 : i32
        %dma_start3A_301 = tpu.memref_slice %arg15[%rem3A_135, %dma_start3A_295, %dma_start3A_300] : memref<4x4x128xi32, #tpu.memory_space<vmem>> -> memref<1x1x128xi32, #tpu.memory_space<vmem>>
        %dma_start3A_302 = tpu.memref_squeeze %dma_start3A_301 : memref<1x1x128xi32, #tpu.memory_space<vmem>> -> memref<128xi32, #tpu.memory_space<vmem>>
        %dma_start3A_303 = arith.constant 0 : i32
        %dma_start3A_304 = arith.constant 0 : i32
        %dma_start3A_305 = tpu.memref_slice %arg11[%dma_start3A_303, %dma_start3A_304] : memref<100352x16xf32, #tpu.memory_space<vmem_shared>> -> memref<100352x16xf32, #tpu.memory_space<vmem_shared>>
        tpu.enqueue_indirect_dma source(%dma_start3A_299 : memref<128x16xf32, #tpu.memory_space<vmem>>) target(%dma_start3A_305 : memref<100352x16xf32, #tpu.memory_space<vmem_shared>>) offsets(%dma_start3A_302 : memref<128xi32, #tpu.memory_space<vmem>>) semaphore(%arg19 : memref<!tpu.dma_semaphore, #tpu.memory_space<semaphore_mem>>) {add = true}
        %dma_wait3A_306 = arith.constant 2 : i32
        %dma_wait3A_307 = arith.constant 2 : i32
        %dma_wait3A_308 = arith.constant 0 : i32
        %dma_wait3A_309 = arith.constant 0 : i32
        %dma_wait3A_310 = tpu.memref_slice %arg16[%dma_wait3A_307, %dma_wait3A_308, %dma_wait3A_309] : memref<4x128x16xf32, #tpu.memory_space<vmem>> -> memref<1x128x16xf32, #tpu.memory_space<vmem>>
        %dma_wait3A_311 = tpu.memref_squeeze %dma_wait3A_310 : memref<1x128x16xf32, #tpu.memory_space<vmem>> -> memref<128x16xf32, #tpu.memory_space<vmem>>
        %dma_wait3A_312 = arith.constant 0 : i32
        %dma_wait3A_313 = tpu.memref_slice %arg14[%rem3A_135, %dma_wait3A_306, %dma_wait3A_312] : memref<4x4x128xi32, #tpu.memory_space<vmem>> -> memref<1x1x128xi32, #tpu.memory_space<vmem>>
        %dma_wait3A_314 = tpu.memref_squeeze %dma_wait3A_313 : memref<1x1x128xi32, #tpu.memory_space<vmem>> -> memref<128xi32, #tpu.memory_space<vmem>>
        %dma_wait3A_315 = arith.constant 0 : i32
        %dma_wait3A_316 = arith.constant 0 : i32
        %dma_wait3A_317 = tpu.memref_slice %arg4[%dma_wait3A_315, %dma_wait3A_316] : memref<100352x16xf32, #tpu.memory_space<hbm>> -> memref<100352x16xf32, #tpu.memory_space<hbm>>
        tpu.wait_indirect_dma semaphore(%arg18 : memref<!tpu.dma_semaphore, #tpu.memory_space<semaphore_mem>>) src(%dma_wait3A_317 : memref<100352x16xf32, #tpu.memory_space<hbm>>) dst(%dma_wait3A_311 : memref<128x16xf32, #tpu.memory_space<vmem>>)
        %dma_start3A_318 = arith.constant 2 : i32
        %dma_start3A_319 = arith.constant 2 : i32
        %dma_start3A_320 = arith.constant 0 : i32
        %dma_start3A_321 = arith.constant 0 : i32
        %dma_start3A_322 = tpu.memref_slice %arg16[%dma_start3A_318, %dma_start3A_320, %dma_start3A_321] : memref<4x128x16xf32, #tpu.memory_space<vmem>> -> memref<1x128x16xf32, #tpu.memory_space<vmem>>
        %dma_start3A_323 = tpu.memref_squeeze %dma_start3A_322 : memref<1x128x16xf32, #tpu.memory_space<vmem>> -> memref<128x16xf32, #tpu.memory_space<vmem>>
        %dma_start3A_324 = arith.constant 0 : i32
        %dma_start3A_325 = tpu.memref_slice %arg15[%rem3A_135, %dma_start3A_319, %dma_start3A_324] : memref<4x4x128xi32, #tpu.memory_space<vmem>> -> memref<1x1x128xi32, #tpu.memory_space<vmem>>
        %dma_start3A_326 = tpu.memref_squeeze %dma_start3A_325 : memref<1x1x128xi32, #tpu.memory_space<vmem>> -> memref<128xi32, #tpu.memory_space<vmem>>
        %dma_start3A_327 = arith.constant 0 : i32
        %dma_start3A_328 = arith.constant 0 : i32
        %dma_start3A_329 = tpu.memref_slice %arg11[%dma_start3A_327, %dma_start3A_328] : memref<100352x16xf32, #tpu.memory_space<vmem_shared>> -> memref<100352x16xf32, #tpu.memory_space<vmem_shared>>
        tpu.enqueue_indirect_dma source(%dma_start3A_323 : memref<128x16xf32, #tpu.memory_space<vmem>>) target(%dma_start3A_329 : memref<100352x16xf32, #tpu.memory_space<vmem_shared>>) offsets(%dma_start3A_326 : memref<128xi32, #tpu.memory_space<vmem>>) semaphore(%arg19 : memref<!tpu.dma_semaphore, #tpu.memory_space<semaphore_mem>>) {add = true}
        %dma_wait3A_330 = arith.constant 3 : i32
        %dma_wait3A_331 = arith.constant 3 : i32
        %dma_wait3A_332 = arith.constant 0 : i32
        %dma_wait3A_333 = arith.constant 0 : i32
        %dma_wait3A_334 = tpu.memref_slice %arg16[%dma_wait3A_331, %dma_wait3A_332, %dma_wait3A_333] : memref<4x128x16xf32, #tpu.memory_space<vmem>> -> memref<1x128x16xf32, #tpu.memory_space<vmem>>
        %dma_wait3A_335 = tpu.memref_squeeze %dma_wait3A_334 : memref<1x128x16xf32, #tpu.memory_space<vmem>> -> memref<128x16xf32, #tpu.memory_space<vmem>>
        %dma_wait3A_336 = arith.constant 0 : i32
        %dma_wait3A_337 = tpu.memref_slice %arg14[%rem3A_135, %dma_wait3A_330, %dma_wait3A_336] : memref<4x4x128xi32, #tpu.memory_space<vmem>> -> memref<1x1x128xi32, #tpu.memory_space<vmem>>
        %dma_wait3A_338 = tpu.memref_squeeze %dma_wait3A_337 : memref<1x1x128xi32, #tpu.memory_space<vmem>> -> memref<128xi32, #tpu.memory_space<vmem>>
        %dma_wait3A_339 = arith.constant 0 : i32
        %dma_wait3A_340 = arith.constant 0 : i32
        %dma_wait3A_341 = tpu.memref_slice %arg4[%dma_wait3A_339, %dma_wait3A_340] : memref<100352x16xf32, #tpu.memory_space<hbm>> -> memref<100352x16xf32, #tpu.memory_space<hbm>>
        tpu.wait_indirect_dma semaphore(%arg18 : memref<!tpu.dma_semaphore, #tpu.memory_space<semaphore_mem>>) src(%dma_wait3A_341 : memref<100352x16xf32, #tpu.memory_space<hbm>>) dst(%dma_wait3A_335 : memref<128x16xf32, #tpu.memory_space<vmem>>)
        %dma_start3A_342 = arith.constant 3 : i32
        %dma_start3A_343 = arith.constant 3 : i32
        %dma_start3A_344 = arith.constant 0 : i32
        %dma_start3A_345 = arith.constant 0 : i32
        %dma_start3A_346 = tpu.memref_slice %arg16[%dma_start3A_342, %dma_start3A_344, %dma_start3A_345] : memref<4x128x16xf32, #tpu.memory_space<vmem>> -> memref<1x128x16xf32, #tpu.memory_space<vmem>>
        %dma_start3A_347 = tpu.memref_squeeze %dma_start3A_346 : memref<1x128x16xf32, #tpu.memory_space<vmem>> -> memref<128x16xf32, #tpu.memory_space<vmem>>
        %dma_start3A_348 = arith.constant 0 : i32
        %dma_start3A_349 = tpu.memref_slice %arg15[%rem3A_135, %dma_start3A_343, %dma_start3A_348] : memref<4x4x128xi32, #tpu.memory_space<vmem>> -> memref<1x1x128xi32, #tpu.memory_space<vmem>>
        %dma_start3A_350 = tpu.memref_squeeze %dma_start3A_349 : memref<1x1x128xi32, #tpu.memory_space<vmem>> -> memref<128xi32, #tpu.memory_space<vmem>>
        %dma_start3A_351 = arith.constant 0 : i32
        %dma_start3A_352 = arith.constant 0 : i32
        %dma_start3A_353 = tpu.memref_slice %arg11[%dma_start3A_351, %dma_start3A_352] : memref<100352x16xf32, #tpu.memory_space<vmem_shared>> -> memref<100352x16xf32, #tpu.memory_space<vmem_shared>>
        tpu.enqueue_indirect_dma source(%dma_start3A_347 : memref<128x16xf32, #tpu.memory_space<vmem>>) target(%dma_start3A_353 : memref<100352x16xf32, #tpu.memory_space<vmem_shared>>) offsets(%dma_start3A_350 : memref<128xi32, #tpu.memory_space<vmem>>) semaphore(%arg19 : memref<!tpu.dma_semaphore, #tpu.memory_space<semaphore_mem>>) {add = true}
      } else {
      }
      %eq3A_197 = arith.constant 1 : i32
      %eq3A_198 = arith.cmpi eq, %arg0, %eq3A_197 : i32
      %convert_element_type3A_199 = arith.extui %eq3A_198 : i1 to i32
      %cond3A_200 = arith.constant 0 : i32
      %cond3A_201 = arith.cmpi ne, %convert_element_type3A_199, %cond3A_200 : i32
      scf.if %cond3A_201 {
        %dma_start3A_210 = arith.constant 0 : i32
        %dma_start3A_211 = arith.constant 0 : i32
        %dma_start3A_212 = arith.constant 0 : i32
        %dma_start3A_213 = arith.constant 0 : i32
        %dma_start3A_214 = tpu.memref_slice %arg16[%dma_start3A_211, %dma_start3A_212, %dma_start3A_213] : memref<4x128x16xf32, #tpu.memory_space<vmem>> -> memref<1x128x16xf32, #tpu.memory_space<vmem>>
        %dma_start3A_215 = tpu.memref_squeeze %dma_start3A_214 : memref<1x128x16xf32, #tpu.memory_space<vmem>> -> memref<128x16xf32, #tpu.memory_space<vmem>>
        %dma_start3A_216 = arith.constant 0 : i32
        %dma_start3A_217 = tpu.memref_slice %arg14[%rem3A_135, %dma_start3A_210, %dma_start3A_216] : memref<4x4x128xi32, #tpu.memory_space<vmem>> -> memref<1x1x128xi32, #tpu.memory_space<vmem>>
        %dma_start3A_218 = tpu.memref_squeeze %dma_start3A_217 : memref<1x1x128xi32, #tpu.memory_space<vmem>> -> memref<128xi32, #tpu.memory_space<vmem>>
        %dma_start3A_219 = arith.constant 0 : i32
        %dma_start3A_220 = arith.constant 0 : i32
        %dma_start3A_221 = tpu.memref_slice %arg5[%dma_start3A_219, %dma_start3A_220] : memref<100352x16xf32, #tpu.memory_space<hbm>> -> memref<100352x16xf32, #tpu.memory_space<hbm>>
        tpu.enqueue_indirect_dma source(%dma_start3A_221 : memref<100352x16xf32, #tpu.memory_space<hbm>>) target(%dma_start3A_215 : memref<128x16xf32, #tpu.memory_space<vmem>>) offsets(%dma_start3A_218 : memref<128xi32, #tpu.memory_space<vmem>>) semaphore(%arg18 : memref<!tpu.dma_semaphore, #tpu.memory_space<semaphore_mem>>)
        %dma_start3A_222 = arith.constant 1 : i32
        %dma_start3A_223 = arith.constant 1 : i32
        %dma_start3A_224 = arith.constant 0 : i32
        %dma_start3A_225 = arith.constant 0 : i32
        %dma_start3A_226 = tpu.memref_slice %arg16[%dma_start3A_223, %dma_start3A_224, %dma_start3A_225] : memref<4x128x16xf32, #tpu.memory_space<vmem>> -> memref<1x128x16xf32, #tpu.memory_space<vmem>>
        %dma_start3A_227 = tpu.memref_squeeze %dma_start3A_226 : memref<1x128x16xf32, #tpu.memory_space<vmem>> -> memref<128x16xf32, #tpu.memory_space<vmem>>
        %dma_start3A_228 = arith.constant 0 : i32
        %dma_start3A_229 = tpu.memref_slice %arg14[%rem3A_135, %dma_start3A_222, %dma_start3A_228] : memref<4x4x128xi32, #tpu.memory_space<vmem>> -> memref<1x1x128xi32, #tpu.memory_space<vmem>>
        %dma_start3A_230 = tpu.memref_squeeze %dma_start3A_229 : memref<1x1x128xi32, #tpu.memory_space<vmem>> -> memref<128xi32, #tpu.memory_space<vmem>>
        %dma_start3A_231 = arith.constant 0 : i32
        %dma_start3A_232 = arith.constant 0 : i32
        %dma_start3A_233 = tpu.memref_slice %arg5[%dma_start3A_231, %dma_start3A_232] : memref<100352x16xf32, #tpu.memory_space<hbm>> -> memref<100352x16xf32, #tpu.memory_space<hbm>>
        tpu.enqueue_indirect_dma source(%dma_start3A_233 : memref<100352x16xf32, #tpu.memory_space<hbm>>) target(%dma_start3A_227 : memref<128x16xf32, #tpu.memory_space<vmem>>) offsets(%dma_start3A_230 : memref<128xi32, #tpu.memory_space<vmem>>) semaphore(%arg18 : memref<!tpu.dma_semaphore, #tpu.memory_space<semaphore_mem>>)
        %dma_start3A_234 = arith.constant 2 : i32
        %dma_start3A_235 = arith.constant 2 : i32
        %dma_start3A_236 = arith.constant 0 : i32
        %dma_start3A_237 = arith.constant 0 : i32
        %dma_start3A_238 = tpu.memref_slice %arg16[%dma_start3A_235, %dma_start3A_236, %dma_start3A_237] : memref<4x128x16xf32, #tpu.memory_space<vmem>> -> memref<1x128x16xf32, #tpu.memory_space<vmem>>
        %dma_start3A_239 = tpu.memref_squeeze %dma_start3A_238 : memref<1x128x16xf32, #tpu.memory_space<vmem>> -> memref<128x16xf32, #tpu.memory_space<vmem>>
        %dma_start3A_240 = arith.constant 0 : i32
        %dma_start3A_241 = tpu.memref_slice %arg14[%rem3A_135, %dma_start3A_234, %dma_start3A_240] : memref<4x4x128xi32, #tpu.memory_space<vmem>> -> memref<1x1x128xi32, #tpu.memory_space<vmem>>
        %dma_start3A_242 = tpu.memref_squeeze %dma_start3A_241 : memref<1x1x128xi32, #tpu.memory_space<vmem>> -> memref<128xi32, #tpu.memory_space<vmem>>
        %dma_start3A_243 = arith.constant 0 : i32
        %dma_start3A_244 = arith.constant 0 : i32
        %dma_start3A_245 = tpu.memref_slice %arg5[%dma_start3A_243, %dma_start3A_244] : memref<100352x16xf32, #tpu.memory_space<hbm>> -> memref<100352x16xf32, #tpu.memory_space<hbm>>
        tpu.enqueue_indirect_dma source(%dma_start3A_245 : memref<100352x16xf32, #tpu.memory_space<hbm>>) target(%dma_start3A_239 : memref<128x16xf32, #tpu.memory_space<vmem>>) offsets(%dma_start3A_242 : memref<128xi32, #tpu.memory_space<vmem>>) semaphore(%arg18 : memref<!tpu.dma_semaphore, #tpu.memory_space<semaphore_mem>>)
        %dma_start3A_246 = arith.constant 3 : i32
        %dma_start3A_247 = arith.constant 3 : i32
        %dma_start3A_248 = arith.constant 0 : i32
        %dma_start3A_249 = arith.constant 0 : i32
        %dma_start3A_250 = tpu.memref_slice %arg16[%dma_start3A_247, %dma_start3A_248, %dma_start3A_249] : memref<4x128x16xf32, #tpu.memory_space<vmem>> -> memref<1x128x16xf32, #tpu.memory_space<vmem>>
        %dma_start3A_251 = tpu.memref_squeeze %dma_start3A_250 : memref<1x128x16xf32, #tpu.memory_space<vmem>> -> memref<128x16xf32, #tpu.memory_space<vmem>>
        %dma_start3A_252 = arith.constant 0 : i32
        %dma_start3A_253 = tpu.memref_slice %arg14[%rem3A_135, %dma_start3A_246, %dma_start3A_252] : memref<4x4x128xi32, #tpu.memory_space<vmem>> -> memref<1x1x128xi32, #tpu.memory_space<vmem>>
        %dma_start3A_254 = tpu.memref_squeeze %dma_start3A_253 : memref<1x1x128xi32, #tpu.memory_space<vmem>> -> memref<128xi32, #tpu.memory_space<vmem>>
        %dma_start3A_255 = arith.constant 0 : i32
        %dma_start3A_256 = arith.constant 0 : i32
        %dma_start3A_257 = tpu.memref_slice %arg5[%dma_start3A_255, %dma_start3A_256] : memref<100352x16xf32, #tpu.memory_space<hbm>> -> memref<100352x16xf32, #tpu.memory_space<hbm>>
        tpu.enqueue_indirect_dma source(%dma_start3A_257 : memref<100352x16xf32, #tpu.memory_space<hbm>>) target(%dma_start3A_251 : memref<128x16xf32, #tpu.memory_space<vmem>>) offsets(%dma_start3A_254 : memref<128xi32, #tpu.memory_space<vmem>>) semaphore(%arg18 : memref<!tpu.dma_semaphore, #tpu.memory_space<semaphore_mem>>)
        %dma_wait3A_258 = arith.constant 0 : i32
        %dma_wait3A_259 = arith.constant 0 : i32
        %dma_wait3A_260 = arith.constant 0 : i32
        %dma_wait3A_261 = arith.constant 0 : i32
        %dma_wait3A_262 = tpu.memref_slice %arg16[%dma_wait3A_259, %dma_wait3A_260, %dma_wait3A_261] : memref<4x128x16xf32, #tpu.memory_space<vmem>> -> memref<1x128x16xf32, #tpu.memory_space<vmem>>
        %dma_wait3A_263 = tpu.memref_squeeze %dma_wait3A_262 : memref<1x128x16xf32, #tpu.memory_space<vmem>> -> memref<128x16xf32, #tpu.memory_space<vmem>>
        %dma_wait3A_264 = arith.constant 0 : i32
        %dma_wait3A_265 = tpu.memref_slice %arg14[%rem3A_135, %dma_wait3A_258, %dma_wait3A_264] : memref<4x4x128xi32, #tpu.memory_space<vmem>> -> memref<1x1x128xi32, #tpu.memory_space<vmem>>
        %dma_wait3A_266 = tpu.memref_squeeze %dma_wait3A_265 : memref<1x1x128xi32, #tpu.memory_space<vmem>> -> memref<128xi32, #tpu.memory_space<vmem>>
        %dma_wait3A_267 = arith.constant 0 : i32
        %dma_wait3A_268 = arith.constant 0 : i32
        %dma_wait3A_269 = tpu.memref_slice %arg5[%dma_wait3A_267, %dma_wait3A_268] : memref<100352x16xf32, #tpu.memory_space<hbm>> -> memref<100352x16xf32, #tpu.memory_space<hbm>>
        tpu.wait_indirect_dma semaphore(%arg18 : memref<!tpu.dma_semaphore, #tpu.memory_space<semaphore_mem>>) src(%dma_wait3A_269 : memref<100352x16xf32, #tpu.memory_space<hbm>>) dst(%dma_wait3A_263 : memref<128x16xf32, #tpu.memory_space<vmem>>)
        %dma_start3A_270 = arith.constant 0 : i32
        %dma_start3A_271 = arith.constant 0 : i32
        %dma_start3A_272 = arith.constant 0 : i32
        %dma_start3A_273 = arith.constant 0 : i32
        %dma_start3A_274 = tpu.memref_slice %arg16[%dma_start3A_270, %dma_start3A_272, %dma_start3A_273] : memref<4x128x16xf32, #tpu.memory_space<vmem>> -> memref<1x128x16xf32, #tpu.memory_space<vmem>>
        %dma_start3A_275 = tpu.memref_squeeze %dma_start3A_274 : memref<1x128x16xf32, #tpu.memory_space<vmem>> -> memref<128x16xf32, #tpu.memory_space<vmem>>
        %dma_start3A_276 = arith.constant 0 : i32
        %dma_start3A_277 = tpu.memref_slice %arg15[%rem3A_135, %dma_start3A_271, %dma_start3A_276] : memref<4x4x128xi32, #tpu.memory_space<vmem>> -> memref<1x1x128xi32, #tpu.memory_space<vmem>>
        %dma_start3A_278 = tpu.memref_squeeze %dma_start3A_277 : memref<1x1x128xi32, #tpu.memory_space<vmem>> -> memref<128xi32, #tpu.memory_space<vmem>>
        %dma_start3A_279 = arith.constant 0 : i32
        %dma_start3A_280 = arith.constant 0 : i32
        %dma_start3A_281 = tpu.memref_slice %arg11[%dma_start3A_279, %dma_start3A_280] : memref<100352x16xf32, #tpu.memory_space<vmem_shared>> -> memref<100352x16xf32, #tpu.memory_space<vmem_shared>>
        tpu.enqueue_indirect_dma source(%dma_start3A_275 : memref<128x16xf32, #tpu.memory_space<vmem>>) target(%dma_start3A_281 : memref<100352x16xf32, #tpu.memory_space<vmem_shared>>) offsets(%dma_start3A_278 : memref<128xi32, #tpu.memory_space<vmem>>) semaphore(%arg19 : memref<!tpu.dma_semaphore, #tpu.memory_space<semaphore_mem>>) {add = true}
        %dma_wait3A_282 = arith.constant 1 : i32
        %dma_wait3A_283 = arith.constant 1 : i32
        %dma_wait3A_284 = arith.constant 0 : i32
        %dma_wait3A_285 = arith.constant 0 : i32
        %dma_wait3A_286 = tpu.memref_slice %arg16[%dma_wait3A_283, %dma_wait3A_284, %dma_wait3A_285] : memref<4x128x16xf32, #tpu.memory_space<vmem>> -> memref<1x128x16xf32, #tpu.memory_space<vmem>>
        %dma_wait3A_287 = tpu.memref_squeeze %dma_wait3A_286 : memref<1x128x16xf32, #tpu.memory_space<vmem>> -> memref<128x16xf32, #tpu.memory_space<vmem>>
        %dma_wait3A_288 = arith.constant 0 : i32
        %dma_wait3A_289 = tpu.memref_slice %arg14[%rem3A_135, %dma_wait3A_282, %dma_wait3A_288] : memref<4x4x128xi32, #tpu.memory_space<vmem>> -> memref<1x1x128xi32, #tpu.memory_space<vmem>>
        %dma_wait3A_290 = tpu.memref_squeeze %dma_wait3A_289 : memref<1x1x128xi32, #tpu.memory_space<vmem>> -> memref<128xi32, #tpu.memory_space<vmem>>
        %dma_wait3A_291 = arith.constant 0 : i32
        %dma_wait3A_292 = arith.constant 0 : i32
        %dma_wait3A_293 = tpu.memref_slice %arg5[%dma_wait3A_291, %dma_wait3A_292] : memref<100352x16xf32, #tpu.memory_space<hbm>> -> memref<100352x16xf32, #tpu.memory_space<hbm>>
        tpu.wait_indirect_dma semaphore(%arg18 : memref<!tpu.dma_semaphore, #tpu.memory_space<semaphore_mem>>) src(%dma_wait3A_293 : memref<100352x16xf32, #tpu.memory_space<hbm>>) dst(%dma_wait3A_287 : memref<128x16xf32, #tpu.memory_space<vmem>>)
        %dma_start3A_294 = arith.constant 1 : i32
        %dma_start3A_295 = arith.constant 1 : i32
        %dma_start3A_296 = arith.constant 0 : i32
        %dma_start3A_297 = arith.constant 0 : i32
        %dma_start3A_298 = tpu.memref_slice %arg16[%dma_start3A_294, %dma_start3A_296, %dma_start3A_297] : memref<4x128x16xf32, #tpu.memory_space<vmem>> -> memref<1x128x16xf32, #tpu.memory_space<vmem>>
        %dma_start3A_299 = tpu.memref_squeeze %dma_start3A_298 : memref<1x128x16xf32, #tpu.memory_space<vmem>> -> memref<128x16xf32, #tpu.memory_space<vmem>>
        %dma_start3A_300 = arith.constant 0 : i32
        %dma_start3A_301 = tpu.memref_slice %arg15[%rem3A_135, %dma_start3A_295, %dma_start3A_300] : memref<4x4x128xi32, #tpu.memory_space<vmem>> -> memref<1x1x128xi32, #tpu.memory_space<vmem>>
        %dma_start3A_302 = tpu.memref_squeeze %dma_start3A_301 : memref<1x1x128xi32, #tpu.memory_space<vmem>> -> memref<128xi32, #tpu.memory_space<vmem>>
        %dma_start3A_303 = arith.constant 0 : i32
        %dma_start3A_304 = arith.constant 0 : i32
        %dma_start3A_305 = tpu.memref_slice %arg11[%dma_start3A_303, %dma_start3A_304] : memref<100352x16xf32, #tpu.memory_space<vmem_shared>> -> memref<100352x16xf32, #tpu.memory_space<vmem_shared>>
        tpu.enqueue_indirect_dma source(%dma_start3A_299 : memref<128x16xf32, #tpu.memory_space<vmem>>) target(%dma_start3A_305 : memref<100352x16xf32, #tpu.memory_space<vmem_shared>>) offsets(%dma_start3A_302 : memref<128xi32, #tpu.memory_space<vmem>>) semaphore(%arg19 : memref<!tpu.dma_semaphore, #tpu.memory_space<semaphore_mem>>) {add = true}
        %dma_wait3A_306 = arith.constant 2 : i32
        %dma_wait3A_307 = arith.constant 2 : i32
        %dma_wait3A_308 = arith.constant 0 : i32
        %dma_wait3A_309 = arith.constant 0 : i32
        %dma_wait3A_310 = tpu.memref_slice %arg16[%dma_wait3A_307, %dma_wait3A_308, %dma_wait3A_309] : memref<4x128x16xf32, #tpu.memory_space<vmem>> -> memref<1x128x16xf32, #tpu.memory_space<vmem>>
        %dma_wait3A_311 = tpu.memref_squeeze %dma_wait3A_310 : memref<1x128x16xf32, #tpu.memory_space<vmem>> -> memref<128x16xf32, #tpu.memory_space<vmem>>
        %dma_wait3A_312 = arith.constant 0 : i32
        %dma_wait3A_313 = tpu.memref_slice %arg14[%rem3A_135, %dma_wait3A_306, %dma_wait3A_312] : memref<4x4x128xi32, #tpu.memory_space<vmem>> -> memref<1x1x128xi32, #tpu.memory_space<vmem>>
        %dma_wait3A_314 = tpu.memref_squeeze %dma_wait3A_313 : memref<1x1x128xi32, #tpu.memory_space<vmem>> -> memref<128xi32, #tpu.memory_space<vmem>>
        %dma_wait3A_315 = arith.constant 0 : i32
        %dma_wait3A_316 = arith.constant 0 : i32
        %dma_wait3A_317 = tpu.memref_slice %arg5[%dma_wait3A_315, %dma_wait3A_316] : memref<100352x16xf32, #tpu.memory_space<hbm>> -> memref<100352x16xf32, #tpu.memory_space<hbm>>
        tpu.wait_indirect_dma semaphore(%arg18 : memref<!tpu.dma_semaphore, #tpu.memory_space<semaphore_mem>>) src(%dma_wait3A_317 : memref<100352x16xf32, #tpu.memory_space<hbm>>) dst(%dma_wait3A_311 : memref<128x16xf32, #tpu.memory_space<vmem>>)
        %dma_start3A_318 = arith.constant 2 : i32
        %dma_start3A_319 = arith.constant 2 : i32
        %dma_start3A_320 = arith.constant 0 : i32
        %dma_start3A_321 = arith.constant 0 : i32
        %dma_start3A_322 = tpu.memref_slice %arg16[%dma_start3A_318, %dma_start3A_320, %dma_start3A_321] : memref<4x128x16xf32, #tpu.memory_space<vmem>> -> memref<1x128x16xf32, #tpu.memory_space<vmem>>
        %dma_start3A_323 = tpu.memref_squeeze %dma_start3A_322 : memref<1x128x16xf32, #tpu.memory_space<vmem>> -> memref<128x16xf32, #tpu.memory_space<vmem>>
        %dma_start3A_324 = arith.constant 0 : i32
        %dma_start3A_325 = tpu.memref_slice %arg15[%rem3A_135, %dma_start3A_319, %dma_start3A_324] : memref<4x4x128xi32, #tpu.memory_space<vmem>> -> memref<1x1x128xi32, #tpu.memory_space<vmem>>
        %dma_start3A_326 = tpu.memref_squeeze %dma_start3A_325 : memref<1x1x128xi32, #tpu.memory_space<vmem>> -> memref<128xi32, #tpu.memory_space<vmem>>
        %dma_start3A_327 = arith.constant 0 : i32
        %dma_start3A_328 = arith.constant 0 : i32
        %dma_start3A_329 = tpu.memref_slice %arg11[%dma_start3A_327, %dma_start3A_328] : memref<100352x16xf32, #tpu.memory_space<vmem_shared>> -> memref<100352x16xf32, #tpu.memory_space<vmem_shared>>
        tpu.enqueue_indirect_dma source(%dma_start3A_323 : memref<128x16xf32, #tpu.memory_space<vmem>>) target(%dma_start3A_329 : memref<100352x16xf32, #tpu.memory_space<vmem_shared>>) offsets(%dma_start3A_326 : memref<128xi32, #tpu.memory_space<vmem>>) semaphore(%arg19 : memref<!tpu.dma_semaphore, #tpu.memory_space<semaphore_mem>>) {add = true}
        %dma_wait3A_330 = arith.constant 3 : i32
        %dma_wait3A_331 = arith.constant 3 : i32
        %dma_wait3A_332 = arith.constant 0 : i32
        %dma_wait3A_333 = arith.constant 0 : i32
        %dma_wait3A_334 = tpu.memref_slice %arg16[%dma_wait3A_331, %dma_wait3A_332, %dma_wait3A_333] : memref<4x128x16xf32, #tpu.memory_space<vmem>> -> memref<1x128x16xf32, #tpu.memory_space<vmem>>
        %dma_wait3A_335 = tpu.memref_squeeze %dma_wait3A_334 : memref<1x128x16xf32, #tpu.memory_space<vmem>> -> memref<128x16xf32, #tpu.memory_space<vmem>>
        %dma_wait3A_336 = arith.constant 0 : i32
        %dma_wait3A_337 = tpu.memref_slice %arg14[%rem3A_135, %dma_wait3A_330, %dma_wait3A_336] : memref<4x4x128xi32, #tpu.memory_space<vmem>> -> memref<1x1x128xi32, #tpu.memory_space<vmem>>
        %dma_wait3A_338 = tpu.memref_squeeze %dma_wait3A_337 : memref<1x1x128xi32, #tpu.memory_space<vmem>> -> memref<128xi32, #tpu.memory_space<vmem>>
        %dma_wait3A_339 = arith.constant 0 : i32
        %dma_wait3A_340 = arith.constant 0 : i32
        %dma_wait3A_341 = tpu.memref_slice %arg5[%dma_wait3A_339, %dma_wait3A_340] : memref<100352x16xf32, #tpu.memory_space<hbm>> -> memref<100352x16xf32, #tpu.memory_space<hbm>>
        tpu.wait_indirect_dma semaphore(%arg18 : memref<!tpu.dma_semaphore, #tpu.memory_space<semaphore_mem>>) src(%dma_wait3A_341 : memref<100352x16xf32, #tpu.memory_space<hbm>>) dst(%dma_wait3A_335 : memref<128x16xf32, #tpu.memory_space<vmem>>)
        %dma_start3A_342 = arith.constant 3 : i32
        %dma_start3A_343 = arith.constant 3 : i32
        %dma_start3A_344 = arith.constant 0 : i32
        %dma_start3A_345 = arith.constant 0 : i32
        %dma_start3A_346 = tpu.memref_slice %arg16[%dma_start3A_342, %dma_start3A_344, %dma_start3A_345] : memref<4x128x16xf32, #tpu.memory_space<vmem>> -> memref<1x128x16xf32, #tpu.memory_space<vmem>>
        %dma_start3A_347 = tpu.memref_squeeze %dma_start3A_346 : memref<1x128x16xf32, #tpu.memory_space<vmem>> -> memref<128x16xf32, #tpu.memory_space<vmem>>
        %dma_start3A_348 = arith.constant 0 : i32
        %dma_start3A_349 = tpu.memref_slice %arg15[%rem3A_135, %dma_start3A_343, %dma_start3A_348] : memref<4x4x128xi32, #tpu.memory_space<vmem>> -> memref<1x1x128xi32, #tpu.memory_space<vmem>>
        %dma_start3A_350 = tpu.memref_squeeze %dma_start3A_349 : memref<1x1x128xi32, #tpu.memory_space<vmem>> -> memref<128xi32, #tpu.memory_space<vmem>>
        %dma_start3A_351 = arith.constant 0 : i32
        %dma_start3A_352 = arith.constant 0 : i32
        %dma_start3A_353 = tpu.memref_slice %arg11[%dma_start3A_351, %dma_start3A_352] : memref<100352x16xf32, #tpu.memory_space<vmem_shared>> -> memref<100352x16xf32, #tpu.memory_space<vmem_shared>>
        tpu.enqueue_indirect_dma source(%dma_start3A_347 : memref<128x16xf32, #tpu.memory_space<vmem>>) target(%dma_start3A_353 : memref<100352x16xf32, #tpu.memory_space<vmem_shared>>) offsets(%dma_start3A_350 : memref<128xi32, #tpu.memory_space<vmem>>) semaphore(%arg19 : memref<!tpu.dma_semaphore, #tpu.memory_space<semaphore_mem>>) {add = true}
      } else {
      }
      %lt3A_202 = arith.constant 98 : i32
      %lt3A_203 = arith.cmpi slt, %scan3A_134, %lt3A_202 : i32
      %ne3A_204 = arith.constant 0 : i32
      %ne3A_205 = arith.cmpi ne, %arg0, %ne3A_204 : i32
      %xor3A_206 = arith.xori %lt3A_203, %ne3A_205 : i1
      %convert_element_type3A_207 = arith.extui %xor3A_206 : i1 to i32
      %cond3A_208 = arith.constant 0 : i32
      %cond3A_209 = arith.cmpi ne, %convert_element_type3A_207, %cond3A_208 : i32
      scf.if %cond3A_209 {
        %dma_wait3A_210 = arith.constant 0 : i32
        %dma_wait3A_211 = arith.constant 0 : i32
        %dma_wait3A_212 = arith.constant 0 : i32
        %dma_wait3A_213 = tpu.memref_slice %arg17[%dma_wait3A_211, %dma_wait3A_212] : memref<4x128xf32, #tpu.memory_space<vmem>> -> memref<1x128xf32, #tpu.memory_space<vmem>>
        %dma_wait3A_214 = tpu.memref_squeeze %dma_wait3A_213 : memref<1x128xf32, #tpu.memory_space<vmem>> -> memref<128xf32, #tpu.memory_space<vmem>>
        %dma_wait3A_215 = arith.constant 0 : i32
        %dma_wait3A_216 = tpu.memref_slice %arg15[%rem3A_135, %dma_wait3A_210, %dma_wait3A_215] : memref<4x4x128xi32, #tpu.memory_space<vmem>> -> memref<1x1x128xi32, #tpu.memory_space<vmem>>
        %dma_wait3A_217 = tpu.memref_squeeze %dma_wait3A_216 : memref<1x1x128xi32, #tpu.memory_space<vmem>> -> memref<128xi32, #tpu.memory_space<vmem>>
        %dma_wait3A_218 = arith.constant 0 : i32
        %dma_wait3A_219 = tpu.memref_slice %arg13[%dma_wait3A_218] : memref<100352xf32, #tpu.memory_space<vmem_shared>> -> memref<100352xf32, #tpu.memory_space<vmem_shared>>
        tpu.wait_indirect_dma semaphore(%arg21 : memref<!tpu.dma_semaphore, #tpu.memory_space<semaphore_mem>>) src(%dma_wait3A_219 : memref<100352xf32, #tpu.memory_space<vmem_shared>>) dst(%dma_wait3A_214 : memref<128xf32, #tpu.memory_space<vmem>>)
        %dma_start3A_220 = arith.constant 0 : i32
        %dma_start3A_221 = arith.constant 0 : i32
        %dma_start3A_222 = arith.constant 0 : i32
        %dma_start3A_223 = tpu.memref_slice %arg17[%dma_start3A_220, %dma_start3A_222] : memref<4x128xf32, #tpu.memory_space<vmem>> -> memref<1x128xf32, #tpu.memory_space<vmem>>
        %dma_start3A_224 = tpu.memref_squeeze %dma_start3A_223 : memref<1x128xf32, #tpu.memory_space<vmem>> -> memref<128xf32, #tpu.memory_space<vmem>>
        %dma_start3A_225 = arith.constant 0 : i32
        %dma_start3A_226 = tpu.memref_slice %arg14[%rem3A_135, %dma_start3A_221, %dma_start3A_225] : memref<4x4x128xi32, #tpu.memory_space<vmem>> -> memref<1x1x128xi32, #tpu.memory_space<vmem>>
        %dma_start3A_227 = tpu.memref_squeeze %dma_start3A_226 : memref<1x1x128xi32, #tpu.memory_space<vmem>> -> memref<128xi32, #tpu.memory_space<vmem>>
        %dma_start3A_228 = arith.constant 0 : i32
        %dma_start3A_229 = tpu.memref_slice %arg12[%dma_start3A_228] : memref<100352xf32, #tpu.memory_space<vmem_shared>> -> memref<100352xf32, #tpu.memory_space<vmem_shared>>
        tpu.enqueue_indirect_dma source(%dma_start3A_224 : memref<128xf32, #tpu.memory_space<vmem>>) target(%dma_start3A_229 : memref<100352xf32, #tpu.memory_space<vmem_shared>>) offsets(%dma_start3A_227 : memref<128xi32, #tpu.memory_space<vmem>>) semaphore(%arg22 : memref<!tpu.dma_semaphore, #tpu.memory_space<semaphore_mem>>) {add = true}
        %dma_wait3A_230 = arith.constant 1 : i32
        %dma_wait3A_231 = arith.constant 1 : i32
        %dma_wait3A_232 = arith.constant 0 : i32
        %dma_wait3A_233 = tpu.memref_slice %arg17[%dma_wait3A_231, %dma_wait3A_232] : memref<4x128xf32, #tpu.memory_space<vmem>> -> memref<1x128xf32, #tpu.memory_space<vmem>>
        %dma_wait3A_234 = tpu.memref_squeeze %dma_wait3A_233 : memref<1x128xf32, #tpu.memory_space<vmem>> -> memref<128xf32, #tpu.memory_space<vmem>>
        %dma_wait3A_235 = arith.constant 0 : i32
        %dma_wait3A_236 = tpu.memref_slice %arg15[%rem3A_135, %dma_wait3A_230, %dma_wait3A_235] : memref<4x4x128xi32, #tpu.memory_space<vmem>> -> memref<1x1x128xi32, #tpu.memory_space<vmem>>
        %dma_wait3A_237 = tpu.memref_squeeze %dma_wait3A_236 : memref<1x1x128xi32, #tpu.memory_space<vmem>> -> memref<128xi32, #tpu.memory_space<vmem>>
        %dma_wait3A_238 = arith.constant 0 : i32
        %dma_wait3A_239 = tpu.memref_slice %arg13[%dma_wait3A_238] : memref<100352xf32, #tpu.memory_space<vmem_shared>> -> memref<100352xf32, #tpu.memory_space<vmem_shared>>
        tpu.wait_indirect_dma semaphore(%arg21 : memref<!tpu.dma_semaphore, #tpu.memory_space<semaphore_mem>>) src(%dma_wait3A_239 : memref<100352xf32, #tpu.memory_space<vmem_shared>>) dst(%dma_wait3A_234 : memref<128xf32, #tpu.memory_space<vmem>>)
        %dma_start3A_240 = arith.constant 1 : i32
        %dma_start3A_241 = arith.constant 1 : i32
        %dma_start3A_242 = arith.constant 0 : i32
        %dma_start3A_243 = tpu.memref_slice %arg17[%dma_start3A_240, %dma_start3A_242] : memref<4x128xf32, #tpu.memory_space<vmem>> -> memref<1x128xf32, #tpu.memory_space<vmem>>
        %dma_start3A_244 = tpu.memref_squeeze %dma_start3A_243 : memref<1x128xf32, #tpu.memory_space<vmem>> -> memref<128xf32, #tpu.memory_space<vmem>>
        %dma_start3A_245 = arith.constant 0 : i32
        %dma_start3A_246 = tpu.memref_slice %arg14[%rem3A_135, %dma_start3A_241, %dma_start3A_245] : memref<4x4x128xi32, #tpu.memory_space<vmem>> -> memref<1x1x128xi32, #tpu.memory_space<vmem>>
        %dma_start3A_247 = tpu.memref_squeeze %dma_start3A_246 : memref<1x1x128xi32, #tpu.memory_space<vmem>> -> memref<128xi32, #tpu.memory_space<vmem>>
        %dma_start3A_248 = arith.constant 0 : i32
        %dma_start3A_249 = tpu.memref_slice %arg12[%dma_start3A_248] : memref<100352xf32, #tpu.memory_space<vmem_shared>> -> memref<100352xf32, #tpu.memory_space<vmem_shared>>
        tpu.enqueue_indirect_dma source(%dma_start3A_244 : memref<128xf32, #tpu.memory_space<vmem>>) target(%dma_start3A_249 : memref<100352xf32, #tpu.memory_space<vmem_shared>>) offsets(%dma_start3A_247 : memref<128xi32, #tpu.memory_space<vmem>>) semaphore(%arg22 : memref<!tpu.dma_semaphore, #tpu.memory_space<semaphore_mem>>) {add = true}
        %dma_wait3A_250 = arith.constant 2 : i32
        %dma_wait3A_251 = arith.constant 2 : i32
        %dma_wait3A_252 = arith.constant 0 : i32
        %dma_wait3A_253 = tpu.memref_slice %arg17[%dma_wait3A_251, %dma_wait3A_252] : memref<4x128xf32, #tpu.memory_space<vmem>> -> memref<1x128xf32, #tpu.memory_space<vmem>>
        %dma_wait3A_254 = tpu.memref_squeeze %dma_wait3A_253 : memref<1x128xf32, #tpu.memory_space<vmem>> -> memref<128xf32, #tpu.memory_space<vmem>>
        %dma_wait3A_255 = arith.constant 0 : i32
        %dma_wait3A_256 = tpu.memref_slice %arg15[%rem3A_135, %dma_wait3A_250, %dma_wait3A_255] : memref<4x4x128xi32, #tpu.memory_space<vmem>> -> memref<1x1x128xi32, #tpu.memory_space<vmem>>
        %dma_wait3A_257 = tpu.memref_squeeze %dma_wait3A_256 : memref<1x1x128xi32, #tpu.memory_space<vmem>> -> memref<128xi32, #tpu.memory_space<vmem>>
        %dma_wait3A_258 = arith.constant 0 : i32
        %dma_wait3A_259 = tpu.memref_slice %arg13[%dma_wait3A_258] : memref<100352xf32, #tpu.memory_space<vmem_shared>> -> memref<100352xf32, #tpu.memory_space<vmem_shared>>
        tpu.wait_indirect_dma semaphore(%arg21 : memref<!tpu.dma_semaphore, #tpu.memory_space<semaphore_mem>>) src(%dma_wait3A_259 : memref<100352xf32, #tpu.memory_space<vmem_shared>>) dst(%dma_wait3A_254 : memref<128xf32, #tpu.memory_space<vmem>>)
        %dma_start3A_260 = arith.constant 2 : i32
        %dma_start3A_261 = arith.constant 2 : i32
        %dma_start3A_262 = arith.constant 0 : i32
        %dma_start3A_263 = tpu.memref_slice %arg17[%dma_start3A_260, %dma_start3A_262] : memref<4x128xf32, #tpu.memory_space<vmem>> -> memref<1x128xf32, #tpu.memory_space<vmem>>
        %dma_start3A_264 = tpu.memref_squeeze %dma_start3A_263 : memref<1x128xf32, #tpu.memory_space<vmem>> -> memref<128xf32, #tpu.memory_space<vmem>>
        %dma_start3A_265 = arith.constant 0 : i32
        %dma_start3A_266 = tpu.memref_slice %arg14[%rem3A_135, %dma_start3A_261, %dma_start3A_265] : memref<4x4x128xi32, #tpu.memory_space<vmem>> -> memref<1x1x128xi32, #tpu.memory_space<vmem>>
        %dma_start3A_267 = tpu.memref_squeeze %dma_start3A_266 : memref<1x1x128xi32, #tpu.memory_space<vmem>> -> memref<128xi32, #tpu.memory_space<vmem>>
        %dma_start3A_268 = arith.constant 0 : i32
        %dma_start3A_269 = tpu.memref_slice %arg12[%dma_start3A_268] : memref<100352xf32, #tpu.memory_space<vmem_shared>> -> memref<100352xf32, #tpu.memory_space<vmem_shared>>
        tpu.enqueue_indirect_dma source(%dma_start3A_264 : memref<128xf32, #tpu.memory_space<vmem>>) target(%dma_start3A_269 : memref<100352xf32, #tpu.memory_space<vmem_shared>>) offsets(%dma_start3A_267 : memref<128xi32, #tpu.memory_space<vmem>>) semaphore(%arg22 : memref<!tpu.dma_semaphore, #tpu.memory_space<semaphore_mem>>) {add = true}
        %dma_wait3A_270 = arith.constant 3 : i32
        %dma_wait3A_271 = arith.constant 3 : i32
        %dma_wait3A_272 = arith.constant 0 : i32
        %dma_wait3A_273 = tpu.memref_slice %arg17[%dma_wait3A_271, %dma_wait3A_272] : memref<4x128xf32, #tpu.memory_space<vmem>> -> memref<1x128xf32, #tpu.memory_space<vmem>>
        %dma_wait3A_274 = tpu.memref_squeeze %dma_wait3A_273 : memref<1x128xf32, #tpu.memory_space<vmem>> -> memref<128xf32, #tpu.memory_space<vmem>>
        %dma_wait3A_275 = arith.constant 0 : i32
        %dma_wait3A_276 = tpu.memref_slice %arg15[%rem3A_135, %dma_wait3A_270, %dma_wait3A_275] : memref<4x4x128xi32, #tpu.memory_space<vmem>> -> memref<1x1x128xi32, #tpu.memory_space<vmem>>
        %dma_wait3A_277 = tpu.memref_squeeze %dma_wait3A_276 : memref<1x1x128xi32, #tpu.memory_space<vmem>> -> memref<128xi32, #tpu.memory_space<vmem>>
        %dma_wait3A_278 = arith.constant 0 : i32
        %dma_wait3A_279 = tpu.memref_slice %arg13[%dma_wait3A_278] : memref<100352xf32, #tpu.memory_space<vmem_shared>> -> memref<100352xf32, #tpu.memory_space<vmem_shared>>
        tpu.wait_indirect_dma semaphore(%arg21 : memref<!tpu.dma_semaphore, #tpu.memory_space<semaphore_mem>>) src(%dma_wait3A_279 : memref<100352xf32, #tpu.memory_space<vmem_shared>>) dst(%dma_wait3A_274 : memref<128xf32, #tpu.memory_space<vmem>>)
        %dma_start3A_280 = arith.constant 3 : i32
        %dma_start3A_281 = arith.constant 3 : i32
        %dma_start3A_282 = arith.constant 0 : i32
        %dma_start3A_283 = tpu.memref_slice %arg17[%dma_start3A_280, %dma_start3A_282] : memref<4x128xf32, #tpu.memory_space<vmem>> -> memref<1x128xf32, #tpu.memory_space<vmem>>
        %dma_start3A_284 = tpu.memref_squeeze %dma_start3A_283 : memref<1x128xf32, #tpu.memory_space<vmem>> -> memref<128xf32, #tpu.memory_space<vmem>>
        %dma_start3A_285 = arith.constant 0 : i32
        %dma_start3A_286 = tpu.memref_slice %arg14[%rem3A_135, %dma_start3A_281, %dma_start3A_285] : memref<4x4x128xi32, #tpu.memory_space<vmem>> -> memref<1x1x128xi32, #tpu.memory_space<vmem>>
        %dma_start3A_287 = tpu.memref_squeeze %dma_start3A_286 : memref<1x1x128xi32, #tpu.memory_space<vmem>> -> memref<128xi32, #tpu.memory_space<vmem>>
        %dma_start3A_288 = arith.constant 0 : i32
        %dma_start3A_289 = tpu.memref_slice %arg12[%dma_start3A_288] : memref<100352xf32, #tpu.memory_space<vmem_shared>> -> memref<100352xf32, #tpu.memory_space<vmem_shared>>
        tpu.enqueue_indirect_dma source(%dma_start3A_284 : memref<128xf32, #tpu.memory_space<vmem>>) target(%dma_start3A_289 : memref<100352xf32, #tpu.memory_space<vmem_shared>>) offsets(%dma_start3A_287 : memref<128xi32, #tpu.memory_space<vmem>>) semaphore(%arg22 : memref<!tpu.dma_semaphore, #tpu.memory_space<semaphore_mem>>) {add = true}
      } else {
      }
    }
    %scan3A_38 = arith.constant 195 : i32
    %dma_wait3A = arith.constant 0 : i32
    %dma_wait3A_39 = arith.constant 2 : i32
    %dma_wait3A_40 = arith.constant 0 : i32
    %dma_wait3A_41 = arith.constant 0 : i32
    %dma_wait3A_42 = arith.constant 0 : i32
    %dma_wait3A_43 = tpu.memref_slice %arg16[%dma_wait3A, %dma_wait3A_41, %dma_wait3A_42] : memref<4x128x16xf32, #tpu.memory_space<vmem>> -> memref<1x128x16xf32, #tpu.memory_space<vmem>>
    %dma_wait3A_44 = tpu.memref_squeeze %dma_wait3A_43 : memref<1x128x16xf32, #tpu.memory_space<vmem>> -> memref<128x16xf32, #tpu.memory_space<vmem>>
    %dma_wait3A_45 = arith.constant 0 : i32
    %dma_wait3A_46 = tpu.memref_slice %arg15[%dma_wait3A_39, %dma_wait3A_40, %dma_wait3A_45] : memref<4x4x128xi32, #tpu.memory_space<vmem>> -> memref<1x1x128xi32, #tpu.memory_space<vmem>>
    %dma_wait3A_47 = tpu.memref_squeeze %dma_wait3A_46 : memref<1x1x128xi32, #tpu.memory_space<vmem>> -> memref<128xi32, #tpu.memory_space<vmem>>
    %dma_wait3A_48 = arith.constant 0 : i32
    %dma_wait3A_49 = arith.constant 0 : i32
    %dma_wait3A_50 = tpu.memref_slice %arg11[%dma_wait3A_48, %dma_wait3A_49] : memref<100352x16xf32, #tpu.memory_space<vmem_shared>> -> memref<100352x16xf32, #tpu.memory_space<vmem_shared>>
    tpu.wait_indirect_dma semaphore(%arg19 : memref<!tpu.dma_semaphore, #tpu.memory_space<semaphore_mem>>) src(%dma_wait3A_44 : memref<128x16xf32, #tpu.memory_space<vmem>>) dst(%dma_wait3A_50 : memref<100352x16xf32, #tpu.memory_space<vmem_shared>>)
    %dma_wait3A_51 = arith.constant 1 : i32
    %dma_wait3A_52 = arith.constant 2 : i32
    %dma_wait3A_53 = arith.constant 1 : i32
    %dma_wait3A_54 = arith.constant 0 : i32
    %dma_wait3A_55 = arith.constant 0 : i32
    %dma_wait3A_56 = tpu.memref_slice %arg16[%dma_wait3A_51, %dma_wait3A_54, %dma_wait3A_55] : memref<4x128x16xf32, #tpu.memory_space<vmem>> -> memref<1x128x16xf32, #tpu.memory_space<vmem>>
    %dma_wait3A_57 = tpu.memref_squeeze %dma_wait3A_56 : memref<1x128x16xf32, #tpu.memory_space<vmem>> -> memref<128x16xf32, #tpu.memory_space<vmem>>
    %dma_wait3A_58 = arith.constant 0 : i32
    %dma_wait3A_59 = tpu.memref_slice %arg15[%dma_wait3A_52, %dma_wait3A_53, %dma_wait3A_58] : memref<4x4x128xi32, #tpu.memory_space<vmem>> -> memref<1x1x128xi32, #tpu.memory_space<vmem>>
    %dma_wait3A_60 = tpu.memref_squeeze %dma_wait3A_59 : memref<1x1x128xi32, #tpu.memory_space<vmem>> -> memref<128xi32, #tpu.memory_space<vmem>>
    %dma_wait3A_61 = arith.constant 0 : i32
    %dma_wait3A_62 = arith.constant 0 : i32
    %dma_wait3A_63 = tpu.memref_slice %arg11[%dma_wait3A_61, %dma_wait3A_62] : memref<100352x16xf32, #tpu.memory_space<vmem_shared>> -> memref<100352x16xf32, #tpu.memory_space<vmem_shared>>
    tpu.wait_indirect_dma semaphore(%arg19 : memref<!tpu.dma_semaphore, #tpu.memory_space<semaphore_mem>>) src(%dma_wait3A_57 : memref<128x16xf32, #tpu.memory_space<vmem>>) dst(%dma_wait3A_63 : memref<100352x16xf32, #tpu.memory_space<vmem_shared>>)
    %dma_wait3A_64 = arith.constant 2 : i32
    %dma_wait3A_65 = arith.constant 2 : i32
    %dma_wait3A_66 = arith.constant 2 : i32
    %dma_wait3A_67 = arith.constant 0 : i32
    %dma_wait3A_68 = arith.constant 0 : i32
    %dma_wait3A_69 = tpu.memref_slice %arg16[%dma_wait3A_64, %dma_wait3A_67, %dma_wait3A_68] : memref<4x128x16xf32, #tpu.memory_space<vmem>> -> memref<1x128x16xf32, #tpu.memory_space<vmem>>
    %dma_wait3A_70 = tpu.memref_squeeze %dma_wait3A_69 : memref<1x128x16xf32, #tpu.memory_space<vmem>> -> memref<128x16xf32, #tpu.memory_space<vmem>>
    %dma_wait3A_71 = arith.constant 0 : i32
    %dma_wait3A_72 = tpu.memref_slice %arg15[%dma_wait3A_65, %dma_wait3A_66, %dma_wait3A_71] : memref<4x4x128xi32, #tpu.memory_space<vmem>> -> memref<1x1x128xi32, #tpu.memory_space<vmem>>
    %dma_wait3A_73 = tpu.memref_squeeze %dma_wait3A_72 : memref<1x1x128xi32, #tpu.memory_space<vmem>> -> memref<128xi32, #tpu.memory_space<vmem>>
    %dma_wait3A_74 = arith.constant 0 : i32
    %dma_wait3A_75 = arith.constant 0 : i32
    %dma_wait3A_76 = tpu.memref_slice %arg11[%dma_wait3A_74, %dma_wait3A_75] : memref<100352x16xf32, #tpu.memory_space<vmem_shared>> -> memref<100352x16xf32, #tpu.memory_space<vmem_shared>>
    tpu.wait_indirect_dma semaphore(%arg19 : memref<!tpu.dma_semaphore, #tpu.memory_space<semaphore_mem>>) src(%dma_wait3A_70 : memref<128x16xf32, #tpu.memory_space<vmem>>) dst(%dma_wait3A_76 : memref<100352x16xf32, #tpu.memory_space<vmem_shared>>)
    %dma_wait3A_77 = arith.constant 3 : i32
    %dma_wait3A_78 = arith.constant 2 : i32
    %dma_wait3A_79 = arith.constant 3 : i32
    %dma_wait3A_80 = arith.constant 0 : i32
    %dma_wait3A_81 = arith.constant 0 : i32
    %dma_wait3A_82 = tpu.memref_slice %arg16[%dma_wait3A_77, %dma_wait3A_80, %dma_wait3A_81] : memref<4x128x16xf32, #tpu.memory_space<vmem>> -> memref<1x128x16xf32, #tpu.memory_space<vmem>>
    %dma_wait3A_83 = tpu.memref_squeeze %dma_wait3A_82 : memref<1x128x16xf32, #tpu.memory_space<vmem>> -> memref<128x16xf32, #tpu.memory_space<vmem>>
    %dma_wait3A_84 = arith.constant 0 : i32
    %dma_wait3A_85 = tpu.memref_slice %arg15[%dma_wait3A_78, %dma_wait3A_79, %dma_wait3A_84] : memref<4x4x128xi32, #tpu.memory_space<vmem>> -> memref<1x1x128xi32, #tpu.memory_space<vmem>>
    %dma_wait3A_86 = tpu.memref_squeeze %dma_wait3A_85 : memref<1x1x128xi32, #tpu.memory_space<vmem>> -> memref<128xi32, #tpu.memory_space<vmem>>
    %dma_wait3A_87 = arith.constant 0 : i32
    %dma_wait3A_88 = arith.constant 0 : i32
    %dma_wait3A_89 = tpu.memref_slice %arg11[%dma_wait3A_87, %dma_wait3A_88] : memref<100352x16xf32, #tpu.memory_space<vmem_shared>> -> memref<100352x16xf32, #tpu.memory_space<vmem_shared>>
    tpu.wait_indirect_dma semaphore(%arg19 : memref<!tpu.dma_semaphore, #tpu.memory_space<semaphore_mem>>) src(%dma_wait3A_83 : memref<128x16xf32, #tpu.memory_space<vmem>>) dst(%dma_wait3A_89 : memref<100352x16xf32, #tpu.memory_space<vmem_shared>>)
    %eq3A_90 = arith.constant 1 : i32
    %eq3A_91 = arith.cmpi eq, %arg0, %eq3A_90 : i32
    %convert_element_type3A_92 = arith.extui %eq3A_91 : i1 to i32
    %cond3A_93 = arith.constant 0 : i32
    %cond3A_94 = arith.cmpi ne, %convert_element_type3A_92, %cond3A_93 : i32
    scf.if %cond3A_94 {
      %dma_wait3A_134 = arith.constant 0 : i32
      %dma_wait3A_135 = arith.constant 2 : i32
      %dma_wait3A_136 = arith.constant 0 : i32
      %dma_wait3A_137 = arith.constant 0 : i32
      %dma_wait3A_138 = tpu.memref_slice %arg17[%dma_wait3A_134, %dma_wait3A_137] : memref<4x128xf32, #tpu.memory_space<vmem>> -> memref<1x128xf32, #tpu.memory_space<vmem>>
      %dma_wait3A_139 = tpu.memref_squeeze %dma_wait3A_138 : memref<1x128xf32, #tpu.memory_space<vmem>> -> memref<128xf32, #tpu.memory_space<vmem>>
      %dma_wait3A_140 = arith.constant 0 : i32
      %dma_wait3A_141 = tpu.memref_slice %arg14[%dma_wait3A_135, %dma_wait3A_136, %dma_wait3A_140] : memref<4x4x128xi32, #tpu.memory_space<vmem>> -> memref<1x1x128xi32, #tpu.memory_space<vmem>>
      %dma_wait3A_142 = tpu.memref_squeeze %dma_wait3A_141 : memref<1x1x128xi32, #tpu.memory_space<vmem>> -> memref<128xi32, #tpu.memory_space<vmem>>
      %dma_wait3A_143 = arith.constant 0 : i32
      %dma_wait3A_144 = tpu.memref_slice %arg12[%dma_wait3A_143] : memref<100352xf32, #tpu.memory_space<vmem_shared>> -> memref<100352xf32, #tpu.memory_space<vmem_shared>>
      tpu.wait_indirect_dma semaphore(%arg22 : memref<!tpu.dma_semaphore, #tpu.memory_space<semaphore_mem>>) src(%dma_wait3A_139 : memref<128xf32, #tpu.memory_space<vmem>>) dst(%dma_wait3A_144 : memref<100352xf32, #tpu.memory_space<vmem_shared>>)
      %dma_wait3A_145 = arith.constant 1 : i32
      %dma_wait3A_146 = arith.constant 2 : i32
      %dma_wait3A_147 = arith.constant 1 : i32
      %dma_wait3A_148 = arith.constant 0 : i32
      %dma_wait3A_149 = tpu.memref_slice %arg17[%dma_wait3A_145, %dma_wait3A_148] : memref<4x128xf32, #tpu.memory_space<vmem>> -> memref<1x128xf32, #tpu.memory_space<vmem>>
      %dma_wait3A_150 = tpu.memref_squeeze %dma_wait3A_149 : memref<1x128xf32, #tpu.memory_space<vmem>> -> memref<128xf32, #tpu.memory_space<vmem>>
      %dma_wait3A_151 = arith.constant 0 : i32
      %dma_wait3A_152 = tpu.memref_slice %arg14[%dma_wait3A_146, %dma_wait3A_147, %dma_wait3A_151] : memref<4x4x128xi32, #tpu.memory_space<vmem>> -> memref<1x1x128xi32, #tpu.memory_space<vmem>>
      %dma_wait3A_153 = tpu.memref_squeeze %dma_wait3A_152 : memref<1x1x128xi32, #tpu.memory_space<vmem>> -> memref<128xi32, #tpu.memory_space<vmem>>
      %dma_wait3A_154 = arith.constant 0 : i32
      %dma_wait3A_155 = tpu.memref_slice %arg12[%dma_wait3A_154] : memref<100352xf32, #tpu.memory_space<vmem_shared>> -> memref<100352xf32, #tpu.memory_space<vmem_shared>>
      tpu.wait_indirect_dma semaphore(%arg22 : memref<!tpu.dma_semaphore, #tpu.memory_space<semaphore_mem>>) src(%dma_wait3A_150 : memref<128xf32, #tpu.memory_space<vmem>>) dst(%dma_wait3A_155 : memref<100352xf32, #tpu.memory_space<vmem_shared>>)
      %dma_wait3A_156 = arith.constant 2 : i32
      %dma_wait3A_157 = arith.constant 2 : i32
      %dma_wait3A_158 = arith.constant 2 : i32
      %dma_wait3A_159 = arith.constant 0 : i32
      %dma_wait3A_160 = tpu.memref_slice %arg17[%dma_wait3A_156, %dma_wait3A_159] : memref<4x128xf32, #tpu.memory_space<vmem>> -> memref<1x128xf32, #tpu.memory_space<vmem>>
      %dma_wait3A_161 = tpu.memref_squeeze %dma_wait3A_160 : memref<1x128xf32, #tpu.memory_space<vmem>> -> memref<128xf32, #tpu.memory_space<vmem>>
      %dma_wait3A_162 = arith.constant 0 : i32
      %dma_wait3A_163 = tpu.memref_slice %arg14[%dma_wait3A_157, %dma_wait3A_158, %dma_wait3A_162] : memref<4x4x128xi32, #tpu.memory_space<vmem>> -> memref<1x1x128xi32, #tpu.memory_space<vmem>>
      %dma_wait3A_164 = tpu.memref_squeeze %dma_wait3A_163 : memref<1x1x128xi32, #tpu.memory_space<vmem>> -> memref<128xi32, #tpu.memory_space<vmem>>
      %dma_wait3A_165 = arith.constant 0 : i32
      %dma_wait3A_166 = tpu.memref_slice %arg12[%dma_wait3A_165] : memref<100352xf32, #tpu.memory_space<vmem_shared>> -> memref<100352xf32, #tpu.memory_space<vmem_shared>>
      tpu.wait_indirect_dma semaphore(%arg22 : memref<!tpu.dma_semaphore, #tpu.memory_space<semaphore_mem>>) src(%dma_wait3A_161 : memref<128xf32, #tpu.memory_space<vmem>>) dst(%dma_wait3A_166 : memref<100352xf32, #tpu.memory_space<vmem_shared>>)
      %dma_wait3A_167 = arith.constant 3 : i32
      %dma_wait3A_168 = arith.constant 2 : i32
      %dma_wait3A_169 = arith.constant 3 : i32
      %dma_wait3A_170 = arith.constant 0 : i32
      %dma_wait3A_171 = tpu.memref_slice %arg17[%dma_wait3A_167, %dma_wait3A_170] : memref<4x128xf32, #tpu.memory_space<vmem>> -> memref<1x128xf32, #tpu.memory_space<vmem>>
      %dma_wait3A_172 = tpu.memref_squeeze %dma_wait3A_171 : memref<1x128xf32, #tpu.memory_space<vmem>> -> memref<128xf32, #tpu.memory_space<vmem>>
      %dma_wait3A_173 = arith.constant 0 : i32
      %dma_wait3A_174 = tpu.memref_slice %arg14[%dma_wait3A_168, %dma_wait3A_169, %dma_wait3A_173] : memref<4x4x128xi32, #tpu.memory_space<vmem>> -> memref<1x1x128xi32, #tpu.memory_space<vmem>>
      %dma_wait3A_175 = tpu.memref_squeeze %dma_wait3A_174 : memref<1x1x128xi32, #tpu.memory_space<vmem>> -> memref<128xi32, #tpu.memory_space<vmem>>
      %dma_wait3A_176 = arith.constant 0 : i32
      %dma_wait3A_177 = tpu.memref_slice %arg12[%dma_wait3A_176] : memref<100352xf32, #tpu.memory_space<vmem_shared>> -> memref<100352xf32, #tpu.memory_space<vmem_shared>>
      tpu.wait_indirect_dma semaphore(%arg22 : memref<!tpu.dma_semaphore, #tpu.memory_space<semaphore_mem>>) src(%dma_wait3A_172 : memref<128xf32, #tpu.memory_space<vmem>>) dst(%dma_wait3A_177 : memref<100352xf32, #tpu.memory_space<vmem_shared>>)
    } else {
    }
    %mul3A_95 = arith.constant 781 : i32
    %mul3A_96 = arith.muli %arg1, %mul3A_95 : i32
    %add3A_97 = arith.constant 780 : i32
    %add3A_98 = arith.addi %mul3A_96, %add3A_97 : i32
    %eq3A_99 = arith.constant 0 : i32
    %eq3A_100 = arith.cmpi eq, %arg0, %eq3A_99 : i32
    %run_scoped3A = arith.constant 0 : i32
    "tpu.region"() ({
      %run_scoped3A_134 = tpu.sem_alloc : memref<!tpu.dma_semaphore, #tpu.memory_space<semaphore_mem>>
      %dma_start3A_135 = arith.constant 0 : i32
      %dma_start3A_136 = arith.constant 0 : i32
      %dma_start3A_137 = tpu.memref_slice %arg14[%run_scoped3A, %dma_start3A_135, %dma_start3A_136] : memref<4x4x128xi32, #tpu.memory_space<vmem>> -> memref<1x1x128xi32, #tpu.memory_space<vmem>>
      %dma_start3A_138 = tpu.memref_squeeze %dma_start3A_137 : memref<1x1x128xi32, #tpu.memory_space<vmem>> -> memref<1x128xi32, #tpu.memory_space<vmem>>
      %dma_start3A_139 = arith.constant 0 : i32
      %dma_start3A_140 = tpu.memref_slice %arg2[%add3A_98, %dma_start3A_139] : memref<12500x128xi32, #tpu.memory_space<hbm>> -> memref<1x128xi32, #tpu.memory_space<hbm>>
      %dma_start3A_141 = arith.constant 0 : i32
      %dma_start3A_142 = arith.constant 0 : i32
      %dma_start3A_143 = tpu.memref_slice %arg14[%run_scoped3A, %dma_start3A_141, %dma_start3A_142] : memref<4x4x128xi32, #tpu.memory_space<vmem>> -> memref<1x1x128xi32, #tpu.memory_space<vmem>>
      %dma_start3A_144 = tpu.memref_squeeze %dma_start3A_143 : memref<1x1x128xi32, #tpu.memory_space<vmem>> -> memref<1x128xi32, #tpu.memory_space<vmem>>
      %dma_start3A_145 = arith.constant 0 : i32
      %dma_start3A_146 = tpu.memref_slice %arg2[%add3A_98, %dma_start3A_145] : memref<12500x128xi32, #tpu.memory_space<hbm>> -> memref<1x128xi32, #tpu.memory_space<hbm>>
      tpu.enqueue_dma source(%dma_start3A_146 : memref<1x128xi32, #tpu.memory_space<hbm>>) target(%dma_start3A_144 : memref<1x128xi32, #tpu.memory_space<vmem>>) target_semaphore(%run_scoped3A_134 : memref<!tpu.dma_semaphore, #tpu.memory_space<semaphore_mem>>)
      %dma_wait3A_147 = arith.constant 0 : i32
      %dma_wait3A_148 = arith.constant 0 : i32
      %dma_wait3A_149 = tpu.memref_slice %arg14[%run_scoped3A, %dma_wait3A_147, %dma_wait3A_148] : memref<4x4x128xi32, #tpu.memory_space<vmem>> -> memref<1x1x128xi32, #tpu.memory_space<vmem>>
      %dma_wait3A_150 = tpu.memref_squeeze %dma_wait3A_149 : memref<1x1x128xi32, #tpu.memory_space<vmem>> -> memref<1x128xi32, #tpu.memory_space<vmem>>
      %dma_wait3A_151 = arith.constant 0 : i32
      %dma_wait3A_152 = tpu.memref_slice %arg2[%add3A_98, %dma_wait3A_151] : memref<12500x128xi32, #tpu.memory_space<hbm>> -> memref<1x128xi32, #tpu.memory_space<hbm>>
      %dma_wait3A_153 = arith.constant 0 : i32
      %dma_wait3A_154 = arith.constant 0 : i32
      %dma_wait3A_155 = tpu.memref_slice %arg14[%run_scoped3A, %dma_wait3A_153, %dma_wait3A_154] : memref<4x4x128xi32, #tpu.memory_space<vmem>> -> memref<1x1x128xi32, #tpu.memory_space<vmem>>
      %dma_wait3A_156 = tpu.memref_squeeze %dma_wait3A_155 : memref<1x1x128xi32, #tpu.memory_space<vmem>> -> memref<1x128xi32, #tpu.memory_space<vmem>>
      %dma_wait3A_157 = arith.constant 0 : i32
      %dma_wait3A_158 = tpu.memref_slice %arg2[%add3A_98, %dma_wait3A_157] : memref<12500x128xi32, #tpu.memory_space<hbm>> -> memref<1x128xi32, #tpu.memory_space<hbm>>
      tpu.wait_dma2 semaphore(%run_scoped3A_134 : memref<!tpu.dma_semaphore, #tpu.memory_space<semaphore_mem>>) src(%dma_wait3A_158 : memref<1x128xi32, #tpu.memory_space<hbm>>) dst(%dma_wait3A_156 : memref<1x128xi32, #tpu.memory_space<vmem>>)
      tpu.yield
    }) : () -> ()
    %run_scoped3A_101 = arith.constant 0 : i32
    "tpu.region"() ({
      %run_scoped3A_134 = tpu.sem_alloc : memref<!tpu.dma_semaphore, #tpu.memory_space<semaphore_mem>>
      %dma_start3A_135 = arith.constant 0 : i32
      %dma_start3A_136 = arith.constant 0 : i32
      %dma_start3A_137 = tpu.memref_slice %arg15[%run_scoped3A_101, %dma_start3A_135, %dma_start3A_136] : memref<4x4x128xi32, #tpu.memory_space<vmem>> -> memref<1x1x128xi32, #tpu.memory_space<vmem>>
      %dma_start3A_138 = tpu.memref_squeeze %dma_start3A_137 : memref<1x1x128xi32, #tpu.memory_space<vmem>> -> memref<1x128xi32, #tpu.memory_space<vmem>>
      %dma_start3A_139 = arith.constant 0 : i32
      %dma_start3A_140 = tpu.memref_slice %arg3[%add3A_98, %dma_start3A_139] : memref<12500x128xi32, #tpu.memory_space<hbm>> -> memref<1x128xi32, #tpu.memory_space<hbm>>
      %dma_start3A_141 = arith.constant 0 : i32
      %dma_start3A_142 = arith.constant 0 : i32
      %dma_start3A_143 = tpu.memref_slice %arg15[%run_scoped3A_101, %dma_start3A_141, %dma_start3A_142] : memref<4x4x128xi32, #tpu.memory_space<vmem>> -> memref<1x1x128xi32, #tpu.memory_space<vmem>>
      %dma_start3A_144 = tpu.memref_squeeze %dma_start3A_143 : memref<1x1x128xi32, #tpu.memory_space<vmem>> -> memref<1x128xi32, #tpu.memory_space<vmem>>
      %dma_start3A_145 = arith.constant 0 : i32
      %dma_start3A_146 = tpu.memref_slice %arg3[%add3A_98, %dma_start3A_145] : memref<12500x128xi32, #tpu.memory_space<hbm>> -> memref<1x128xi32, #tpu.memory_space<hbm>>
      tpu.enqueue_dma source(%dma_start3A_146 : memref<1x128xi32, #tpu.memory_space<hbm>>) target(%dma_start3A_144 : memref<1x128xi32, #tpu.memory_space<vmem>>) target_semaphore(%run_scoped3A_134 : memref<!tpu.dma_semaphore, #tpu.memory_space<semaphore_mem>>)
      %dma_wait3A_147 = arith.constant 0 : i32
      %dma_wait3A_148 = arith.constant 0 : i32
      %dma_wait3A_149 = tpu.memref_slice %arg15[%run_scoped3A_101, %dma_wait3A_147, %dma_wait3A_148] : memref<4x4x128xi32, #tpu.memory_space<vmem>> -> memref<1x1x128xi32, #tpu.memory_space<vmem>>
      %dma_wait3A_150 = tpu.memref_squeeze %dma_wait3A_149 : memref<1x1x128xi32, #tpu.memory_space<vmem>> -> memref<1x128xi32, #tpu.memory_space<vmem>>
      %dma_wait3A_151 = arith.constant 0 : i32
      %dma_wait3A_152 = tpu.memref_slice %arg3[%add3A_98, %dma_wait3A_151] : memref<12500x128xi32, #tpu.memory_space<hbm>> -> memref<1x128xi32, #tpu.memory_space<hbm>>
      %dma_wait3A_153 = arith.constant 0 : i32
      %dma_wait3A_154 = arith.constant 0 : i32
      %dma_wait3A_155 = tpu.memref_slice %arg15[%run_scoped3A_101, %dma_wait3A_153, %dma_wait3A_154] : memref<4x4x128xi32, #tpu.memory_space<vmem>> -> memref<1x1x128xi32, #tpu.memory_space<vmem>>
      %dma_wait3A_156 = tpu.memref_squeeze %dma_wait3A_155 : memref<1x1x128xi32, #tpu.memory_space<vmem>> -> memref<1x128xi32, #tpu.memory_space<vmem>>
      %dma_wait3A_157 = arith.constant 0 : i32
      %dma_wait3A_158 = tpu.memref_slice %arg3[%add3A_98, %dma_wait3A_157] : memref<12500x128xi32, #tpu.memory_space<hbm>> -> memref<1x128xi32, #tpu.memory_space<hbm>>
      tpu.wait_dma2 semaphore(%run_scoped3A_134 : memref<!tpu.dma_semaphore, #tpu.memory_space<semaphore_mem>>) src(%dma_wait3A_158 : memref<1x128xi32, #tpu.memory_space<hbm>>) dst(%dma_wait3A_156 : memref<1x128xi32, #tpu.memory_space<vmem>>)
      tpu.yield
    }) : () -> ()
    %eq3A_102 = arith.constant 0 : i32
    %eq3A_103 = arith.cmpi eq, %arg0, %eq3A_102 : i32
    %convert_element_type3A_104 = arith.extui %eq3A_103 : i1 to i32
    %cond3A_105 = arith.constant 0 : i32
    %cond3A_106 = arith.cmpi ne, %convert_element_type3A_104, %cond3A_105 : i32
    scf.if %cond3A_106 {
      %dma_start3A_134 = arith.constant 0 : i32
      %dma_start3A_135 = arith.constant 0 : i32
      %dma_start3A_136 = arith.constant 0 : i32
      %dma_start3A_137 = arith.constant 0 : i32
      %dma_start3A_138 = arith.constant 0 : i32
      %dma_start3A_139 = tpu.memref_slice %arg16[%dma_start3A_136, %dma_start3A_137, %dma_start3A_138] : memref<4x128x16xf32, #tpu.memory_space<vmem>> -> memref<1x128x16xf32, #tpu.memory_space<vmem>>
      %dma_start3A_140 = tpu.memref_squeeze %dma_start3A_139 : memref<1x128x16xf32, #tpu.memory_space<vmem>> -> memref<128x16xf32, #tpu.memory_space<vmem>>
      %dma_start3A_141 = arith.constant 0 : i32
      %dma_start3A_142 = tpu.memref_slice %arg14[%dma_start3A_134, %dma_start3A_135, %dma_start3A_141] : memref<4x4x128xi32, #tpu.memory_space<vmem>> -> memref<1x1x128xi32, #tpu.memory_space<vmem>>
      %dma_start3A_143 = tpu.memref_squeeze %dma_start3A_142 : memref<1x1x128xi32, #tpu.memory_space<vmem>> -> memref<128xi32, #tpu.memory_space<vmem>>
      %dma_start3A_144 = arith.constant 0 : i32
      %dma_start3A_145 = arith.constant 0 : i32
      %dma_start3A_146 = tpu.memref_slice %arg4[%dma_start3A_144, %dma_start3A_145] : memref<100352x16xf32, #tpu.memory_space<hbm>> -> memref<100352x16xf32, #tpu.memory_space<hbm>>
      tpu.enqueue_indirect_dma source(%dma_start3A_146 : memref<100352x16xf32, #tpu.memory_space<hbm>>) target(%dma_start3A_140 : memref<128x16xf32, #tpu.memory_space<vmem>>) offsets(%dma_start3A_143 : memref<128xi32, #tpu.memory_space<vmem>>) semaphore(%arg18 : memref<!tpu.dma_semaphore, #tpu.memory_space<semaphore_mem>>)
      %dma_wait3A_147 = arith.constant 0 : i32
      %dma_wait3A_148 = arith.constant 0 : i32
      %dma_wait3A_149 = arith.constant 0 : i32
      %dma_wait3A_150 = arith.constant 0 : i32
      %dma_wait3A_151 = arith.constant 0 : i32
      %dma_wait3A_152 = tpu.memref_slice %arg16[%dma_wait3A_149, %dma_wait3A_150, %dma_wait3A_151] : memref<4x128x16xf32, #tpu.memory_space<vmem>> -> memref<1x128x16xf32, #tpu.memory_space<vmem>>
      %dma_wait3A_153 = tpu.memref_squeeze %dma_wait3A_152 : memref<1x128x16xf32, #tpu.memory_space<vmem>> -> memref<128x16xf32, #tpu.memory_space<vmem>>
      %dma_wait3A_154 = arith.constant 0 : i32
      %dma_wait3A_155 = tpu.memref_slice %arg14[%dma_wait3A_147, %dma_wait3A_148, %dma_wait3A_154] : memref<4x4x128xi32, #tpu.memory_space<vmem>> -> memref<1x1x128xi32, #tpu.memory_space<vmem>>
      %dma_wait3A_156 = tpu.memref_squeeze %dma_wait3A_155 : memref<1x1x128xi32, #tpu.memory_space<vmem>> -> memref<128xi32, #tpu.memory_space<vmem>>
      %dma_wait3A_157 = arith.constant 0 : i32
      %dma_wait3A_158 = arith.constant 0 : i32
      %dma_wait3A_159 = tpu.memref_slice %arg4[%dma_wait3A_157, %dma_wait3A_158] : memref<100352x16xf32, #tpu.memory_space<hbm>> -> memref<100352x16xf32, #tpu.memory_space<hbm>>
      tpu.wait_indirect_dma semaphore(%arg18 : memref<!tpu.dma_semaphore, #tpu.memory_space<semaphore_mem>>) src(%dma_wait3A_159 : memref<100352x16xf32, #tpu.memory_space<hbm>>) dst(%dma_wait3A_153 : memref<128x16xf32, #tpu.memory_space<vmem>>)
      %run_scoped3A_160 = arith.constant 0 : i32
      %run_scoped3A_161 = arith.constant 0 : i32
      %run_scoped3A_162 = arith.constant 0 : i32
      "tpu.region"() ({
        %run_scoped3A_163 = tpu.sem_alloc : memref<!tpu.dma_semaphore, #tpu.memory_space<semaphore_mem>>
        %dma_start3A_164 = arith.constant 0 : i32
        %dma_start3A_165 = arith.constant 0 : i32
        %dma_start3A_166 = tpu.memref_slice %arg16[%run_scoped3A_160, %dma_start3A_164, %dma_start3A_165] : memref<4x128x16xf32, #tpu.memory_space<vmem>> -> memref<1x128x16xf32, #tpu.memory_space<vmem>>
        %dma_start3A_167 = tpu.memref_squeeze %dma_start3A_166 : memref<1x128x16xf32, #tpu.memory_space<vmem>> -> memref<128x16xf32, #tpu.memory_space<vmem>>
        %dma_start3A_168 = arith.constant 0 : i32
        %dma_start3A_169 = tpu.memref_slice %arg15[%run_scoped3A_161, %run_scoped3A_162, %dma_start3A_168] : memref<4x4x128xi32, #tpu.memory_space<vmem>> -> memref<1x1x128xi32, #tpu.memory_space<vmem>>
        %dma_start3A_170 = tpu.memref_squeeze %dma_start3A_169 : memref<1x1x128xi32, #tpu.memory_space<vmem>> -> memref<128xi32, #tpu.memory_space<vmem>>
        %dma_start3A_171 = arith.constant 0 : i32
        %dma_start3A_172 = arith.constant 0 : i32
        %dma_start3A_173 = tpu.memref_slice %arg11[%dma_start3A_171, %dma_start3A_172] : memref<100352x16xf32, #tpu.memory_space<vmem_shared>> -> memref<100352x16xf32, #tpu.memory_space<vmem_shared>>
        tpu.enqueue_indirect_dma source(%dma_start3A_167 : memref<128x16xf32, #tpu.memory_space<vmem>>) target(%dma_start3A_173 : memref<100352x16xf32, #tpu.memory_space<vmem_shared>>) offsets(%dma_start3A_170 : memref<128xi32, #tpu.memory_space<vmem>>) semaphore(%run_scoped3A_163 : memref<!tpu.dma_semaphore, #tpu.memory_space<semaphore_mem>>) {add = true}
        %dma_wait3A_174 = arith.constant 0 : i32
        %dma_wait3A_175 = arith.constant 0 : i32
        %dma_wait3A_176 = tpu.memref_slice %arg16[%run_scoped3A_160, %dma_wait3A_174, %dma_wait3A_175] : memref<4x128x16xf32, #tpu.memory_space<vmem>> -> memref<1x128x16xf32, #tpu.memory_space<vmem>>
        %dma_wait3A_177 = tpu.memref_squeeze %dma_wait3A_176 : memref<1x128x16xf32, #tpu.memory_space<vmem>> -> memref<128x16xf32, #tpu.memory_space<vmem>>
        %dma_wait3A_178 = arith.constant 0 : i32
        %dma_wait3A_179 = tpu.memref_slice %arg15[%run_scoped3A_161, %run_scoped3A_162, %dma_wait3A_178] : memref<4x4x128xi32, #tpu.memory_space<vmem>> -> memref<1x1x128xi32, #tpu.memory_space<vmem>>
        %dma_wait3A_180 = tpu.memref_squeeze %dma_wait3A_179 : memref<1x1x128xi32, #tpu.memory_space<vmem>> -> memref<128xi32, #tpu.memory_space<vmem>>
        %dma_wait3A_181 = arith.constant 0 : i32
        %dma_wait3A_182 = arith.constant 0 : i32
        %dma_wait3A_183 = tpu.memref_slice %arg11[%dma_wait3A_181, %dma_wait3A_182] : memref<100352x16xf32, #tpu.memory_space<vmem_shared>> -> memref<100352x16xf32, #tpu.memory_space<vmem_shared>>
        tpu.wait_indirect_dma semaphore(%run_scoped3A_163 : memref<!tpu.dma_semaphore, #tpu.memory_space<semaphore_mem>>) src(%dma_wait3A_177 : memref<128x16xf32, #tpu.memory_space<vmem>>) dst(%dma_wait3A_183 : memref<100352x16xf32, #tpu.memory_space<vmem_shared>>)
        tpu.yield
      }) : () -> ()
    } else {
    }
    %eq3A_107 = arith.constant 1 : i32
    %eq3A_108 = arith.cmpi eq, %arg0, %eq3A_107 : i32
    %convert_element_type3A_109 = arith.extui %eq3A_108 : i1 to i32
    %cond3A_110 = arith.constant 0 : i32
    %cond3A_111 = arith.cmpi ne, %convert_element_type3A_109, %cond3A_110 : i32
    scf.if %cond3A_111 {
      %dma_start3A_134 = arith.constant 0 : i32
      %dma_start3A_135 = arith.constant 0 : i32
      %dma_start3A_136 = arith.constant 0 : i32
      %dma_start3A_137 = arith.constant 0 : i32
      %dma_start3A_138 = arith.constant 0 : i32
      %dma_start3A_139 = tpu.memref_slice %arg16[%dma_start3A_136, %dma_start3A_137, %dma_start3A_138] : memref<4x128x16xf32, #tpu.memory_space<vmem>> -> memref<1x128x16xf32, #tpu.memory_space<vmem>>
      %dma_start3A_140 = tpu.memref_squeeze %dma_start3A_139 : memref<1x128x16xf32, #tpu.memory_space<vmem>> -> memref<128x16xf32, #tpu.memory_space<vmem>>
      %dma_start3A_141 = arith.constant 0 : i32
      %dma_start3A_142 = tpu.memref_slice %arg14[%dma_start3A_134, %dma_start3A_135, %dma_start3A_141] : memref<4x4x128xi32, #tpu.memory_space<vmem>> -> memref<1x1x128xi32, #tpu.memory_space<vmem>>
      %dma_start3A_143 = tpu.memref_squeeze %dma_start3A_142 : memref<1x1x128xi32, #tpu.memory_space<vmem>> -> memref<128xi32, #tpu.memory_space<vmem>>
      %dma_start3A_144 = arith.constant 0 : i32
      %dma_start3A_145 = arith.constant 0 : i32
      %dma_start3A_146 = tpu.memref_slice %arg5[%dma_start3A_144, %dma_start3A_145] : memref<100352x16xf32, #tpu.memory_space<hbm>> -> memref<100352x16xf32, #tpu.memory_space<hbm>>
      tpu.enqueue_indirect_dma source(%dma_start3A_146 : memref<100352x16xf32, #tpu.memory_space<hbm>>) target(%dma_start3A_140 : memref<128x16xf32, #tpu.memory_space<vmem>>) offsets(%dma_start3A_143 : memref<128xi32, #tpu.memory_space<vmem>>) semaphore(%arg18 : memref<!tpu.dma_semaphore, #tpu.memory_space<semaphore_mem>>)
      %dma_wait3A_147 = arith.constant 0 : i32
      %dma_wait3A_148 = arith.constant 0 : i32
      %dma_wait3A_149 = arith.constant 0 : i32
      %dma_wait3A_150 = arith.constant 0 : i32
      %dma_wait3A_151 = arith.constant 0 : i32
      %dma_wait3A_152 = tpu.memref_slice %arg16[%dma_wait3A_149, %dma_wait3A_150, %dma_wait3A_151] : memref<4x128x16xf32, #tpu.memory_space<vmem>> -> memref<1x128x16xf32, #tpu.memory_space<vmem>>
      %dma_wait3A_153 = tpu.memref_squeeze %dma_wait3A_152 : memref<1x128x16xf32, #tpu.memory_space<vmem>> -> memref<128x16xf32, #tpu.memory_space<vmem>>
      %dma_wait3A_154 = arith.constant 0 : i32
      %dma_wait3A_155 = tpu.memref_slice %arg14[%dma_wait3A_147, %dma_wait3A_148, %dma_wait3A_154] : memref<4x4x128xi32, #tpu.memory_space<vmem>> -> memref<1x1x128xi32, #tpu.memory_space<vmem>>
      %dma_wait3A_156 = tpu.memref_squeeze %dma_wait3A_155 : memref<1x1x128xi32, #tpu.memory_space<vmem>> -> memref<128xi32, #tpu.memory_space<vmem>>
      %dma_wait3A_157 = arith.constant 0 : i32
      %dma_wait3A_158 = arith.constant 0 : i32
      %dma_wait3A_159 = tpu.memref_slice %arg5[%dma_wait3A_157, %dma_wait3A_158] : memref<100352x16xf32, #tpu.memory_space<hbm>> -> memref<100352x16xf32, #tpu.memory_space<hbm>>
      tpu.wait_indirect_dma semaphore(%arg18 : memref<!tpu.dma_semaphore, #tpu.memory_space<semaphore_mem>>) src(%dma_wait3A_159 : memref<100352x16xf32, #tpu.memory_space<hbm>>) dst(%dma_wait3A_153 : memref<128x16xf32, #tpu.memory_space<vmem>>)
      %run_scoped3A_160 = arith.constant 0 : i32
      %run_scoped3A_161 = arith.constant 0 : i32
      %run_scoped3A_162 = arith.constant 0 : i32
      "tpu.region"() ({
        %run_scoped3A_163 = tpu.sem_alloc : memref<!tpu.dma_semaphore, #tpu.memory_space<semaphore_mem>>
        %dma_start3A_164 = arith.constant 0 : i32
        %dma_start3A_165 = arith.constant 0 : i32
        %dma_start3A_166 = tpu.memref_slice %arg16[%run_scoped3A_160, %dma_start3A_164, %dma_start3A_165] : memref<4x128x16xf32, #tpu.memory_space<vmem>> -> memref<1x128x16xf32, #tpu.memory_space<vmem>>
        %dma_start3A_167 = tpu.memref_squeeze %dma_start3A_166 : memref<1x128x16xf32, #tpu.memory_space<vmem>> -> memref<128x16xf32, #tpu.memory_space<vmem>>
        %dma_start3A_168 = arith.constant 0 : i32
        %dma_start3A_169 = tpu.memref_slice %arg15[%run_scoped3A_161, %run_scoped3A_162, %dma_start3A_168] : memref<4x4x128xi32, #tpu.memory_space<vmem>> -> memref<1x1x128xi32, #tpu.memory_space<vmem>>
        %dma_start3A_170 = tpu.memref_squeeze %dma_start3A_169 : memref<1x1x128xi32, #tpu.memory_space<vmem>> -> memref<128xi32, #tpu.memory_space<vmem>>
        %dma_start3A_171 = arith.constant 0 : i32
        %dma_start3A_172 = arith.constant 0 : i32
        %dma_start3A_173 = tpu.memref_slice %arg11[%dma_start3A_171, %dma_start3A_172] : memref<100352x16xf32, #tpu.memory_space<vmem_shared>> -> memref<100352x16xf32, #tpu.memory_space<vmem_shared>>
        tpu.enqueue_indirect_dma source(%dma_start3A_167 : memref<128x16xf32, #tpu.memory_space<vmem>>) target(%dma_start3A_173 : memref<100352x16xf32, #tpu.memory_space<vmem_shared>>) offsets(%dma_start3A_170 : memref<128xi32, #tpu.memory_space<vmem>>) semaphore(%run_scoped3A_163 : memref<!tpu.dma_semaphore, #tpu.memory_space<semaphore_mem>>) {add = true}
        %dma_wait3A_174 = arith.constant 0 : i32
        %dma_wait3A_175 = arith.constant 0 : i32
        %dma_wait3A_176 = tpu.memref_slice %arg16[%run_scoped3A_160, %dma_wait3A_174, %dma_wait3A_175] : memref<4x128x16xf32, #tpu.memory_space<vmem>> -> memref<1x128x16xf32, #tpu.memory_space<vmem>>
        %dma_wait3A_177 = tpu.memref_squeeze %dma_wait3A_176 : memref<1x128x16xf32, #tpu.memory_space<vmem>> -> memref<128x16xf32, #tpu.memory_space<vmem>>
        %dma_wait3A_178 = arith.constant 0 : i32
        %dma_wait3A_179 = tpu.memref_slice %arg15[%run_scoped3A_161, %run_scoped3A_162, %dma_wait3A_178] : memref<4x4x128xi32, #tpu.memory_space<vmem>> -> memref<1x1x128xi32, #tpu.memory_space<vmem>>
        %dma_wait3A_180 = tpu.memref_squeeze %dma_wait3A_179 : memref<1x1x128xi32, #tpu.memory_space<vmem>> -> memref<128xi32, #tpu.memory_space<vmem>>
        %dma_wait3A_181 = arith.constant 0 : i32
        %dma_wait3A_182 = arith.constant 0 : i32
        %dma_wait3A_183 = tpu.memref_slice %arg11[%dma_wait3A_181, %dma_wait3A_182] : memref<100352x16xf32, #tpu.memory_space<vmem_shared>> -> memref<100352x16xf32, #tpu.memory_space<vmem_shared>>
        tpu.wait_indirect_dma semaphore(%run_scoped3A_163 : memref<!tpu.dma_semaphore, #tpu.memory_space<semaphore_mem>>) src(%dma_wait3A_177 : memref<128x16xf32, #tpu.memory_space<vmem>>) dst(%dma_wait3A_183 : memref<100352x16xf32, #tpu.memory_space<vmem_shared>>)
        tpu.yield
      }) : () -> ()
    } else {
    }
    %convert_element_type3A_112 = arith.extui %eq3A_100 : i1 to i32
    %cond3A_113 = arith.constant 0 : i32
    %cond3A_114 = arith.cmpi ne, %convert_element_type3A_112, %cond3A_113 : i32
    scf.if %cond3A_114 {
      %dma_start3A_134 = arith.constant 0 : i32
      %dma_start3A_135 = arith.constant 0 : i32
      %dma_start3A_136 = arith.constant 0 : i32
      %dma_start3A_137 = arith.constant 0 : i32
      %dma_start3A_138 = tpu.memref_slice %arg17[%dma_start3A_136, %dma_start3A_137] : memref<4x128xf32, #tpu.memory_space<vmem>> -> memref<1x128xf32, #tpu.memory_space<vmem>>
      %dma_start3A_139 = tpu.memref_squeeze %dma_start3A_138 : memref<1x128xf32, #tpu.memory_space<vmem>> -> memref<128xf32, #tpu.memory_space<vmem>>
      %dma_start3A_140 = arith.constant 0 : i32
      %dma_start3A_141 = tpu.memref_slice %arg15[%dma_start3A_134, %dma_start3A_135, %dma_start3A_140] : memref<4x4x128xi32, #tpu.memory_space<vmem>> -> memref<1x1x128xi32, #tpu.memory_space<vmem>>
      %dma_start3A_142 = tpu.memref_squeeze %dma_start3A_141 : memref<1x1x128xi32, #tpu.memory_space<vmem>> -> memref<128xi32, #tpu.memory_space<vmem>>
      %dma_start3A_143 = arith.constant 0 : i32
      %dma_start3A_144 = tpu.memref_slice %arg13[%dma_start3A_143] : memref<100352xf32, #tpu.memory_space<vmem_shared>> -> memref<100352xf32, #tpu.memory_space<vmem_shared>>
      tpu.enqueue_indirect_dma source(%dma_start3A_144 : memref<100352xf32, #tpu.memory_space<vmem_shared>>) target(%dma_start3A_139 : memref<128xf32, #tpu.memory_space<vmem>>) offsets(%dma_start3A_142 : memref<128xi32, #tpu.memory_space<vmem>>) semaphore(%arg21 : memref<!tpu.dma_semaphore, #tpu.memory_space<semaphore_mem>>)
      %dma_wait3A_145 = arith.constant 0 : i32
      %dma_wait3A_146 = arith.constant 0 : i32
      %dma_wait3A_147 = arith.constant 0 : i32
      %dma_wait3A_148 = arith.constant 0 : i32
      %dma_wait3A_149 = tpu.memref_slice %arg17[%dma_wait3A_147, %dma_wait3A_148] : memref<4x128xf32, #tpu.memory_space<vmem>> -> memref<1x128xf32, #tpu.memory_space<vmem>>
      %dma_wait3A_150 = tpu.memref_squeeze %dma_wait3A_149 : memref<1x128xf32, #tpu.memory_space<vmem>> -> memref<128xf32, #tpu.memory_space<vmem>>
      %dma_wait3A_151 = arith.constant 0 : i32
      %dma_wait3A_152 = tpu.memref_slice %arg15[%dma_wait3A_145, %dma_wait3A_146, %dma_wait3A_151] : memref<4x4x128xi32, #tpu.memory_space<vmem>> -> memref<1x1x128xi32, #tpu.memory_space<vmem>>
      %dma_wait3A_153 = tpu.memref_squeeze %dma_wait3A_152 : memref<1x1x128xi32, #tpu.memory_space<vmem>> -> memref<128xi32, #tpu.memory_space<vmem>>
      %dma_wait3A_154 = arith.constant 0 : i32
      %dma_wait3A_155 = tpu.memref_slice %arg13[%dma_wait3A_154] : memref<100352xf32, #tpu.memory_space<vmem_shared>> -> memref<100352xf32, #tpu.memory_space<vmem_shared>>
      tpu.wait_indirect_dma semaphore(%arg21 : memref<!tpu.dma_semaphore, #tpu.memory_space<semaphore_mem>>) src(%dma_wait3A_155 : memref<100352xf32, #tpu.memory_space<vmem_shared>>) dst(%dma_wait3A_150 : memref<128xf32, #tpu.memory_space<vmem>>)
      %run_scoped3A_156 = arith.constant 0 : i32
      %run_scoped3A_157 = arith.constant 0 : i32
      %run_scoped3A_158 = arith.constant 0 : i32
      "tpu.region"() ({
        %run_scoped3A_159 = tpu.sem_alloc : memref<!tpu.dma_semaphore, #tpu.memory_space<semaphore_mem>>
        %dma_start3A_160 = arith.constant 0 : i32
        %dma_start3A_161 = tpu.memref_slice %arg17[%run_scoped3A_156, %dma_start3A_160] : memref<4x128xf32, #tpu.memory_space<vmem>> -> memref<1x128xf32, #tpu.memory_space<vmem>>
        %dma_start3A_162 = tpu.memref_squeeze %dma_start3A_161 : memref<1x128xf32, #tpu.memory_space<vmem>> -> memref<128xf32, #tpu.memory_space<vmem>>
        %dma_start3A_163 = arith.constant 0 : i32
        %dma_start3A_164 = tpu.memref_slice %arg14[%run_scoped3A_157, %run_scoped3A_158, %dma_start3A_163] : memref<4x4x128xi32, #tpu.memory_space<vmem>> -> memref<1x1x128xi32, #tpu.memory_space<vmem>>
        %dma_start3A_165 = tpu.memref_squeeze %dma_start3A_164 : memref<1x1x128xi32, #tpu.memory_space<vmem>> -> memref<128xi32, #tpu.memory_space<vmem>>
        %dma_start3A_166 = arith.constant 0 : i32
        %dma_start3A_167 = tpu.memref_slice %arg12[%dma_start3A_166] : memref<100352xf32, #tpu.memory_space<vmem_shared>> -> memref<100352xf32, #tpu.memory_space<vmem_shared>>
        tpu.enqueue_indirect_dma source(%dma_start3A_162 : memref<128xf32, #tpu.memory_space<vmem>>) target(%dma_start3A_167 : memref<100352xf32, #tpu.memory_space<vmem_shared>>) offsets(%dma_start3A_165 : memref<128xi32, #tpu.memory_space<vmem>>) semaphore(%run_scoped3A_159 : memref<!tpu.dma_semaphore, #tpu.memory_space<semaphore_mem>>) {add = true}
        %dma_wait3A_168 = arith.constant 0 : i32
        %dma_wait3A_169 = tpu.memref_slice %arg17[%run_scoped3A_156, %dma_wait3A_168] : memref<4x128xf32, #tpu.memory_space<vmem>> -> memref<1x128xf32, #tpu.memory_space<vmem>>
        %dma_wait3A_170 = tpu.memref_squeeze %dma_wait3A_169 : memref<1x128xf32, #tpu.memory_space<vmem>> -> memref<128xf32, #tpu.memory_space<vmem>>
        %dma_wait3A_171 = arith.constant 0 : i32
        %dma_wait3A_172 = tpu.memref_slice %arg14[%run_scoped3A_157, %run_scoped3A_158, %dma_wait3A_171] : memref<4x4x128xi32, #tpu.memory_space<vmem>> -> memref<1x1x128xi32, #tpu.memory_space<vmem>>
        %dma_wait3A_173 = tpu.memref_squeeze %dma_wait3A_172 : memref<1x1x128xi32, #tpu.memory_space<vmem>> -> memref<128xi32, #tpu.memory_space<vmem>>
        %dma_wait3A_174 = arith.constant 0 : i32
        %dma_wait3A_175 = tpu.memref_slice %arg12[%dma_wait3A_174] : memref<100352xf32, #tpu.memory_space<vmem_shared>> -> memref<100352xf32, #tpu.memory_space<vmem_shared>>
        tpu.wait_indirect_dma semaphore(%run_scoped3A_159 : memref<!tpu.dma_semaphore, #tpu.memory_space<semaphore_mem>>) src(%dma_wait3A_170 : memref<128xf32, #tpu.memory_space<vmem>>) dst(%dma_wait3A_175 : memref<100352xf32, #tpu.memory_space<vmem_shared>>)
        tpu.yield
      }) : () -> ()
    } else {
    }
    %lt3A = arith.constant 4 : i32
    %lt3A_115 = arith.cmpi slt, %arg1, %lt3A : i32
    %convert_element_type3A_116 = arith.extui %lt3A_115 : i1 to i32
    %cond3A_117 = arith.constant 0 : i32
    %cond3A_118 = arith.cmpi ne, %convert_element_type3A_116, %cond3A_117 : i32
    scf.if %cond3A_118 {
      %add3A_134 = arith.constant 12496 : i32
      %add3A_135 = arith.addi %add3A_134, %arg1 : i32
      %eq3A_136 = arith.constant 1 : i32
      %eq3A_137 = arith.cmpi eq, %arg0, %eq3A_136 : i32
      %run_scoped3A_138 = arith.constant 0 : i32
      "tpu.region"() ({
        %run_scoped3A_153 = tpu.sem_alloc : memref<!tpu.dma_semaphore, #tpu.memory_space<semaphore_mem>>
        %dma_start3A_154 = arith.constant 0 : i32
        %dma_start3A_155 = arith.constant 0 : i32
        %dma_start3A_156 = tpu.memref_slice %arg14[%run_scoped3A_138, %dma_start3A_154, %dma_start3A_155] : memref<4x4x128xi32, #tpu.memory_space<vmem>> -> memref<1x1x128xi32, #tpu.memory_space<vmem>>
        %dma_start3A_157 = tpu.memref_squeeze %dma_start3A_156 : memref<1x1x128xi32, #tpu.memory_space<vmem>> -> memref<1x128xi32, #tpu.memory_space<vmem>>
        %dma_start3A_158 = arith.constant 0 : i32
        %dma_start3A_159 = tpu.memref_slice %arg2[%add3A_135, %dma_start3A_158] : memref<12500x128xi32, #tpu.memory_space<hbm>> -> memref<1x128xi32, #tpu.memory_space<hbm>>
        %dma_start3A_160 = arith.constant 0 : i32
        %dma_start3A_161 = arith.constant 0 : i32
        %dma_start3A_162 = tpu.memref_slice %arg14[%run_scoped3A_138, %dma_start3A_160, %dma_start3A_161] : memref<4x4x128xi32, #tpu.memory_space<vmem>> -> memref<1x1x128xi32, #tpu.memory_space<vmem>>
        %dma_start3A_163 = tpu.memref_squeeze %dma_start3A_162 : memref<1x1x128xi32, #tpu.memory_space<vmem>> -> memref<1x128xi32, #tpu.memory_space<vmem>>
        %dma_start3A_164 = arith.constant 0 : i32
        %dma_start3A_165 = tpu.memref_slice %arg2[%add3A_135, %dma_start3A_164] : memref<12500x128xi32, #tpu.memory_space<hbm>> -> memref<1x128xi32, #tpu.memory_space<hbm>>
        tpu.enqueue_dma source(%dma_start3A_165 : memref<1x128xi32, #tpu.memory_space<hbm>>) target(%dma_start3A_163 : memref<1x128xi32, #tpu.memory_space<vmem>>) target_semaphore(%run_scoped3A_153 : memref<!tpu.dma_semaphore, #tpu.memory_space<semaphore_mem>>)
        %dma_wait3A_166 = arith.constant 0 : i32
        %dma_wait3A_167 = arith.constant 0 : i32
        %dma_wait3A_168 = tpu.memref_slice %arg14[%run_scoped3A_138, %dma_wait3A_166, %dma_wait3A_167] : memref<4x4x128xi32, #tpu.memory_space<vmem>> -> memref<1x1x128xi32, #tpu.memory_space<vmem>>
        %dma_wait3A_169 = tpu.memref_squeeze %dma_wait3A_168 : memref<1x1x128xi32, #tpu.memory_space<vmem>> -> memref<1x128xi32, #tpu.memory_space<vmem>>
        %dma_wait3A_170 = arith.constant 0 : i32
        %dma_wait3A_171 = tpu.memref_slice %arg2[%add3A_135, %dma_wait3A_170] : memref<12500x128xi32, #tpu.memory_space<hbm>> -> memref<1x128xi32, #tpu.memory_space<hbm>>
        %dma_wait3A_172 = arith.constant 0 : i32
        %dma_wait3A_173 = arith.constant 0 : i32
        %dma_wait3A_174 = tpu.memref_slice %arg14[%run_scoped3A_138, %dma_wait3A_172, %dma_wait3A_173] : memref<4x4x128xi32, #tpu.memory_space<vmem>> -> memref<1x1x128xi32, #tpu.memory_space<vmem>>
        %dma_wait3A_175 = tpu.memref_squeeze %dma_wait3A_174 : memref<1x1x128xi32, #tpu.memory_space<vmem>> -> memref<1x128xi32, #tpu.memory_space<vmem>>
        %dma_wait3A_176 = arith.constant 0 : i32
        %dma_wait3A_177 = tpu.memref_slice %arg2[%add3A_135, %dma_wait3A_176] : memref<12500x128xi32, #tpu.memory_space<hbm>> -> memref<1x128xi32, #tpu.memory_space<hbm>>
        tpu.wait_dma2 semaphore(%run_scoped3A_153 : memref<!tpu.dma_semaphore, #tpu.memory_space<semaphore_mem>>) src(%dma_wait3A_177 : memref<1x128xi32, #tpu.memory_space<hbm>>) dst(%dma_wait3A_175 : memref<1x128xi32, #tpu.memory_space<vmem>>)
        tpu.yield
      }) : () -> ()
      %run_scoped3A_139 = arith.constant 0 : i32
      "tpu.region"() ({
        %run_scoped3A_153 = tpu.sem_alloc : memref<!tpu.dma_semaphore, #tpu.memory_space<semaphore_mem>>
        %dma_start3A_154 = arith.constant 0 : i32
        %dma_start3A_155 = arith.constant 0 : i32
        %dma_start3A_156 = tpu.memref_slice %arg15[%run_scoped3A_139, %dma_start3A_154, %dma_start3A_155] : memref<4x4x128xi32, #tpu.memory_space<vmem>> -> memref<1x1x128xi32, #tpu.memory_space<vmem>>
        %dma_start3A_157 = tpu.memref_squeeze %dma_start3A_156 : memref<1x1x128xi32, #tpu.memory_space<vmem>> -> memref<1x128xi32, #tpu.memory_space<vmem>>
        %dma_start3A_158 = arith.constant 0 : i32
        %dma_start3A_159 = tpu.memref_slice %arg3[%add3A_135, %dma_start3A_158] : memref<12500x128xi32, #tpu.memory_space<hbm>> -> memref<1x128xi32, #tpu.memory_space<hbm>>
        %dma_start3A_160 = arith.constant 0 : i32
        %dma_start3A_161 = arith.constant 0 : i32
        %dma_start3A_162 = tpu.memref_slice %arg15[%run_scoped3A_139, %dma_start3A_160, %dma_start3A_161] : memref<4x4x128xi32, #tpu.memory_space<vmem>> -> memref<1x1x128xi32, #tpu.memory_space<vmem>>
        %dma_start3A_163 = tpu.memref_squeeze %dma_start3A_162 : memref<1x1x128xi32, #tpu.memory_space<vmem>> -> memref<1x128xi32, #tpu.memory_space<vmem>>
        %dma_start3A_164 = arith.constant 0 : i32
        %dma_start3A_165 = tpu.memref_slice %arg3[%add3A_135, %dma_start3A_164] : memref<12500x128xi32, #tpu.memory_space<hbm>> -> memref<1x128xi32, #tpu.memory_space<hbm>>
        tpu.enqueue_dma source(%dma_start3A_165 : memref<1x128xi32, #tpu.memory_space<hbm>>) target(%dma_start3A_163 : memref<1x128xi32, #tpu.memory_space<vmem>>) target_semaphore(%run_scoped3A_153 : memref<!tpu.dma_semaphore, #tpu.memory_space<semaphore_mem>>)
        %dma_wait3A_166 = arith.constant 0 : i32
        %dma_wait3A_167 = arith.constant 0 : i32
        %dma_wait3A_168 = tpu.memref_slice %arg15[%run_scoped3A_139, %dma_wait3A_166, %dma_wait3A_167] : memref<4x4x128xi32, #tpu.memory_space<vmem>> -> memref<1x1x128xi32, #tpu.memory_space<vmem>>
        %dma_wait3A_169 = tpu.memref_squeeze %dma_wait3A_168 : memref<1x1x128xi32, #tpu.memory_space<vmem>> -> memref<1x128xi32, #tpu.memory_space<vmem>>
        %dma_wait3A_170 = arith.constant 0 : i32
        %dma_wait3A_171 = tpu.memref_slice %arg3[%add3A_135, %dma_wait3A_170] : memref<12500x128xi32, #tpu.memory_space<hbm>> -> memref<1x128xi32, #tpu.memory_space<hbm>>
        %dma_wait3A_172 = arith.constant 0 : i32
        %dma_wait3A_173 = arith.constant 0 : i32
        %dma_wait3A_174 = tpu.memref_slice %arg15[%run_scoped3A_139, %dma_wait3A_172, %dma_wait3A_173] : memref<4x4x128xi32, #tpu.memory_space<vmem>> -> memref<1x1x128xi32, #tpu.memory_space<vmem>>
        %dma_wait3A_175 = tpu.memref_squeeze %dma_wait3A_174 : memref<1x1x128xi32, #tpu.memory_space<vmem>> -> memref<1x128xi32, #tpu.memory_space<vmem>>
        %dma_wait3A_176 = arith.constant 0 : i32
        %dma_wait3A_177 = tpu.memref_slice %arg3[%add3A_135, %dma_wait3A_176] : memref<12500x128xi32, #tpu.memory_space<hbm>> -> memref<1x128xi32, #tpu.memory_space<hbm>>
        tpu.wait_dma2 semaphore(%run_scoped3A_153 : memref<!tpu.dma_semaphore, #tpu.memory_space<semaphore_mem>>) src(%dma_wait3A_177 : memref<1x128xi32, #tpu.memory_space<hbm>>) dst(%dma_wait3A_175 : memref<1x128xi32, #tpu.memory_space<vmem>>)
        tpu.yield
      }) : () -> ()
      %eq3A_140 = arith.constant 0 : i32
      %eq3A_141 = arith.cmpi eq, %arg0, %eq3A_140 : i32
      %convert_element_type3A_142 = arith.extui %eq3A_141 : i1 to i32
      %cond3A_143 = arith.constant 0 : i32
      %cond3A_144 = arith.cmpi ne, %convert_element_type3A_142, %cond3A_143 : i32
      scf.if %cond3A_144 {
        %dma_start3A_153 = arith.constant 0 : i32
        %dma_start3A_154 = arith.constant 0 : i32
        %dma_start3A_155 = arith.constant 0 : i32
        %dma_start3A_156 = arith.constant 0 : i32
        %dma_start3A_157 = arith.constant 0 : i32
        %dma_start3A_158 = tpu.memref_slice %arg16[%dma_start3A_155, %dma_start3A_156, %dma_start3A_157] : memref<4x128x16xf32, #tpu.memory_space<vmem>> -> memref<1x128x16xf32, #tpu.memory_space<vmem>>
        %dma_start3A_159 = tpu.memref_squeeze %dma_start3A_158 : memref<1x128x16xf32, #tpu.memory_space<vmem>> -> memref<128x16xf32, #tpu.memory_space<vmem>>
        %dma_start3A_160 = arith.constant 0 : i32
        %dma_start3A_161 = tpu.memref_slice %arg14[%dma_start3A_153, %dma_start3A_154, %dma_start3A_160] : memref<4x4x128xi32, #tpu.memory_space<vmem>> -> memref<1x1x128xi32, #tpu.memory_space<vmem>>
        %dma_start3A_162 = tpu.memref_squeeze %dma_start3A_161 : memref<1x1x128xi32, #tpu.memory_space<vmem>> -> memref<128xi32, #tpu.memory_space<vmem>>
        %dma_start3A_163 = arith.constant 0 : i32
        %dma_start3A_164 = arith.constant 0 : i32
        %dma_start3A_165 = tpu.memref_slice %arg4[%dma_start3A_163, %dma_start3A_164] : memref<100352x16xf32, #tpu.memory_space<hbm>> -> memref<100352x16xf32, #tpu.memory_space<hbm>>
        tpu.enqueue_indirect_dma source(%dma_start3A_165 : memref<100352x16xf32, #tpu.memory_space<hbm>>) target(%dma_start3A_159 : memref<128x16xf32, #tpu.memory_space<vmem>>) offsets(%dma_start3A_162 : memref<128xi32, #tpu.memory_space<vmem>>) semaphore(%arg18 : memref<!tpu.dma_semaphore, #tpu.memory_space<semaphore_mem>>)
        %dma_wait3A_166 = arith.constant 0 : i32
        %dma_wait3A_167 = arith.constant 0 : i32
        %dma_wait3A_168 = arith.constant 0 : i32
        %dma_wait3A_169 = arith.constant 0 : i32
        %dma_wait3A_170 = arith.constant 0 : i32
        %dma_wait3A_171 = tpu.memref_slice %arg16[%dma_wait3A_168, %dma_wait3A_169, %dma_wait3A_170] : memref<4x128x16xf32, #tpu.memory_space<vmem>> -> memref<1x128x16xf32, #tpu.memory_space<vmem>>
        %dma_wait3A_172 = tpu.memref_squeeze %dma_wait3A_171 : memref<1x128x16xf32, #tpu.memory_space<vmem>> -> memref<128x16xf32, #tpu.memory_space<vmem>>
        %dma_wait3A_173 = arith.constant 0 : i32
        %dma_wait3A_174 = tpu.memref_slice %arg14[%dma_wait3A_166, %dma_wait3A_167, %dma_wait3A_173] : memref<4x4x128xi32, #tpu.memory_space<vmem>> -> memref<1x1x128xi32, #tpu.memory_space<vmem>>
        %dma_wait3A_175 = tpu.memref_squeeze %dma_wait3A_174 : memref<1x1x128xi32, #tpu.memory_space<vmem>> -> memref<128xi32, #tpu.memory_space<vmem>>
        %dma_wait3A_176 = arith.constant 0 : i32
        %dma_wait3A_177 = arith.constant 0 : i32
        %dma_wait3A_178 = tpu.memref_slice %arg4[%dma_wait3A_176, %dma_wait3A_177] : memref<100352x16xf32, #tpu.memory_space<hbm>> -> memref<100352x16xf32, #tpu.memory_space<hbm>>
        tpu.wait_indirect_dma semaphore(%arg18 : memref<!tpu.dma_semaphore, #tpu.memory_space<semaphore_mem>>) src(%dma_wait3A_178 : memref<100352x16xf32, #tpu.memory_space<hbm>>) dst(%dma_wait3A_172 : memref<128x16xf32, #tpu.memory_space<vmem>>)
        %run_scoped3A_179 = arith.constant 0 : i32
        %run_scoped3A_180 = arith.constant 0 : i32
        %run_scoped3A_181 = arith.constant 0 : i32
        "tpu.region"() ({
          %run_scoped3A_182 = tpu.sem_alloc : memref<!tpu.dma_semaphore, #tpu.memory_space<semaphore_mem>>
          %dma_start3A_183 = arith.constant 0 : i32
          %dma_start3A_184 = arith.constant 0 : i32
          %dma_start3A_185 = tpu.memref_slice %arg16[%run_scoped3A_179, %dma_start3A_183, %dma_start3A_184] : memref<4x128x16xf32, #tpu.memory_space<vmem>> -> memref<1x128x16xf32, #tpu.memory_space<vmem>>
          %dma_start3A_186 = tpu.memref_squeeze %dma_start3A_185 : memref<1x128x16xf32, #tpu.memory_space<vmem>> -> memref<128x16xf32, #tpu.memory_space<vmem>>
          %dma_start3A_187 = arith.constant 0 : i32
          %dma_start3A_188 = tpu.memref_slice %arg15[%run_scoped3A_180, %run_scoped3A_181, %dma_start3A_187] : memref<4x4x128xi32, #tpu.memory_space<vmem>> -> memref<1x1x128xi32, #tpu.memory_space<vmem>>
          %dma_start3A_189 = tpu.memref_squeeze %dma_start3A_188 : memref<1x1x128xi32, #tpu.memory_space<vmem>> -> memref<128xi32, #tpu.memory_space<vmem>>
          %dma_start3A_190 = arith.constant 0 : i32
          %dma_start3A_191 = arith.constant 0 : i32
          %dma_start3A_192 = tpu.memref_slice %arg11[%dma_start3A_190, %dma_start3A_191] : memref<100352x16xf32, #tpu.memory_space<vmem_shared>> -> memref<100352x16xf32, #tpu.memory_space<vmem_shared>>
          tpu.enqueue_indirect_dma source(%dma_start3A_186 : memref<128x16xf32, #tpu.memory_space<vmem>>) target(%dma_start3A_192 : memref<100352x16xf32, #tpu.memory_space<vmem_shared>>) offsets(%dma_start3A_189 : memref<128xi32, #tpu.memory_space<vmem>>) semaphore(%run_scoped3A_182 : memref<!tpu.dma_semaphore, #tpu.memory_space<semaphore_mem>>) {add = true}
          %dma_wait3A_193 = arith.constant 0 : i32
          %dma_wait3A_194 = arith.constant 0 : i32
          %dma_wait3A_195 = tpu.memref_slice %arg16[%run_scoped3A_179, %dma_wait3A_193, %dma_wait3A_194] : memref<4x128x16xf32, #tpu.memory_space<vmem>> -> memref<1x128x16xf32, #tpu.memory_space<vmem>>
          %dma_wait3A_196 = tpu.memref_squeeze %dma_wait3A_195 : memref<1x128x16xf32, #tpu.memory_space<vmem>> -> memref<128x16xf32, #tpu.memory_space<vmem>>
          %dma_wait3A_197 = arith.constant 0 : i32
          %dma_wait3A_198 = tpu.memref_slice %arg15[%run_scoped3A_180, %run_scoped3A_181, %dma_wait3A_197] : memref<4x4x128xi32, #tpu.memory_space<vmem>> -> memref<1x1x128xi32, #tpu.memory_space<vmem>>
          %dma_wait3A_199 = tpu.memref_squeeze %dma_wait3A_198 : memref<1x1x128xi32, #tpu.memory_space<vmem>> -> memref<128xi32, #tpu.memory_space<vmem>>
          %dma_wait3A_200 = arith.constant 0 : i32
          %dma_wait3A_201 = arith.constant 0 : i32
          %dma_wait3A_202 = tpu.memref_slice %arg11[%dma_wait3A_200, %dma_wait3A_201] : memref<100352x16xf32, #tpu.memory_space<vmem_shared>> -> memref<100352x16xf32, #tpu.memory_space<vmem_shared>>
          tpu.wait_indirect_dma semaphore(%run_scoped3A_182 : memref<!tpu.dma_semaphore, #tpu.memory_space<semaphore_mem>>) src(%dma_wait3A_196 : memref<128x16xf32, #tpu.memory_space<vmem>>) dst(%dma_wait3A_202 : memref<100352x16xf32, #tpu.memory_space<vmem_shared>>)
          tpu.yield
        }) : () -> ()
      } else {
      }
      %eq3A_145 = arith.constant 1 : i32
      %eq3A_146 = arith.cmpi eq, %arg0, %eq3A_145 : i32
      %convert_element_type3A_147 = arith.extui %eq3A_146 : i1 to i32
      %cond3A_148 = arith.constant 0 : i32
      %cond3A_149 = arith.cmpi ne, %convert_element_type3A_147, %cond3A_148 : i32
      scf.if %cond3A_149 {
        %dma_start3A_153 = arith.constant 0 : i32
        %dma_start3A_154 = arith.constant 0 : i32
        %dma_start3A_155 = arith.constant 0 : i32
        %dma_start3A_156 = arith.constant 0 : i32
        %dma_start3A_157 = arith.constant 0 : i32
        %dma_start3A_158 = tpu.memref_slice %arg16[%dma_start3A_155, %dma_start3A_156, %dma_start3A_157] : memref<4x128x16xf32, #tpu.memory_space<vmem>> -> memref<1x128x16xf32, #tpu.memory_space<vmem>>
        %dma_start3A_159 = tpu.memref_squeeze %dma_start3A_158 : memref<1x128x16xf32, #tpu.memory_space<vmem>> -> memref<128x16xf32, #tpu.memory_space<vmem>>
        %dma_start3A_160 = arith.constant 0 : i32
        %dma_start3A_161 = tpu.memref_slice %arg14[%dma_start3A_153, %dma_start3A_154, %dma_start3A_160] : memref<4x4x128xi32, #tpu.memory_space<vmem>> -> memref<1x1x128xi32, #tpu.memory_space<vmem>>
        %dma_start3A_162 = tpu.memref_squeeze %dma_start3A_161 : memref<1x1x128xi32, #tpu.memory_space<vmem>> -> memref<128xi32, #tpu.memory_space<vmem>>
        %dma_start3A_163 = arith.constant 0 : i32
        %dma_start3A_164 = arith.constant 0 : i32
        %dma_start3A_165 = tpu.memref_slice %arg5[%dma_start3A_163, %dma_start3A_164] : memref<100352x16xf32, #tpu.memory_space<hbm>> -> memref<100352x16xf32, #tpu.memory_space<hbm>>
        tpu.enqueue_indirect_dma source(%dma_start3A_165 : memref<100352x16xf32, #tpu.memory_space<hbm>>) target(%dma_start3A_159 : memref<128x16xf32, #tpu.memory_space<vmem>>) offsets(%dma_start3A_162 : memref<128xi32, #tpu.memory_space<vmem>>) semaphore(%arg18 : memref<!tpu.dma_semaphore, #tpu.memory_space<semaphore_mem>>)
        %dma_wait3A_166 = arith.constant 0 : i32
        %dma_wait3A_167 = arith.constant 0 : i32
        %dma_wait3A_168 = arith.constant 0 : i32
        %dma_wait3A_169 = arith.constant 0 : i32
        %dma_wait3A_170 = arith.constant 0 : i32
        %dma_wait3A_171 = tpu.memref_slice %arg16[%dma_wait3A_168, %dma_wait3A_169, %dma_wait3A_170] : memref<4x128x16xf32, #tpu.memory_space<vmem>> -> memref<1x128x16xf32, #tpu.memory_space<vmem>>
        %dma_wait3A_172 = tpu.memref_squeeze %dma_wait3A_171 : memref<1x128x16xf32, #tpu.memory_space<vmem>> -> memref<128x16xf32, #tpu.memory_space<vmem>>
        %dma_wait3A_173 = arith.constant 0 : i32
        %dma_wait3A_174 = tpu.memref_slice %arg14[%dma_wait3A_166, %dma_wait3A_167, %dma_wait3A_173] : memref<4x4x128xi32, #tpu.memory_space<vmem>> -> memref<1x1x128xi32, #tpu.memory_space<vmem>>
        %dma_wait3A_175 = tpu.memref_squeeze %dma_wait3A_174 : memref<1x1x128xi32, #tpu.memory_space<vmem>> -> memref<128xi32, #tpu.memory_space<vmem>>
        %dma_wait3A_176 = arith.constant 0 : i32
        %dma_wait3A_177 = arith.constant 0 : i32
        %dma_wait3A_178 = tpu.memref_slice %arg5[%dma_wait3A_176, %dma_wait3A_177] : memref<100352x16xf32, #tpu.memory_space<hbm>> -> memref<100352x16xf32, #tpu.memory_space<hbm>>
        tpu.wait_indirect_dma semaphore(%arg18 : memref<!tpu.dma_semaphore, #tpu.memory_space<semaphore_mem>>) src(%dma_wait3A_178 : memref<100352x16xf32, #tpu.memory_space<hbm>>) dst(%dma_wait3A_172 : memref<128x16xf32, #tpu.memory_space<vmem>>)
        %run_scoped3A_179 = arith.constant 0 : i32
        %run_scoped3A_180 = arith.constant 0 : i32
        %run_scoped3A_181 = arith.constant 0 : i32
        "tpu.region"() ({
          %run_scoped3A_182 = tpu.sem_alloc : memref<!tpu.dma_semaphore, #tpu.memory_space<semaphore_mem>>
          %dma_start3A_183 = arith.constant 0 : i32
          %dma_start3A_184 = arith.constant 0 : i32
          %dma_start3A_185 = tpu.memref_slice %arg16[%run_scoped3A_179, %dma_start3A_183, %dma_start3A_184] : memref<4x128x16xf32, #tpu.memory_space<vmem>> -> memref<1x128x16xf32, #tpu.memory_space<vmem>>
          %dma_start3A_186 = tpu.memref_squeeze %dma_start3A_185 : memref<1x128x16xf32, #tpu.memory_space<vmem>> -> memref<128x16xf32, #tpu.memory_space<vmem>>
          %dma_start3A_187 = arith.constant 0 : i32
          %dma_start3A_188 = tpu.memref_slice %arg15[%run_scoped3A_180, %run_scoped3A_181, %dma_start3A_187] : memref<4x4x128xi32, #tpu.memory_space<vmem>> -> memref<1x1x128xi32, #tpu.memory_space<vmem>>
          %dma_start3A_189 = tpu.memref_squeeze %dma_start3A_188 : memref<1x1x128xi32, #tpu.memory_space<vmem>> -> memref<128xi32, #tpu.memory_space<vmem>>
          %dma_start3A_190 = arith.constant 0 : i32
          %dma_start3A_191 = arith.constant 0 : i32
          %dma_start3A_192 = tpu.memref_slice %arg11[%dma_start3A_190, %dma_start3A_191] : memref<100352x16xf32, #tpu.memory_space<vmem_shared>> -> memref<100352x16xf32, #tpu.memory_space<vmem_shared>>
          tpu.enqueue_indirect_dma source(%dma_start3A_186 : memref<128x16xf32, #tpu.memory_space<vmem>>) target(%dma_start3A_192 : memref<100352x16xf32, #tpu.memory_space<vmem_shared>>) offsets(%dma_start3A_189 : memref<128xi32, #tpu.memory_space<vmem>>) semaphore(%run_scoped3A_182 : memref<!tpu.dma_semaphore, #tpu.memory_space<semaphore_mem>>) {add = true}
          %dma_wait3A_193 = arith.constant 0 : i32
          %dma_wait3A_194 = arith.constant 0 : i32
          %dma_wait3A_195 = tpu.memref_slice %arg16[%run_scoped3A_179, %dma_wait3A_193, %dma_wait3A_194] : memref<4x128x16xf32, #tpu.memory_space<vmem>> -> memref<1x128x16xf32, #tpu.memory_space<vmem>>
          %dma_wait3A_196 = tpu.memref_squeeze %dma_wait3A_195 : memref<1x128x16xf32, #tpu.memory_space<vmem>> -> memref<128x16xf32, #tpu.memory_space<vmem>>
          %dma_wait3A_197 = arith.constant 0 : i32
          %dma_wait3A_198 = tpu.memref_slice %arg15[%run_scoped3A_180, %run_scoped3A_181, %dma_wait3A_197] : memref<4x4x128xi32, #tpu.memory_space<vmem>> -> memref<1x1x128xi32, #tpu.memory_space<vmem>>
          %dma_wait3A_199 = tpu.memref_squeeze %dma_wait3A_198 : memref<1x1x128xi32, #tpu.memory_space<vmem>> -> memref<128xi32, #tpu.memory_space<vmem>>
          %dma_wait3A_200 = arith.constant 0 : i32
          %dma_wait3A_201 = arith.constant 0 : i32
          %dma_wait3A_202 = tpu.memref_slice %arg11[%dma_wait3A_200, %dma_wait3A_201] : memref<100352x16xf32, #tpu.memory_space<vmem_shared>> -> memref<100352x16xf32, #tpu.memory_space<vmem_shared>>
          tpu.wait_indirect_dma semaphore(%run_scoped3A_182 : memref<!tpu.dma_semaphore, #tpu.memory_space<semaphore_mem>>) src(%dma_wait3A_196 : memref<128x16xf32, #tpu.memory_space<vmem>>) dst(%dma_wait3A_202 : memref<100352x16xf32, #tpu.memory_space<vmem_shared>>)
          tpu.yield
        }) : () -> ()
      } else {
      }
      %convert_element_type3A_150 = arith.extui %eq3A_137 : i1 to i32
      %cond3A_151 = arith.constant 0 : i32
      %cond3A_152 = arith.cmpi ne, %convert_element_type3A_150, %cond3A_151 : i32
      scf.if %cond3A_152 {
        %dma_start3A_153 = arith.constant 0 : i32
        %dma_start3A_154 = arith.constant 0 : i32
        %dma_start3A_155 = arith.constant 0 : i32
        %dma_start3A_156 = arith.constant 0 : i32
        %dma_start3A_157 = tpu.memref_slice %arg17[%dma_start3A_155, %dma_start3A_156] : memref<4x128xf32, #tpu.memory_space<vmem>> -> memref<1x128xf32, #tpu.memory_space<vmem>>
        %dma_start3A_158 = tpu.memref_squeeze %dma_start3A_157 : memref<1x128xf32, #tpu.memory_space<vmem>> -> memref<128xf32, #tpu.memory_space<vmem>>
        %dma_start3A_159 = arith.constant 0 : i32
        %dma_start3A_160 = tpu.memref_slice %arg15[%dma_start3A_153, %dma_start3A_154, %dma_start3A_159] : memref<4x4x128xi32, #tpu.memory_space<vmem>> -> memref<1x1x128xi32, #tpu.memory_space<vmem>>
        %dma_start3A_161 = tpu.memref_squeeze %dma_start3A_160 : memref<1x1x128xi32, #tpu.memory_space<vmem>> -> memref<128xi32, #tpu.memory_space<vmem>>
        %dma_start3A_162 = arith.constant 0 : i32
        %dma_start3A_163 = tpu.memref_slice %arg13[%dma_start3A_162] : memref<100352xf32, #tpu.memory_space<vmem_shared>> -> memref<100352xf32, #tpu.memory_space<vmem_shared>>
        tpu.enqueue_indirect_dma source(%dma_start3A_163 : memref<100352xf32, #tpu.memory_space<vmem_shared>>) target(%dma_start3A_158 : memref<128xf32, #tpu.memory_space<vmem>>) offsets(%dma_start3A_161 : memref<128xi32, #tpu.memory_space<vmem>>) semaphore(%arg21 : memref<!tpu.dma_semaphore, #tpu.memory_space<semaphore_mem>>)
        %dma_wait3A_164 = arith.constant 0 : i32
        %dma_wait3A_165 = arith.constant 0 : i32
        %dma_wait3A_166 = arith.constant 0 : i32
        %dma_wait3A_167 = arith.constant 0 : i32
        %dma_wait3A_168 = tpu.memref_slice %arg17[%dma_wait3A_166, %dma_wait3A_167] : memref<4x128xf32, #tpu.memory_space<vmem>> -> memref<1x128xf32, #tpu.memory_space<vmem>>
        %dma_wait3A_169 = tpu.memref_squeeze %dma_wait3A_168 : memref<1x128xf32, #tpu.memory_space<vmem>> -> memref<128xf32, #tpu.memory_space<vmem>>
        %dma_wait3A_170 = arith.constant 0 : i32
        %dma_wait3A_171 = tpu.memref_slice %arg15[%dma_wait3A_164, %dma_wait3A_165, %dma_wait3A_170] : memref<4x4x128xi32, #tpu.memory_space<vmem>> -> memref<1x1x128xi32, #tpu.memory_space<vmem>>
        %dma_wait3A_172 = tpu.memref_squeeze %dma_wait3A_171 : memref<1x1x128xi32, #tpu.memory_space<vmem>> -> memref<128xi32, #tpu.memory_space<vmem>>
        %dma_wait3A_173 = arith.constant 0 : i32
        %dma_wait3A_174 = tpu.memref_slice %arg13[%dma_wait3A_173] : memref<100352xf32, #tpu.memory_space<vmem_shared>> -> memref<100352xf32, #tpu.memory_space<vmem_shared>>
        tpu.wait_indirect_dma semaphore(%arg21 : memref<!tpu.dma_semaphore, #tpu.memory_space<semaphore_mem>>) src(%dma_wait3A_174 : memref<100352xf32, #tpu.memory_space<vmem_shared>>) dst(%dma_wait3A_169 : memref<128xf32, #tpu.memory_space<vmem>>)
        %run_scoped3A_175 = arith.constant 0 : i32
        %run_scoped3A_176 = arith.constant 0 : i32
        %run_scoped3A_177 = arith.constant 0 : i32
        "tpu.region"() ({
          %run_scoped3A_178 = tpu.sem_alloc : memref<!tpu.dma_semaphore, #tpu.memory_space<semaphore_mem>>
          %dma_start3A_179 = arith.constant 0 : i32
          %dma_start3A_180 = tpu.memref_slice %arg17[%run_scoped3A_175, %dma_start3A_179] : memref<4x128xf32, #tpu.memory_space<vmem>> -> memref<1x128xf32, #tpu.memory_space<vmem>>
          %dma_start3A_181 = tpu.memref_squeeze %dma_start3A_180 : memref<1x128xf32, #tpu.memory_space<vmem>> -> memref<128xf32, #tpu.memory_space<vmem>>
          %dma_start3A_182 = arith.constant 0 : i32
          %dma_start3A_183 = tpu.memref_slice %arg14[%run_scoped3A_176, %run_scoped3A_177, %dma_start3A_182] : memref<4x4x128xi32, #tpu.memory_space<vmem>> -> memref<1x1x128xi32, #tpu.memory_space<vmem>>
          %dma_start3A_184 = tpu.memref_squeeze %dma_start3A_183 : memref<1x1x128xi32, #tpu.memory_space<vmem>> -> memref<128xi32, #tpu.memory_space<vmem>>
          %dma_start3A_185 = arith.constant 0 : i32
          %dma_start3A_186 = tpu.memref_slice %arg12[%dma_start3A_185] : memref<100352xf32, #tpu.memory_space<vmem_shared>> -> memref<100352xf32, #tpu.memory_space<vmem_shared>>
          tpu.enqueue_indirect_dma source(%dma_start3A_181 : memref<128xf32, #tpu.memory_space<vmem>>) target(%dma_start3A_186 : memref<100352xf32, #tpu.memory_space<vmem_shared>>) offsets(%dma_start3A_184 : memref<128xi32, #tpu.memory_space<vmem>>) semaphore(%run_scoped3A_178 : memref<!tpu.dma_semaphore, #tpu.memory_space<semaphore_mem>>) {add = true}
          %dma_wait3A_187 = arith.constant 0 : i32
          %dma_wait3A_188 = tpu.memref_slice %arg17[%run_scoped3A_175, %dma_wait3A_187] : memref<4x128xf32, #tpu.memory_space<vmem>> -> memref<1x128xf32, #tpu.memory_space<vmem>>
          %dma_wait3A_189 = tpu.memref_squeeze %dma_wait3A_188 : memref<1x128xf32, #tpu.memory_space<vmem>> -> memref<128xf32, #tpu.memory_space<vmem>>
          %dma_wait3A_190 = arith.constant 0 : i32
          %dma_wait3A_191 = tpu.memref_slice %arg14[%run_scoped3A_176, %run_scoped3A_177, %dma_wait3A_190] : memref<4x4x128xi32, #tpu.memory_space<vmem>> -> memref<1x1x128xi32, #tpu.memory_space<vmem>>
          %dma_wait3A_192 = tpu.memref_squeeze %dma_wait3A_191 : memref<1x1x128xi32, #tpu.memory_space<vmem>> -> memref<128xi32, #tpu.memory_space<vmem>>
          %dma_wait3A_193 = arith.constant 0 : i32
          %dma_wait3A_194 = tpu.memref_slice %arg12[%dma_wait3A_193] : memref<100352xf32, #tpu.memory_space<vmem_shared>> -> memref<100352xf32, #tpu.memory_space<vmem_shared>>
          tpu.wait_indirect_dma semaphore(%run_scoped3A_178 : memref<!tpu.dma_semaphore, #tpu.memory_space<semaphore_mem>>) src(%dma_wait3A_189 : memref<128xf32, #tpu.memory_space<vmem>>) dst(%dma_wait3A_194 : memref<100352xf32, #tpu.memory_space<vmem_shared>>)
          tpu.yield
        }) : () -> ()
      } else {
      }
    } else {
    }
    %barrier3A_119 = arith.constant 0 : index
    tpu.barrier barrier_id(%barrier3A_119)
    %mul3A_120 = arith.constant 6272 : i32
    %mul3A_121 = arith.muli %arg1, %mul3A_120 : i32
    %mul3A_122 = arith.constant 100352 : i32
    %mul3A_123 = arith.muli %arg0, %mul3A_122 : i32
    %mul3A_124 = arith.constant 6272 : i32
    %mul3A_125 = arith.muli %arg1, %mul3A_124 : i32
    %add3A_126 = arith.addi %mul3A_123, %mul3A_125 : i32
    "tpu.region"() ({
      %run_scoped3A_134 = tpu.sem_alloc : memref<!tpu.dma_semaphore, #tpu.memory_space<semaphore_mem>>
      %dma_start3A_135 = arith.constant 0 : i32
      %dma_start3A_136 = tpu.memref_slice %arg9[%add3A_126, %dma_start3A_135] : memref<200704x16xf32, #tpu.memory_space<hbm>> -> memref<6272x16xf32, #tpu.memory_space<hbm>>
      %dma_start3A_137 = arith.constant 0 : i32
      %dma_start3A_138 = tpu.memref_slice %arg11[%mul3A_121, %dma_start3A_137] : memref<100352x16xf32, #tpu.memory_space<vmem_shared>> -> memref<6272x16xf32, #tpu.memory_space<vmem_shared>>
      tpu.enqueue_dma source(%dma_start3A_138 : memref<6272x16xf32, #tpu.memory_space<vmem_shared>>) target(%dma_start3A_136 : memref<6272x16xf32, #tpu.memory_space<hbm>>) target_semaphore(%run_scoped3A_134 : memref<!tpu.dma_semaphore, #tpu.memory_space<semaphore_mem>>)
      %dma_wait3A_139 = arith.constant 0 : i32
      %dma_wait3A_140 = tpu.memref_slice %arg9[%add3A_126, %dma_wait3A_139] : memref<200704x16xf32, #tpu.memory_space<hbm>> -> memref<6272x16xf32, #tpu.memory_space<hbm>>
      %dma_wait3A_141 = arith.constant 0 : i32
      %dma_wait3A_142 = tpu.memref_slice %arg11[%mul3A_121, %dma_wait3A_141] : memref<100352x16xf32, #tpu.memory_space<vmem_shared>> -> memref<6272x16xf32, #tpu.memory_space<vmem_shared>>
      tpu.wait_dma2 semaphore(%run_scoped3A_134 : memref<!tpu.dma_semaphore, #tpu.memory_space<semaphore_mem>>) src(%dma_wait3A_142 : memref<6272x16xf32, #tpu.memory_space<vmem_shared>>) dst(%dma_wait3A_140 : memref<6272x16xf32, #tpu.memory_space<hbm>>)
      tpu.yield
    }) : () -> ()
    %mul3A_127 = arith.constant 6272 : i32
    %mul3A_128 = arith.muli %arg1, %mul3A_127 : i32
    %mul3A_129 = arith.constant 100352 : i32
    %mul3A_130 = arith.muli %arg0, %mul3A_129 : i32
    %mul3A_131 = arith.constant 6272 : i32
    %mul3A_132 = arith.muli %arg1, %mul3A_131 : i32
    %add3A_133 = arith.addi %mul3A_130, %mul3A_132 : i32
    "tpu.region"() ({
      %run_scoped3A_134 = tpu.sem_alloc : memref<!tpu.dma_semaphore, #tpu.memory_space<semaphore_mem>>
      %dma_start3A_135 = tpu.memref_slice %arg10[%add3A_133] : memref<200704xf32, #tpu.memory_space<hbm>> -> memref<6272xf32, #tpu.memory_space<hbm>>
      %dma_start3A_136 = tpu.memref_slice %arg12[%mul3A_128] : memref<100352xf32, #tpu.memory_space<vmem_shared>> -> memref<6272xf32, #tpu.memory_space<vmem_shared>>
      tpu.enqueue_dma source(%dma_start3A_136 : memref<6272xf32, #tpu.memory_space<vmem_shared>>) target(%dma_start3A_135 : memref<6272xf32, #tpu.memory_space<hbm>>) target_semaphore(%run_scoped3A_134 : memref<!tpu.dma_semaphore, #tpu.memory_space<semaphore_mem>>)
      %dma_wait3A_137 = tpu.memref_slice %arg10[%add3A_133] : memref<200704xf32, #tpu.memory_space<hbm>> -> memref<6272xf32, #tpu.memory_space<hbm>>
      %dma_wait3A_138 = tpu.memref_slice %arg12[%mul3A_128] : memref<100352xf32, #tpu.memory_space<vmem_shared>> -> memref<6272xf32, #tpu.memory_space<vmem_shared>>
      tpu.wait_dma2 semaphore(%run_scoped3A_134 : memref<!tpu.dma_semaphore, #tpu.memory_space<semaphore_mem>>) src(%dma_wait3A_138 : memref<6272xf32, #tpu.memory_space<vmem_shared>>) dst(%dma_wait3A_137 : memref<6272xf32, #tpu.memory_space<hbm>>)
      tpu.yield
    }) : () -> ()
    return
  }
}

module attributes {stable_mosaic.version = 14 : i64} {
  func.func @_prep_body(%arg0: i32, %arg1: memref<2048xf32, #tpu.memory_space<vmem>>, %arg2: memref<2048xf32, #tpu.memory_space<vmem>>, %arg3: memref<2048x32xf32, #tpu.memory_space<vmem>>, %arg4: memref<2048x16xf32, #tpu.memory_space<vmem>>, %arg5: memref<2048x16xf32, #tpu.memory_space<vmem>>, %arg6: memref<2048xf32, #tpu.memory_space<vmem>>) attributes {dimension_semantics = [#tpu.dimension_semantics<arbitrary>], iteration_bounds = array<i64: 49>, scalar_prefetch = 0 : i64, scratch_operands = 0 : i64, tpu.core_type = #tpu.core_type<tc>, window_params = [{transform_indices = @transform_0, window_bounds = array<i64: 2048>}, {transform_indices = @transform_1, window_bounds = array<i64: 2048>}, {transform_indices = @transform_2, window_bounds = array<i64: 2048, 32>}, {transform_indices = @transform_3, window_bounds = array<i64: 2048, 16>}, {transform_indices = @transform_4, window_bounds = array<i64: 2048, 16>}, {transform_indices = @transform_5, window_bounds = array<i64: 2048>}]} {
    %get3A = arith.constant 0 : index
    %get3A_0 = vector.load %arg1[%get3A] : memref<2048xf32, #tpu.memory_space<vmem>>, vector<2048xf32>
    %get3A_1 = arith.constant 0 : index
    %get3A_2 = vector.load %arg2[%get3A_1] : memref<2048xf32, #tpu.memory_space<vmem>>, vector<2048xf32>
    %add3A = arith.addf %get3A_0, %get3A_2 : vector<2048xf32>
    %iota3A = tpu.iota {dimensions = array<i32: 1>} : vector<1x2048xi32>
    %iota3A_3 = vector.shape_cast %iota3A : vector<1x2048xi32> to vector<2048xi32>
    %mul3A = arith.constant 2048 : i32
    %mul3A_4 = arith.muli %arg0, %mul3A : i32
    %add3A_5 = vector.broadcast %mul3A_4 : i32 to vector<2048xi32>
    %add3A_6 = arith.addi %iota3A_3, %add3A_5 : vector<2048xi32>
    %lt3A = arith.constant 100000 : i32
    %lt3A_7 = vector.broadcast %lt3A : i32 to vector<2048xi32>
    %lt3A_8 = arith.cmpi slt, %add3A_6, %lt3A_7 : vector<2048xi32>
    %add3A_9 = arith.constant 1.000000e+00 : f32
    %add3A_10 = vector.broadcast %add3A_9 : f32 to vector<2048xf32>
    %add3A_11 = arith.addf %add3A, %add3A_10 : vector<2048xf32>
    %rsqrt3A = math.rsqrt %add3A_11 : vector<2048xf32>
    %jit3A = arith.constant 0.000000e+00 : f32
    %broadcast_in_dim3A = vector.broadcast %jit3A : f32 to vector<2048xf32>
    %select_n3A = arith.select %lt3A_8, %rsqrt3A, %broadcast_in_dim3A : vector<2048xi1>, vector<2048xf32>
    %swap3A = arith.constant 0 : index
    %swap3A_12 = vector.load %arg6[%swap3A] : memref<2048xf32, #tpu.memory_space<vmem>>, vector<2048xf32>
    tpu.vector_store %arg6[%swap3A], %select_n3A {strides = array<i32>} : memref<2048xf32, #tpu.memory_space<vmem>>, vector<2048xf32>,
    %reshape3A = vector.shape_cast %select_n3A : vector<2048xf32> to vector<2048x1xf32>
    %get3A_13 = arith.constant 0 : index
    %get3A_14 = arith.constant 0 : index
    %get3A_15 = vector.load %arg3[%get3A_13, %get3A_14] : memref<2048x32xf32, #tpu.memory_space<vmem>>, vector<2048x32xf32>
    %gt3A = arith.constant 0.000000e+00 : f32
    %gt3A_16 = vector.broadcast %gt3A : f32 to vector<2048x1xf32>
    %gt3A_17 = arith.cmpf ogt, %reshape3A, %gt3A_16 : vector<2048x1xf32>
    %slice3A = vector.extract_strided_slice %get3A_15 {offsets = [0, 0], sizes = [2048, 16], strides = [1, 1]} : vector<2048x32xf32> to vector<2048x16xf32>
    %mul3A_18 = vector.broadcast %reshape3A : vector<2048x1xf32> to vector<2048x16xf32>
    %mul3A_19 = arith.mulf %slice3A, %mul3A_18 : vector<2048x16xf32>
    %jit3A_20 = arith.constant 0.000000e+00 : f32
    %broadcast_in_dim3A_21 = vector.shape_cast %gt3A_17 : vector<2048x1xi1> to vector<2048x1xi1>
    %broadcast_in_dim3A_22 = vector.broadcast %broadcast_in_dim3A_21 : vector<2048x1xi1> to vector<2048x16xi1>
    %broadcast_in_dim3A_23 = vector.broadcast %jit3A_20 : f32 to vector<2048x16xf32>
    %select_n3A_24 = arith.select %broadcast_in_dim3A_22, %mul3A_19, %broadcast_in_dim3A_23 : vector<2048x16xi1>, vector<2048x16xf32>
    %swap3A_25 = arith.constant 0 : index
    %swap3A_26 = arith.constant 0 : index
    %swap3A_27 = vector.load %arg4[%swap3A_25, %swap3A_26] : memref<2048x16xf32, #tpu.memory_space<vmem>>, vector<2048x16xf32>
    tpu.vector_store %arg4[%swap3A_25, %swap3A_26], %select_n3A_24 {strides = array<i32>} : memref<2048x16xf32, #tpu.memory_space<vmem>>, vector<2048x16xf32>,
    %gt3A_28 = arith.constant 0.000000e+00 : f32
    %gt3A_29 = vector.broadcast %gt3A_28 : f32 to vector<2048x1xf32>
    %gt3A_30 = arith.cmpf ogt, %reshape3A, %gt3A_29 : vector<2048x1xf32>
    %slice3A_31 = vector.extract_strided_slice %get3A_15 {offsets = [0, 16], sizes = [2048, 16], strides = [1, 1]} : vector<2048x32xf32> to vector<2048x16xf32>
    %mul3A_32 = vector.broadcast %reshape3A : vector<2048x1xf32> to vector<2048x16xf32>
    %mul3A_33 = arith.mulf %slice3A_31, %mul3A_32 : vector<2048x16xf32>
    %jit3A_34 = arith.constant 0.000000e+00 : f32
    %broadcast_in_dim3A_35 = vector.shape_cast %gt3A_30 : vector<2048x1xi1> to vector<2048x1xi1>
    %broadcast_in_dim3A_36 = vector.broadcast %broadcast_in_dim3A_35 : vector<2048x1xi1> to vector<2048x16xi1>
    %broadcast_in_dim3A_37 = vector.broadcast %jit3A_34 : f32 to vector<2048x16xf32>
    %select_n3A_38 = arith.select %broadcast_in_dim3A_36, %mul3A_33, %broadcast_in_dim3A_37 : vector<2048x16xi1>, vector<2048x16xf32>
    %swap3A_39 = arith.constant 0 : index
    %swap3A_40 = arith.constant 0 : index
    %swap3A_41 = vector.load %arg5[%swap3A_39, %swap3A_40] : memref<2048x16xf32, #tpu.memory_space<vmem>>, vector<2048x16xf32>
    tpu.vector_store %arg5[%swap3A_39, %swap3A_40], %select_n3A_38 {strides = array<i32>} : memref<2048x16xf32, #tpu.memory_space<vmem>>, vector<2048x16xf32>,
    return
  }
  func.func @transform_0(%arg0: i32) -> i32 {
    %c0_i32 = arith.constant 0 : i32
    return %arg0 : i32
  }
  func.func @transform_1(%arg0: i32) -> i32 {
    %add3A = arith.constant 49 : i32
    %add3A_0 = arith.addi %arg0, %add3A : i32
    %c0_i32 = arith.constant 0 : i32
    return %add3A_0 : i32
  }
  func.func @transform_2(%arg0: i32) -> (i32, i32) {
    %c0_i32 = arith.constant 0 : i32
    %c0_i32_0 = arith.constant 0 : i32
    return %arg0, %c0_i32 : i32, i32
  }
  func.func @transform_3(%arg0: i32) -> (i32, i32) {
    %c0_i32 = arith.constant 0 : i32
    %c0_i32_0 = arith.constant 0 : i32
    return %arg0, %c0_i32 : i32, i32
  }
  func.func @transform_4(%arg0: i32) -> (i32, i32) {
    %c0_i32 = arith.constant 0 : i32
    %c0_i32_0 = arith.constant 0 : i32
    return %arg0, %c0_i32 : i32, i32
  }
  func.func @transform_5(%arg0: i32) -> i32 {
    %c0_i32 = arith.constant 0 : i32
    return %arg0 : i32
  }
}

module attributes {stable_mosaic.version = 14 : i64} {
  func.func @_final_body(%arg0: i32, %arg1: memref<2048x16xf32, #tpu.memory_space<vmem>>, %arg2: memref<2048x16xf32, #tpu.memory_space<vmem>>, %arg3: memref<2048x16xf32, #tpu.memory_space<vmem>>, %arg4: memref<2048x16xf32, #tpu.memory_space<vmem>>, %arg5: memref<2048xf32, #tpu.memory_space<vmem>>, %arg6: memref<2048xf32, #tpu.memory_space<vmem>>, %arg7: memref<2048xf32, #tpu.memory_space<vmem>>, %arg8: memref<32x64xf32, #tpu.memory_space<vmem>>, %arg9: memref<64x1xf32, #tpu.memory_space<vmem>>, %arg10: memref<64x64xf32, #tpu.memory_space<vmem>>, %arg11: memref<1x64xf32, #tpu.memory_space<vmem>>, %arg12: memref<1x64xf32, #tpu.memory_space<vmem>>, %arg13: memref<64x1xf32, #tpu.memory_space<vmem>>) attributes {dimension_semantics = [#tpu.dimension_semantics<arbitrary>], iteration_bounds = array<i64: 49>, scalar_prefetch = 0 : i64, scratch_operands = 1 : i64, tpu.core_type = #tpu.core_type<tc>, window_params = [{transform_indices = @transform_0, window_bounds = array<i64: 2048, 16>}, {transform_indices = @transform_1, window_bounds = array<i64: 2048, 16>}, {transform_indices = @transform_2, window_bounds = array<i64: 2048, 16>}, {transform_indices = @transform_3, window_bounds = array<i64: 2048, 16>}, {transform_indices = @transform_4, window_bounds = array<i64: 2048>}, {transform_indices = @transform_5, window_bounds = array<i64: 2048>}, {transform_indices = @transform_6, window_bounds = array<i64: 2048>}, {pipeline_mode = #tpu.pipeline_mode<synchronous>, transform_indices = @transform_7, window_bounds = array<i64: 32, 64>}, {pipeline_mode = #tpu.pipeline_mode<synchronous>, transform_indices = @transform_8, window_bounds = array<i64: 64, 1>}, {pipeline_mode = #tpu.pipeline_mode<synchronous>, transform_indices = @transform_9, window_bounds = array<i64: 64, 64>}, {pipeline_mode = #tpu.pipeline_mode<synchronous>, transform_indices = @transform_10, window_bounds = array<i64: 1, 64>}, {pipeline_mode = #tpu.pipeline_mode<synchronous>, transform_indices = @transform_11, window_bounds = array<i64: 1, 64>}]} {
    %eq3A = arith.constant 0 : i32
    %eq3A_0 = arith.cmpi eq, %arg0, %eq3A : i32
    %convert_element_type3A = arith.extui %eq3A_0 : i1 to i32
    %cond3A = arith.constant 0 : i32
    %cond3A_1 = arith.cmpi ne, %convert_element_type3A, %cond3A : i32
    scf.if %cond3A_1 {
      %broadcast_in_dim3A_51 = arith.constant 0.000000e+00 : f32
      %broadcast_in_dim3A_52 = vector.broadcast %broadcast_in_dim3A_51 : f32 to vector<64x1xf32>
      %swap3A_53 = arith.constant 0 : index
      %swap3A_54 = arith.constant 0 : index
      %swap3A_55 = vector.load %arg13[%swap3A_53, %swap3A_54] : memref<64x1xf32, #tpu.memory_space<vmem>>, vector<64x1xf32>
      tpu.vector_store %arg13[%swap3A_53, %swap3A_54], %broadcast_in_dim3A_52 {strides = array<i32>} : memref<64x1xf32, #tpu.memory_space<vmem>>, vector<64x1xf32>,
    } else {
    }
    %get3A = arith.constant 0 : index
    %get3A_2 = vector.load %arg5[%get3A] : memref<2048xf32, #tpu.memory_space<vmem>>, vector<2048xf32>
    %reshape3A = vector.shape_cast %get3A_2 : vector<2048xf32> to vector<1x2048xf32>
    %get3A_3 = arith.constant 0 : index
    %get3A_4 = vector.load %arg6[%get3A_3] : memref<2048xf32, #tpu.memory_space<vmem>>, vector<2048xf32>
    %reshape3A_5 = vector.shape_cast %get3A_4 : vector<2048xf32> to vector<1x2048xf32>
    %get3A_6 = arith.constant 0 : index
    %get3A_7 = vector.load %arg7[%get3A_6] : memref<2048xf32, #tpu.memory_space<vmem>>, vector<2048xf32>
    %reshape3A_8 = vector.shape_cast %get3A_7 : vector<2048xf32> to vector<1x2048xf32>
    %add3A = arith.addf %reshape3A_5, %reshape3A_8 : vector<1x2048xf32>
    %add3A_9 = arith.addf %add3A, %reshape3A : vector<1x2048xf32>
    %mul3A = arith.mulf %reshape3A, %add3A_9 : vector<1x2048xf32>
    %get3A_10 = arith.constant 0 : index
    %get3A_11 = arith.constant 0 : index
    %get3A_12 = vector.load %arg1[%get3A_10, %get3A_11] : memref<2048x16xf32, #tpu.memory_space<vmem>>, vector<2048x16xf32>
    %get3A_13 = arith.constant 0 : index
    %get3A_14 = arith.constant 0 : index
    %get3A_15 = vector.load %arg3[%get3A_13, %get3A_14] : memref<2048x16xf32, #tpu.memory_space<vmem>>, vector<2048x16xf32>
    %add3A_16 = arith.addf %get3A_12, %get3A_15 : vector<2048x16xf32>
    %get3A_17 = arith.constant 0 : index
    %get3A_18 = arith.constant 0 : index
    %get3A_19 = vector.load %arg2[%get3A_17, %get3A_18] : memref<2048x16xf32, #tpu.memory_space<vmem>>, vector<2048x16xf32>
    %get3A_20 = arith.constant 0 : index
    %get3A_21 = arith.constant 0 : index
    %get3A_22 = vector.load %arg4[%get3A_20, %get3A_21] : memref<2048x16xf32, #tpu.memory_space<vmem>>, vector<2048x16xf32>
    %add3A_23 = arith.addf %get3A_19, %get3A_22 : vector<2048x16xf32>
    %concatenate3A = tpu.concatenate %add3A_16, %add3A_23 in 1 : vector<2048x16xf32>, vector<2048x16xf32> -> vector<2048x32xf32>
    %get3A_24 = arith.constant 0 : index
    %get3A_25 = arith.constant 0 : index
    %get3A_26 = vector.load %arg8[%get3A_24, %get3A_25] : memref<32x64xf32, #tpu.memory_space<vmem>>, vector<32x64xf32>
    %dot_general3A = arith.constant dense<0.000000e+00> : vector<64x2048xf32>
    %dot_general3A_27 = tpu.matmul %get3A_26, %concatenate3A, %dot_general3A {dimension_numbers = #tpu.dot_dimension_numbers<[0], [1], [1], [0], [0, 1, 1, 0], [], []>, transpose_lhs_hint = false} : vector<32x64xf32>, vector<2048x32xf32>, vector<64x2048xf32> -> vector<64x2048xf32>
    %mul3A_28 = vector.broadcast %reshape3A : vector<1x2048xf32> to vector<64x2048xf32>
    %mul3A_29 = arith.mulf %dot_general3A_27, %mul3A_28 : vector<64x2048xf32>
    %get3A_30 = arith.constant 0 : index
    %get3A_31 = arith.constant 0 : index
    %get3A_32 = vector.load %arg9[%get3A_30, %get3A_31] : memref<64x1xf32, #tpu.memory_space<vmem>>, vector<64x1xf32>
    %add3A_33 = vector.broadcast %get3A_32 : vector<64x1xf32> to vector<64x2048xf32>
    %add3A_34 = arith.addf %mul3A_29, %add3A_33 : vector<64x2048xf32>
    %max3A = arith.constant 0.000000e+00 : f32
    %max3A_35 = vector.broadcast %max3A : f32 to vector<64x2048xf32>
    %max3A_36 = arith.maximumf %add3A_34, %max3A_35 : vector<64x2048xf32>
    %get3A_37 = arith.constant 0 : index
    %get3A_38 = arith.constant 0 : index
    %get3A_39 = vector.load %arg13[%get3A_37, %get3A_38] : memref<64x1xf32, #tpu.memory_space<vmem>>, vector<64x1xf32>
    %mul3A_40 = vector.broadcast %mul3A : vector<1x2048xf32> to vector<64x2048xf32>
    %mul3A_41 = arith.mulf %max3A_36, %mul3A_40 : vector<64x2048xf32>
    %reduce_sum3A = arith.constant dense<0.000000e+00> : vector<64xf32>
    %reduce_sum3A_42 = vector.multi_reduction <add>, %mul3A_41, %reduce_sum3A [1] : vector<64x2048xf32> to vector<64xf32>
    %broadcast_in_dim3A = vector.shape_cast %reduce_sum3A_42 : vector<64xf32> to vector<64x1xf32>
    %add3A_43 = arith.addf %get3A_39, %broadcast_in_dim3A : vector<64x1xf32>
    %swap3A = arith.constant 0 : index
    %swap3A_44 = arith.constant 0 : index
    %swap3A_45 = vector.load %arg13[%swap3A, %swap3A_44] : memref<64x1xf32, #tpu.memory_space<vmem>>, vector<64x1xf32>
    tpu.vector_store %arg13[%swap3A, %swap3A_44], %add3A_43 {strides = array<i32>} : memref<64x1xf32, #tpu.memory_space<vmem>>, vector<64x1xf32>,
    %eq3A_46 = arith.constant 48 : i32
    %eq3A_47 = arith.cmpi eq, %arg0, %eq3A_46 : i32
    %convert_element_type3A_48 = arith.extui %eq3A_47 : i1 to i32
    %cond3A_49 = arith.constant 0 : i32
    %cond3A_50 = arith.cmpi ne, %convert_element_type3A_48, %cond3A_49 : i32
    scf.if %cond3A_50 {
      %get3A_51 = arith.constant 0 : index
      %get3A_52 = arith.constant 0 : index
      %get3A_53 = vector.load %arg10[%get3A_51, %get3A_52] : memref<64x64xf32, #tpu.memory_space<vmem>>, vector<64x64xf32>
      %get3A_54 = arith.constant 0 : index
      %get3A_55 = arith.constant 0 : index
      %get3A_56 = vector.load %arg13[%get3A_54, %get3A_55] : memref<64x1xf32, #tpu.memory_space<vmem>>, vector<64x1xf32>
      %mul3A_57 = arith.constant 9.99999974E-6 : f32
      %mul3A_58 = vector.broadcast %mul3A_57 : f32 to vector<64x1xf32>
      %mul3A_59 = arith.mulf %get3A_56, %mul3A_58 : vector<64x1xf32>
      %dot_general3A_60 = arith.constant dense<0.000000e+00> : vector<64x1xf32>
      %dot_general3A_61 = tpu.matmul %get3A_53, %mul3A_59, %dot_general3A_60 {dimension_numbers = #tpu.dot_dimension_numbers<[0], [0], [1], [1], [0, 1, 1, 1], [], []>, transpose_lhs_hint = false} : vector<64x64xf32>, vector<64x1xf32>, vector<64x1xf32> -> vector<64x1xf32>
      %reshape3A_62 = vector.shape_cast %dot_general3A_61 : vector<64x1xf32> to vector<1x64xf32>
      %get3A_63 = arith.constant 0 : index
      %get3A_64 = arith.constant 0 : index
      %get3A_65 = vector.load %arg11[%get3A_63, %get3A_64] : memref<1x64xf32, #tpu.memory_space<vmem>>, vector<1x64xf32>
      %add3A_66 = arith.addf %reshape3A_62, %get3A_65 : vector<1x64xf32>
      %swap3A_67 = arith.constant 0 : index
      %swap3A_68 = arith.constant 0 : index
      %swap3A_69 = vector.load %arg12[%swap3A_67, %swap3A_68] : memref<1x64xf32, #tpu.memory_space<vmem>>, vector<1x64xf32>
      tpu.vector_store %arg12[%swap3A_67, %swap3A_68], %add3A_66 {strides = array<i32>} : memref<1x64xf32, #tpu.memory_space<vmem>>, vector<1x64xf32>,
    } else {
    }
    return
  }
  func.func @transform_0(%arg0: i32) -> (i32, i32) {
    %c0_i32 = arith.constant 0 : i32
    %c0_i32_0 = arith.constant 0 : i32
    return %arg0, %c0_i32 : i32, i32
  }
  func.func @transform_1(%arg0: i32) -> (i32, i32) {
    %add3A = arith.constant 49 : i32
    %add3A_0 = arith.addi %arg0, %add3A : i32
    %c0_i32 = arith.constant 0 : i32
    %c0_i32_1 = arith.constant 0 : i32
    return %add3A_0, %c0_i32 : i32, i32
  }
  func.func @transform_2(%arg0: i32) -> (i32, i32) {
    %c0_i32 = arith.constant 0 : i32
    %c0_i32_0 = arith.constant 0 : i32
    return %arg0, %c0_i32 : i32, i32
  }
  func.func @transform_3(%arg0: i32) -> (i32, i32) {
    %c0_i32 = arith.constant 0 : i32
    %c0_i32_0 = arith.constant 0 : i32
    return %arg0, %c0_i32 : i32, i32
  }
  func.func @transform_4(%arg0: i32) -> i32 {
    %c0_i32 = arith.constant 0 : i32
    return %arg0 : i32
  }
  func.func @transform_5(%arg0: i32) -> i32 {
    %c0_i32 = arith.constant 0 : i32
    return %arg0 : i32
  }
  func.func @transform_6(%arg0: i32) -> i32 {
    %add3A = arith.constant 49 : i32
    %add3A_0 = arith.addi %arg0, %add3A : i32
    %c0_i32 = arith.constant 0 : i32
    return %add3A_0 : i32
  }
  func.func @transform_7(%arg0: i32) -> (i32, i32) {
    %c0_i32 = arith.constant 0 : i32
    %c0_i32_0 = arith.constant 0 : i32
    %c0_i32_1 = arith.constant 0 : i32
    return %c0_i32, %c0_i32_0 : i32, i32
  }
  func.func @transform_8(%arg0: i32) -> (i32, i32) {
    %c0_i32 = arith.constant 0 : i32
    %c0_i32_0 = arith.constant 0 : i32
    %c0_i32_1 = arith.constant 0 : i32
    return %c0_i32, %c0_i32_0 : i32, i32
  }
  func.func @transform_9(%arg0: i32) -> (i32, i32) {
    %c0_i32 = arith.constant 0 : i32
    %c0_i32_0 = arith.constant 0 : i32
    %c0_i32_1 = arith.constant 0 : i32
    return %c0_i32, %c0_i32_0 : i32, i32
  }
  func.func @transform_10(%arg0: i32) -> (i32, i32) {
    %c0_i32 = arith.constant 0 : i32
    %c0_i32_0 = arith.constant 0 : i32
    %c0_i32_1 = arith.constant 0 : i32
    return %c0_i32, %c0_i32_0 : i32, i32
  }
  func.func @transform_11(%arg0: i32) -> (i32, i32) {
    %c0_i32 = arith.constant 0 : i32
    %c0_i32_0 = arith.constant 0 : i32
    %c0_i32_1 = arith.constant 0 : i32
    return %c0_i32, %c0_i32_0 : i32, i32
  }
}

</mosaic_0001>

<sc_bundles>
// kernel: kernel.6.cloned.1.call-start
scs
__scs_entry_jumppad:
0x0: {  	(pc) =	sbr.rel $0x88, $3  }
0x1: {  	(tag) =	ssettag $0x0;
	lr =	simm.s32 $0x1  }
0x2: {  	[smem:$0x3F9B] =	sst lr;
	_ =	strace $0xD0000000  }
0x3: {  	_ = 	snop  }
0x4: {  	_ = 	snop  }
0x5: {  	_ = 	snop  }
0x6: {  	_ = 	snop  }
0x7: {  	_ = 	snop  }
__scs_overlays_trampoline_lowered:
0x8: {  	[smem:$0x3FAA] =	sst s0  }
0x9: {  	[smem:$0x3FAB] =	sst s1  }
0xa: {  	[smem:$0x3FAC] =	sst s2  }
0xb: {  	[smem:$0x3FAD] =	sst s3  }
0xc: {  	[smem:$0x3FAE] =	sst s4  }
0xd: {  	[smem:$0x3FAF] =	sst s5  }
0xe: {  	[smem:$0x3FB0] =	sst s6  }
0xf: {  	[smem:$0x3FB1] =	sst s7  }
0x10: {  	[smem:$0x3FB2] =	sst s8  }
0x11: {  	[smem:$0x3FB3] =	sst s9;
	s0 =	simm.s32 @!p0 $0x0  }
0x12: {  	s1 =	sld [smem:$0x3F99];
	s0 =	simm.s32 @p0 $0x1  }
0x13: {  	[smem:$0x3FB4] =	sst s0;
	s0 =	simm.s32 @!p1 $0x0  }
0x14: {  	s2 =	sld [smem:$0x3F98];
	s0 =	simm.s32 @p1 $0x1  }
0x15: {  	[smem:$0x3FB5] =	sst s0;
	s0 =	simm.s32 @!p2 $0x0  }
0x16: {  	s3 =	sld [smem:$0x3FDB];
	s0 =	simm.s32 @p2 $0x1  }
0x17: {  	s4 =	simm.s32 $0x1BF5;
	[smem:$0x3FB7] =	sst s0  }
0x18: {  	s0 =	sld [smem:$0x3F9A];
	_ =	swait.ge [sflag:s4], $0x0  }
0x19: {  	s7 =	sld [smem:$0x3F9B]  }
0x1a: {  	s8 =	sadd.s32 $0xFFFFE003, lr  }
0x1b: {  	s9 =	sadd.s32 $0xFFFFFEF7, lr;
	s5 =	simm.s32 $0xFFFFFFFF;
	p2 =	slt.u32 s8, $0xFFFFF086  }
0x1c: {  	p1 =	slt.u32 s9, $0xF7A;
	s5 =	simm.s32 @!p2 $0x0  }
0x1d: {  	s5 =	simm.s32 @p1 $0x1;
	p0 =	seq.s32 s7, s2  }
0x1e: {  	s7 =	smul.u32 @!p0 $0xF7A, s2;
	p2 =	seq.s32 @!p0 s5, $0x0  }
0x1f: {  	s9 =	smul.u32 $0xF7A, s1;
	s8 =	simm.s32 @!p0 $0x1BF5;
	p2 =	por !p2, p0  }
0x20: {  	[sflag:s8] =	ssyncset.s32 @!p0 $0xFFFFF086;
	s6 =	sadd.s32 @!p0 s3, s7;
	s7 =	simm.s32 @!p0 $0x108  }
0x21: {  	s3 =	sadd.s32 s3, s9;
	s6 =	sadd.s32 @!p0 $0x88, s6;
	s7 =	simm.s32 @p2 $0x1082  }
0x22: {  	[simem:s7], [sflag:s8] =	dma.local @!p0 [hbm:s6], $0xF7A  }
0x23: {  	s9 =	sor.u32 $0xD0000000, s2;
	s6 =	simm.s32 $0x108;
	_ =	swait.ge @!p0 [sflag:s8], $0x0  }
0x24: {  	s3 =	sadd.s32 $0x88, s3;
	s6 =	simm.s32 @!p1 $0x1082;
	[sflag:s4] =	ssyncset.s32 $0xFFFFF086  }
0x25: {  	[simem:s6], [sflag:s4] =	dma.local [hbm:s3], $0xF7A  }
0x26: {  	[smem:$0x3F9B] =	sst s1;
	(tag) =	ssettag s2;
	_ =	strace s9  }
0x27: {  	s1 =	sld [smem:$0x3FAB]  }
0x28: {  	s2 =	sld [smem:$0x3FAC]  }
0x29: {  	s4 =	sld [smem:$0x3FAE]  }
0x2a: {  	p0 =	seq.s32 s5, $0x0;
	s5 =	sld [smem:$0x3FAF]  }
0x2b: {  	s6 =	sld [smem:$0x3FB0]  }
0x2c: {  	s7 =	sld [smem:$0x3FB1]  }
0x2d: {  	s3 =	simm.s32 $0x108;
	s8 =	sld [smem:$0x3FB2]  }
0x2e: {  	s3 =	simm.s32 @!p0 $0x1082;
	s9 =	sld [smem:$0x3FB3]  }
0x2f: {  	lr =	sadd.s32 s0, s3;
	s0 =	sld [smem:$0x3FAA]  }
0x30: {  	s3 =	sld [smem:$0x3FAD]  }
0x31: {  	[smem:$0x3FB6] =	sst s10  }
0x32: {  	s10 =	sld [smem:$0x3FB4];
	_ =	sdelay $0x3  }
0x33: {  	p0 =	seq.s32 s10, $0x1;
	s10 =	sld [smem:$0x3FB6];
	_ =	sdelay $0x3  }
0x34: {  	[smem:$0x3FB6] =	sst s10  }
0x35: {  	s10 =	sld [smem:$0x3FB5];
	_ =	sdelay $0x3  }
0x36: {  	p1 =	seq.s32 s10, $0x1;
	s10 =	sld [smem:$0x3FB6];
	_ =	sdelay $0x3  }
0x37: {  	[smem:$0x3FB6] =	sst s10  }
0x38: {  	s10 =	sld [smem:$0x3FB7]  }
0x39: {  	_ = 	snop;
	(pc) =	sbr.ind lr, $3  }
0x3a: {  	_ = 	snop  }
0x3b: {  	_ = 	snop  }
0x3c: {  	p2 =	seq.s32 s10, $0x1;
	s10 =	sld [smem:$0x3FB6]  }
0x3d: {  	_ =	shalt  }
0x3e: {  	_ =	shalt  }
0x3f: {  	_ =	shalt  }
0x40: {  	_ =	shalt  }
0x41: {  	_ =	shalt  }
0x42: {  	_ =	shalt  }
0x43: {  	_ =	shalt  }
0x44: {  	_ =	shalt  }
0x45: {  	_ =	shalt  }
0x46: {  	_ =	shalt  }
0x47: {  	_ =	shalt  }
0x48: {  	_ =	shalt  }
0x49: {  	_ =	shalt  }
0x4a: {  	_ =	shalt  }
0x4b: {  	_ =	shalt  }
0x4c: {  	_ =	shalt  }
0x4d: {  	_ =	shalt  }
0x4e: {  	_ =	shalt  }
0x4f: {  	_ =	shalt  }
0x50: {  	_ =	shalt  }
0x51: {  	_ =	shalt  }
0x52: {  	_ =	shalt  }
0x53: {  	_ =	shalt  }
0x54: {  	_ =	shalt  }
0x55: {  	_ =	shalt  }
0x56: {  	_ =	shalt  }
0x57: {  	_ =	shalt  }
0x58: {  	_ =	shalt  }
0x59: {  	_ =	shalt  }
0x5a: {  	_ =	shalt  }
0x5b: {  	_ =	shalt  }
0x5c: {  	_ =	shalt  }
0x5d: {  	_ =	shalt  }
0x5e: {  	_ =	shalt  }
0x5f: {  	_ =	shalt  }
0x60: {  	_ =	shalt  }
0x61: {  	_ =	shalt  }
0x62: {  	_ =	shalt  }
0x63: {  	_ =	shalt  }
0x64: {  	_ =	shalt  }
0x65: {  	_ =	shalt  }
0x66: {  	_ =	shalt  }
0x67: {  	_ =	shalt  }
0x68: {  	_ =	shalt  }
0x69: {  	_ =	shalt  }
0x6a: {  	_ =	shalt  }
0x6b: {  	_ =	shalt  }
0x6c: {  	_ =	shalt  }
0x6d: {  	_ =	shalt  }
0x6e: {  	_ =	shalt  }
0x6f: {  	_ =	shalt  }
0x70: {  	_ =	shalt  }
0x71: {  	_ =	shalt  }
0x72: {  	_ =	shalt  }
0x73: {  	_ =	shalt  }
0x74: {  	_ =	shalt  }
0x75: {  	_ =	shalt  }
0x76: {  	_ =	shalt  }
0x77: {  	_ =	shalt  }
0x78: {  	_ =	shalt  }
0x79: {  	_ =	shalt  }
0x7a: {  	_ =	shalt  }
0x7b: {  	_ =	shalt  }
0x7c: {  	_ =	shalt  }
0x7d: {  	_ =	shalt  }
0x7e: {  	_ =	shalt  }
0x7f: {  	_ =	shalt  }
0x80: {  	_ =	shalt  }
0x81: {  	_ =	shalt  }
0x82: {  	_ =	shalt  }
0x83: {  	_ =	shalt  }
0x84: {  	_ =	shalt  }
0x85: {  	_ =	shalt  }
0x86: {  	_ =	shalt  }
0x87: {  	_ =	shalt  }
.Lfunc_end0:
.L_simem_size_0:
called_computation_lowered:
.L_overlay_start_0:
0x88: {  	s2 =	sld [smem:$0x3FD9]  }
0x89: {  	s3 =	sld [smem:$0x3FFE];
	_ =	sdelay $0x1  }
0x8a: {  	s1 =	srdreg.scid  }
0x8b: {  	s0 =	sand.u32 $0x1, s1  }
0x8c: {  	s16 =	sshll.u32 s0, $0xA;
	s2 =	sadd.s32 s3, s2  }
0x8d: {  	s2 =	sadd.s32 s2, s16  }
0x8e: {  	[smem:$0x3FC2] =	sst s2  }
0x8f: {  	_ = 	snop  }
0x90: {  	(tm) =	ssettm $0x1  }
0x91: {  	s17 =	sld [smem:$0x3FFB];
	_ =	sdelay $0x3  }
0x92: {  	_ =	strace s17  }
0x93: {  	s2 =	sld [smem:$0x3FFC];
	_ =	sdelay $0x3  }
0x94: {  	_ =	strace s2  }
0x95: {  	s2 =	sld [smem:$0x3FFD];
	_ =	sdelay $0x3  }
0x96: {  	_ =	strace s2  }
0x97: {  	_ =	strace $0x8FFFFFFF  }
0x98: {  	s18 =	sld [smem:$0x3FDB];
	_ =	sdelay $0x1  }
0x99: {  	s19 =	simm.s32 $_scs_section_size  }
0x9a: {  	s4 =	simm.s32 $_size__tile_overlayer_lowered;
	s5 =	simm.s32 $_tile_overlayer_lowered  }
0x9b: {  	s22 =	simm.s32 $0x1BFF;
	s21 =	sshll.u32 s5, $0x1;
	s2 =	sadd.s32 s19, s18  }
0x9c: {  	s6 =	simm.s32 $0x0;
	s20 =	sshll.u32 s4, $0x1;
	s4 =	sadd.s32 s21, s2  }
0x9d: {  	[timem:s6], [sflag:s22] =	dma.local [hbm:s4], s20  }
0x9e: {  	_ =	swait.ge [sflag:s22], s20  }
0x9f: {  	s3 =	ssub.s32 $0x0, s20;
	[sflag:s22] =	ssyncset.done $0x0  }
0xa0: {  	[sflag:s22] =	ssyncadd.s32 s3;
	_ =	sdelay $0x1  }
0xa1: {  	s23 =	simm.s32 $0x1B8B  }
0xa2: {  	_ =	swait.ge [sflag:s23], $0x1  }
0xa3: {  	[sflag:s23] =	ssyncset.done $0x0  }
0xa4: {  	s25 =	simm.s32 $0x1B8E;
	s24 =	sld [smem:$0x3FFE];
	[sflag:s23] =	ssyncadd.s32 $0xFFFFFFFF  }
0xa5: {  	s26 =	simm.s32 $execute0_lowered;
	[smem:$0x3FD2] =	sst s25  }
0xa6: {  	s4 =	sshll.u32 s26, $0x1;
	_ =	strace $0x80000046;
	[dreg:$0x1] =	wrdreg $0xFFFFFFFF  }
0xa7: {  	s28 =	simm.s32 $_size_execute0_lowered;
	s2 =	sadd.s32 s2, s4;
	[dreg:$0x0] =	wrdreg $0x0  }
0xa8: {  	s4 =	sshll.u32 s28, $0x1;
	[dreg:$0x2] =	wrdreg s2  }
0xa9: {  	[dreg:$0x3] =	wrdreg s4  }
0xaa: {  	[dreg:$0x4] =	wrdreg $0xC0  }
0xab: {  	_ =	task [dreg:s6], $0x5FFFF  }
0xac: {  	[dreg:$0x1] =	wrdreg $0xFFFFFFFF  }
0xad: {  	[dreg:$0x0] =	wrdreg $0x60  }
0xae: {  	[dreg:$0x2] =	wrdreg s24  }
0xaf: {  	[dreg:$0x3] =	wrdreg $0x0  }
0xb0: {  	[dreg:$0x4] =	wrdreg $0x9  }
0xb1: {  	_ =	task.clear_ibuf [dreg:s6], $0x5FFFF;
	_ =	strace $0x90000046  }
0xb2: {  	s29 =	simm.s32 $0x9;
	_ =	strace $0x80000048  }
0xb3: {  	_ =	swait.ge [sflag:s29], $0x1  }
0xb4: {  	[sflag:s29] =	ssyncadd.s32 $0xFFFFFFFF  }
0xb5: {  	_ =	strace $0x90000048  }
0xb6: {  	_ =	sfence  }
0xb7: {  	s30 =	sld [smem:$0x0];
	_ =	sdelay $0x2  }
0xb8: {  	s31 =	sshll.u32 s1, $0xD;
	s1 =	sshrl.u32 s1, $0x2  }
0xb9: {  	s3 =	sand.u32 $0x4000, s31;
	s1 =	sadd.s32 s1, s30  }
0xba: {  	s0 =	sor.u32 s3, s0;
	s1 =	sshll.u32 s1, $0x11  }
0xbb: {  	s0 =	sor.u32 s1, s0  }
0xbc: {  	s0 =	sadd.s32 $0x8F2B, s0  }
0xbd: {  	[sflag:s0] =	ssyncadd.remote.s32 $0x1  }
0xbe: {  	_ =	sfence.sel $0xFFFF  }
0xbf: {  	[dreg:$0x0] =	wrdreg $0xFFFFFFFF;
	(pc) =	sbr.abs _section_cstart, $3  }
0xc0: {  	[dreg:$0x1] =	wrdreg $0xFFFFFFFF  }
0xc1: {  	_ =	task.clear_ibuf [dreg:s6], $0x2FFFF;
	_ =	strace $0x9FFFFFFF  }
0xc2: {  	(tm) =	ssettm $0x7FFFFFFF  }
0xc3: {  	_ =	shalt  }
tec
execute0_lowered:
.L_overlay_start_1:
0x0: {  	(tag) =	ssettag $0x1  }
0x1: {  	s0 =	rddreg [dreg:$0x0]  }
0x2: {  	s1 =	rddreg [dreg:$0x1]  }
0x3: {  	s2 =	srdreg.scid;
	s13 =	stileid.u32  }
0x4: {  	s14 =	simm.s32 $0x1B00;
	s15 =	simm.s32 $0x80;
	s16 =	simm.s32 $0x2280  }
0x5: {  	s20 =	simm.s32 $0x1A80;
	s21 =	simm.s32 $0x2;
	s22 =	simm.s32 $0x1B80  }
0x6: {  	s23 =	simm.s32 $0x1C00;
	s24 =	simm.s32 $0x1C80;
	s26 =	simm.s32 $0x1D00  }
0x7: {  	s28 =	simm.s32 $0x3;
	s29 =	simm.s32 $0x0;
	s8 =	smul.u32 $0x1880, s13  }
0x8: {  	s3 =	sand.u32 $0x1, s2;
	s2 =	simm.s32 $0x0;
	s12 =	smul.u32 $0x186, s13  }
0x9: {  	s9 =	sadd.s32 $0x2600, s0;
	p0 =	sne.s32 s13, $0x0;
	s5 =	smul.u32 $0x18800, s3  }
0xa: {  	[smem:$0x7FF] =	sst s2;
	s4 =	sshll.u32 s3, $0x4;
	s7 =	ssub.s32 $0x2, s3  }
0xb: {  	s3 =	smul.u32 $0x1860, s3;
	_ =	strace $0x80000047;
	s17 =	sor.u32 s13, s4  }
0xc: {  	s4 =	sadd.s32 $0x64200, s0;
	s10 =	sshrl.u32 s7, $0x1;
	s31 =	sadd.s32 s8, s1  }
0xd: {  	s13 =	simm.s32 $0x1;
	s5 =	sadd.s32 s8, s5;
	s6 =	smul.u32 $0x1860, s17  }
0xe: {  	s11 =	sshll.u32 s17, $0x4;
	s10 =	ssub.s32 s7, s10;
	s3 =	sadd.s32 s12, s3  }
0xf: {  	s12 =	simm.s32 $0x1880;
	p1 =	sgt.u32 s17, $0x13;
	s25 =	sshrl.u32 s31, $0x3  }
0x10: {  	s5 =	sshrl.u32 s5, $0x3;
	s30 =	sadd.s32 s11, s9;
	s3 =	sshll.u32 s3, $0x4  }
0x11: {  	s8 =	smax.u32 s10, $0x1;
	s11 =	sshrl.u32 @!p0 s1, $0x3;
	s0 =	sadd.s32 s5, s0  }
0x12: {  	s5 =	sadd.s32 s9, s6;
	s6 =	sadd.s32 $0x30C00, s30;
	s3 =	sadd.s32 s9, s3  }
0x13: {  	v0 =	vimm.f32 $1.000000000e+00;
	s7 =	sadd.s32 $0x67400, s0;
	s9 =	sadd.s32 $0x50, s5;
	s10 =	sadd.s32 $0xA0, s3  }
.LBB2_1:
0x14: {  	s0 =	simm.s32 @!p0 $0x1C03  }
0x15: {  	[spmem:s11], [sflag:s0] =	dma.local @!p0 [hbm:s4], $0x3100  }
0x16: {  	s0 =	simm.s32 @!p0 $0x3  }
0x17: {  	_ =	swait.ge @!p0 [sflag:s0], $0x3100  }
0x18: {  	[sflag:s0] =	ssyncset.done @!p0 $0x0  }
0x19: {  	[sflag:s0] =	ssyncadd.s32 @!p0 $0xFFFFCF00  }
0x1a: {  	[tilespmem:$0x2280] =	vst v0  }
0x1b: {  	[tilespmem:$0x2290] =	vst v0  }
0x1c: {  	[tilespmem:$0x22A0] =	vst v0  }
0x1d: {  	[tilespmem:$0x22B0] =	vst v0  }
0x1e: {  	[tilespmem:$0x22C0] =	vst v0  }
0x1f: {  	[tilespmem:$0x22D0] =	vst v0  }
0x20: {  	[tilespmem:$0x22E0] =	vst v0  }
0x21: {  	[tilespmem:$0x22F0] =	vst v0  }
0x22: {  	[bflag:$0x0] =	sbarrier.arrive $0xFFFF  }
0x23: {  	[tilespmem:s12], [sflag:$0x1] =	stream.linear.gather [hbm4b:s5+s2], $0x280, $0x38;
	[tilespmem:$0x2300] =	vst v63  }
0x24: {  	_ =	swait.ge [sflag:s13], $0x280  }
0x25: {  	[sflag:s13] =	ssyncset.done $0x0  }
0x26: {  	[sflag:s13] =	ssyncadd.s32 $0xFFFFFD80  }
0x27: {  	[tilespmem:s14], [sflag:$0x1] =	stream.linear.gather [hbm4b:s9+s2], $0x280, $0x38;
	[tilespmem:$0x2300] =	vst v63  }
0x28: {  	_ = 	snop  }
0x29: {  	[spmem:s1] =	stream.indirect.scatter.add.f32 [tilespmem:s16], [sflag:$0x2], $0x1, s12, s15, $0xb8;
	[tilespmem:$0x2300] =	vst v63  }
0x2a: {  	s19 =	simm.s32 $0x1900  }
0x2b: {  	[spmem:s1] =	stream.indirect.scatter.add.f32 [tilespmem:s16], [sflag:$0x2], $0x1, s19, s15, $0xb8;
	[tilespmem:$0x2300] =	vst v63  }
0x2c: {  	s3 =	simm.s32 $0x1980  }
0x2d: {  	[spmem:s1] =	stream.indirect.scatter.add.f32 [tilespmem:s16], [sflag:$0x2], $0x1, s3, s15, $0xb8;
	[tilespmem:$0x2300] =	vst v63  }
0x2e: {  	s17 =	simm.s32 $0x1A00;
	s18 =	sand.u32 $0x3, s21  }
0x2f: {  	[spmem:s1] =	stream.indirect.scatter.add.f32 [tilespmem:s16], [sflag:$0x2], $0x1, s17, s15, $0xb8;
	[tilespmem:$0x2300] =	vst v63  }
0x30: {  	s0 =	smul.u32 $0xA00, s18  }
0x31: {  	[spmem:s1] =	stream.indirect.scatter.add.f32 [tilespmem:s16], [sflag:$0x2], $0x1, s20, s15, $0xb8;
	[tilespmem:$0x2300] =	vst v63  }
0x32: {  	_ =	swait.ge [sflag:s13], $0x280  }
0x33: {  	s0 =	sshrl.u32 s0, $0x2;
	[sflag:s13] =	ssyncset.done $0x0  }
0x34: {  	s0 =	sadd.s32 $0x1880, s0;
	[sflag:s13] =	ssyncadd.s32 $0xFFFFFD80  }
0x35: {  	[tilespmem:s0], [sflag:$0x1] =	stream.linear.gather [hbm4b:s10+s2], $0x280, $0x38;
	[tilespmem:$0x2300] =	vst v63  }
0x36: {  	_ =	swait.ge [sflag:s21], $0x80  }
0x37: {  	[sflag:s21] =	ssyncset.done $0x0  }
0x38: {  	[sflag:s21] =	ssyncadd.s32 $0xFFFFFF80  }
0x39: {  	_ =	swait.ge [sflag:s21], $0x80  }
0x3a: {  	[sflag:s21] =	ssyncset.done $0x0  }
0x3b: {  	[sflag:s21] =	ssyncadd.s32 $0xFFFFFF80  }
0x3c: {  	_ =	swait.ge [sflag:s21], $0x80  }
0x3d: {  	[sflag:s21] =	ssyncset.done $0x0  }
0x3e: {  	[sflag:s21] =	ssyncadd.s32 $0xFFFFFF80  }
0x3f: {  	s19 =	simm.s32 $0x1;
	_ =	swait.ge [sflag:s21], $0x80  }
0x40: {  	s0 =	sand.u32 $0x3, s19;
	[sflag:s21] =	ssyncset.done $0x0  }
0x41: {  	s0 =	smul.u32 $0xA00, s0;
	[sflag:s21] =	ssyncadd.s32 $0xFFFFFF80  }
0x42: {  	_ =	swait.ge [sflag:s21], $0x80  }
0x43: {  	s17 =	sshrl.u32 s0, $0x2;
	[sflag:s21] =	ssyncset.done $0x0  }
0x44: {  	s0 =	sadd.s32 $0x1880, s17;
	[sflag:s21] =	ssyncadd.s32 $0xFFFFFF80  }
0x45: {  	[spmem:s1] =	stream.indirect.scatter.add.f32 [tilespmem:s16], [sflag:$0x2], $0x1, s0, s15, $0xb8;
	[tilespmem:$0x2300] =	vst v63  }
0x46: {  	s30 =	simm.s32 $0x3;
	s3 =	sadd.s32 $0x1900, s17  }
0x47: {  	[spmem:s1] =	stream.indirect.scatter.add.f32 [tilespmem:s16], [sflag:$0x2], $0x1, s3, s15, $0xb8;
	[tilespmem:$0x2300] =	vst v63  }
0x48: {  	s31 =	sadd.s32 $0x50, s10;
	s18 =	sadd.s32 $0x1980, s17;
	s19 =	sadd.s32 $0x1A00, s17  }
0x49: {  	[spmem:s1] =	stream.indirect.scatter.add.f32 [tilespmem:s16], [sflag:$0x2], $0x1, s18, s15, $0xb8;
	[tilespmem:$0x2300] =	vst v63  }
0x4a: {  	s0 =	sand.u32 $0x3, s30;
	s3 =	simm.s32 $0x4;
	s18 =	sadd.s32 $0x1A80, s17  }
0x4b: {  	[spmem:s1] =	stream.indirect.scatter.add.f32 [tilespmem:s16], [sflag:$0x2], $0x1, s19, s15, $0xb8;
	[tilespmem:$0x2300] =	vst v63  }
.LBB2_2:
0x4c: {  	[spmem:s1] =	stream.indirect.scatter.add.f32 [tilespmem:s16], [sflag:$0x2], $0x1, s18, s15, $0xb8;
	[tilespmem:$0x2300] =	vst v63  }
0x4d: {  	s18 =	smov.u32 s3  }
0x4e: {  	s17 =	sadd.s32 $0x1, s3;
	s19 =	smul.u32 $0xA00, s0;
	s0 =	sand.u32 $0x3, s18  }
0x4f: {  	p2 =	sne.s32 s3, $0x4D;
	_ =	swait.ge [sflag:s13], $0x280  }
0x50: {  	s3 =	sshrl.u32 s19, $0x2;
	[sflag:s13] =	ssyncset.done $0x0  }
0x51: {  	s3 =	sadd.s32 $0x1880, s3;
	[sflag:s13] =	ssyncadd.s32 $0xFFFFFD80  }
0x52: {  	[tilespmem:s3], [sflag:$0x1] =	stream.linear.gather [hbm4b:s31+s2], $0x280, $0x38;
	[tilespmem:$0x2300] =	vst v63  }
0x53: {  	_ =	swait.ge [sflag:s21], $0x80  }
0x54: {  	[sflag:s21] =	ssyncset.done $0x0  }
0x55: {  	[sflag:s21] =	ssyncadd.s32 $0xFFFFFF80  }
0x56: {  	_ =	swait.ge [sflag:s21], $0x80  }
0x57: {  	[sflag:s21] =	ssyncset.done $0x0  }
0x58: {  	[sflag:s21] =	ssyncadd.s32 $0xFFFFFF80  }
0x59: {  	_ =	swait.ge [sflag:s21], $0x80  }
0x5a: {  	[sflag:s21] =	ssyncset.done $0x0  }
0x5b: {  	[sflag:s21] =	ssyncadd.s32 $0xFFFFFF80  }
0x5c: {  	s3 =	sadd.s32 $0xFFFFFFFF, s30;
	s30 =	smov.u32 s18;
	_ =	swait.ge [sflag:s21], $0x80  }
0x5d: {  	s3 =	sand.u32 $0x3, s3;
	[sflag:s21] =	ssyncset.done $0x0  }
0x5e: {  	s3 =	smul.u32 $0xA00, s3;
	[sflag:s21] =	ssyncadd.s32 $0xFFFFFF80  }
0x5f: {  	_ =	swait.ge [sflag:s21], $0x80  }
0x60: {  	s3 =	sshrl.u32 s3, $0x2;
	[sflag:s21] =	ssyncset.done $0x0  }
0x61: {  	s18 =	sadd.s32 $0x1880, s3;
	[sflag:s21] =	ssyncadd.s32 $0xFFFFFF80  }
0x62: {  	[spmem:s1] =	stream.indirect.scatter.add.f32 [tilespmem:s16], [sflag:$0x2], $0x1, s18, s15, $0xb8;
	[tilespmem:$0x2300] =	vst v63  }
0x63: {  	s18 =	sadd.s32 $0x1900, s3  }
0x64: {  	[spmem:s1] =	stream.indirect.scatter.add.f32 [tilespmem:s16], [sflag:$0x2], $0x1, s18, s15, $0xb8;
	[tilespmem:$0x2300] =	vst v63  }
.Ltmp0:
0x65: {  	s18 =	sadd.s32 $0x1980, s3;
	(pc) =	sbr.rel @p2 .LBB2_2-.Ltmp0, $4  }
0x66: {  	[spmem:s1] =	stream.indirect.scatter.add.f32 [tilespmem:s16], [sflag:$0x2], $0x1, s18, s15, $0xb8;
	[tilespmem:$0x2300] =	vst v63  }
0x67: {  	s18 =	sadd.s32 $0x1A00, s3  }
0x68: {  	[spmem:s1] =	stream.indirect.scatter.add.f32 [tilespmem:s16], [sflag:$0x2], $0x1, s18, s15, $0xb8;
	[tilespmem:$0x2300] =	vst v63  }
0x69: {  	s31 =	sadd.s32 $0x50, s31;
	s18 =	sadd.s32 $0x1A80, s3;
	s3 =	smov.u32 s17  }
0x6a: {  	[spmem:s1] =	stream.indirect.scatter.add.f32 [tilespmem:s16], [sflag:$0x2], $0x1, s18, s15, $0xb8;
	[tilespmem:$0x2300] =	vst v63  }
0x6b: {  	s0 =	smul.u32 $0xA00, s0  }
0x6c: {  	_ =	swait.ge [sflag:s13], $0x280  }
0x6d: {  	[sflag:s13] =	ssyncset.done $0x0;
	s0 =	sshrl.u32 s0, $0x2  }
0x6e: {  	[sflag:s13] =	ssyncadd.s32 $0xFFFFFD80;
	s0 =	sadd.s32 $0x1880, s0  }
0x6f: {  	[tilespmem:s0], [sflag:$0x1] =	stream.linear.gather [hbm4b:s31+s2], $0x280, $0x38;
	[tilespmem:$0x2300] =	vst v63  }
0x70: {  	_ =	swait.ge [sflag:s21], $0x80  }
0x71: {  	[sflag:s21] =	ssyncset.done $0x0  }
0x72: {  	[sflag:s21] =	ssyncadd.s32 $0xFFFFFF80  }
0x73: {  	_ =	swait.ge [sflag:s21], $0x80  }
0x74: {  	[sflag:s21] =	ssyncset.done $0x0  }
0x75: {  	[sflag:s21] =	ssyncadd.s32 $0xFFFFFF80  }
0x76: {  	_ =	swait.ge [sflag:s21], $0x80  }
0x77: {  	[sflag:s21] =	ssyncset.done $0x0  }
0x78: {  	[sflag:s21] =	ssyncadd.s32 $0xFFFFFF80  }
0x79: {  	s17 =	sadd.s32 $0xFFFFFFFF, s30;
	_ =	swait.ge [sflag:s21], $0x80  }
0x7a: {  	s0 =	sand.u32 $0x3, s17;
	[sflag:s21] =	ssyncset.done $0x0  }
0x7b: {  	s0 =	smul.u32 $0xA00, s0;
	[sflag:s21] =	ssyncadd.s32 $0xFFFFFF80  }
0x7c: {  	_ =	swait.ge [sflag:s21], $0x80  }
0x7d: {  	s0 =	sshrl.u32 s0, $0x2;
	[sflag:s21] =	ssyncset.done $0x0  }
0x7e: {  	s3 =	sadd.s32 $0x1880, s0;
	[sflag:s21] =	ssyncadd.s32 $0xFFFFFF80  }
0x7f: {  	[spmem:s1] =	stream.indirect.scatter.add.f32 [tilespmem:s16], [sflag:$0x2], $0x1, s3, s15, $0xb8;
	[tilespmem:$0x2300] =	vst v63  }
0x80: {  	s18 =	sadd.s32 $0x1900, s0  }
0x81: {  	[spmem:s1] =	stream.indirect.scatter.add.f32 [tilespmem:s16], [sflag:$0x2], $0x1, s18, s15, $0xb8;
	[tilespmem:$0x2300] =	vst v63  }
0x82: {  	s19 =	sadd.s32 $0x1980, s0  }
0x83: {  	[spmem:s1] =	stream.indirect.scatter.add.f32 [tilespmem:s16], [sflag:$0x2], $0x1, s19, s15, $0xb8;
	[tilespmem:$0x2300] =	vst v63  }
0x84: {  	s30 =	sadd.s32 $0x1A00, s0  }
0x85: {  	[spmem:s1] =	stream.indirect.scatter.add.f32 [tilespmem:s16], [sflag:$0x2], $0x1, s30, s15, $0xb8;
	[tilespmem:$0x2300] =	vst v63  }
0x86: {  	s0 =	sadd.s32 $0x1A80, s0  }
0x87: {  	[spmem:s1] =	stream.indirect.scatter.add.f32 [tilespmem:s16], [sflag:$0x2], $0x1, s0, s15, $0xb8;
	[tilespmem:$0x2300] =	vst v63  }
0x88: {  	_ =	swait.ge [sflag:s13], $0x280  }
0x89: {  	[sflag:s13] =	ssyncset.done $0x0  }
0x8a: {  	[sflag:s13] =	ssyncadd.s32 $0xFFFFFD80  }
0x8b: {  	_ =	swait.ge [sflag:s21], $0x80  }
0x8c: {  	[sflag:s21] =	ssyncset.done $0x0  }
0x8d: {  	[sflag:s21] =	ssyncadd.s32 $0xFFFFFF80  }
0x8e: {  	_ =	swait.ge [sflag:s21], $0x80  }
0x8f: {  	[sflag:s21] =	ssyncset.done $0x0  }
0x90: {  	[sflag:s21] =	ssyncadd.s32 $0xFFFFFF80  }
0x91: {  	_ =	swait.ge [sflag:s21], $0x80  }
0x92: {  	[sflag:s21] =	ssyncset.done $0x0  }
0x93: {  	[sflag:s21] =	ssyncadd.s32 $0xFFFFFF80  }
0x94: {  	_ =	swait.ge [sflag:s21], $0x80  }
0x95: {  	[sflag:s21] =	ssyncset.done $0x0  }
0x96: {  	[sflag:s21] =	ssyncadd.s32 $0xFFFFFF80  }
0x97: {  	_ =	swait.ge [sflag:s21], $0x80  }
0x98: {  	[sflag:s21] =	ssyncset.done $0x0  }
0x99: {  	[sflag:s21] =	ssyncadd.s32 $0xFFFFFF80  }
0x9a: {  	[spmem:s1] =	stream.indirect.scatter.add.f32 [tilespmem:s16], [sflag:$0x2], $0x1, s14, s15, $0xb8;
	[tilespmem:$0x2300] =	vst v63  }
0x9b: {  	_ = 	snop  }
0x9c: {  	[spmem:s1] =	stream.indirect.scatter.add.f32 [tilespmem:s16], [sflag:$0x2], $0x1, s22, s15, $0xb8;
	[tilespmem:$0x2300] =	vst v63  }
0x9d: {  	_ = 	snop  }
0x9e: {  	[spmem:s1] =	stream.indirect.scatter.add.f32 [tilespmem:s16], [sflag:$0x2], $0x1, s23, s15, $0xb8;
	[tilespmem:$0x2300] =	vst v63  }
0x9f: {  	_ = 	snop  }
0xa0: {  	[spmem:s1] =	stream.indirect.scatter.add.f32 [tilespmem:s16], [sflag:$0x2], $0x1, s24, s15, $0xb8;
	[tilespmem:$0x2300] =	vst v63  }
0xa1: {  	_ = 	snop  }
0xa2: {  	[spmem:s1] =	stream.indirect.scatter.add.f32 [tilespmem:s16], [sflag:$0x2], $0x1, s26, s15, $0xb8;
	[tilespmem:$0x2300] =	vst v63  }
0xa3: {  	_ =	swait.ge [sflag:s21], $0x80  }
0xa4: {  	[sflag:s21] =	ssyncset.done $0x0  }
0xa5: {  	[sflag:s21] =	ssyncadd.s32 $0xFFFFFF80  }
0xa6: {  	_ =	swait.ge [sflag:s21], $0x80  }
0xa7: {  	[sflag:s21] =	ssyncset.done $0x0  }
0xa8: {  	[sflag:s21] =	ssyncadd.s32 $0xFFFFFF80  }
0xa9: {  	_ =	swait.ge [sflag:s21], $0x80  }
0xaa: {  	[sflag:s21] =	ssyncset.done $0x0  }
0xab: {  	[sflag:s21] =	ssyncadd.s32 $0xFFFFFF80  }
0xac: {  	_ =	swait.ge [sflag:s21], $0x80  }
0xad: {  	[sflag:s21] =	ssyncset.done $0x0  }
0xae: {  	[sflag:s21] =	ssyncadd.s32 $0xFFFFFF80  }
0xaf: {  	_ =	swait.ge [sflag:s21], $0x80  }
0xb0: {  	[sflag:s21] =	ssyncset.done $0x0  }
0xb1: {  	s3 =	simm.s32 @!p1 $0x1880;
	s0 =	simm.s32 @!p1 $0x0;
	[sflag:s21] =	ssyncadd.s32 $0xFFFFFF80  }
0xb2: {  	[tilespmem:s3], [sflag:$0x3] =	stream.linear.gather @!p1 [hbm4b:s6+s0], $0x80, $0x38;
	[tilespmem:$0x2300] =	vst v63  }
0xb3: {  	s0 =	simm.s32 @!p1 $0x3  }
0xb4: {  	_ =	swait.ge @!p1 [sflag:s0], $0x80  }
0xb5: {  	[sflag:s0] =	ssyncset.done @!p1 $0x0  }
0xb6: {  	s17 =	simm.s32 @!p1 $0x80;
	s18 =	simm.s32 @!p1 $0x2280;
	[sflag:s0] =	ssyncadd.s32 @!p1 $0xFFFFFF80  }
0xb7: {  	[spmem:s1] =	stream.indirect.scatter.add.f32 @!p1 [tilespmem:s18], [sflag:$0x3], $0x1, s3, s17, $0xb8;
	[tilespmem:$0x2300] =	vst v63  }
0xb8: {  	_ =	swait.ge @!p1 [sflag:s0], $0x80  }
0xb9: {  	s29 =	sadd.s32 $0x1, s29;
	s31 =	stileid.u32;
	[sflag:s0] =	ssyncset.done @!p1 $0x0  }
0xba: {  	p2 =	sne.s32 s29, s8;
	[sflag:s0] =	ssyncadd.s32 @!p1 $0xFFFFFF80;
	s0 =	sshll.u32 s31, $0x6  }
.Ltmp1:
0xbb: {  	[bflag:$0x0] =	sbarrier.arrive $0xFFFF;
	s0 =	sor.u32 $0x1C03, s0;
	(pc) =	sbr.rel @p2 .LBB2_1-.Ltmp1, $4  }
0xbc: {  	[hbm:s7], [sflag:s0] =	dma.local [spmem:s25], $0x310  }
0xbd: {  	_ =	swait.ge [sflag:s28], $0x310  }
0xbe: {  	[sflag:s28] =	ssyncset.done $0x0  }
0xbf: {  	[sflag:s28] =	ssyncadd.s32 $0xFFFFFCF0  }
0xc0: {  	_ =	sfence.sel $0x180000  }
0xc1: {  	[bflag:$0x0] =	sbarrier.arrive $0xFFFF  }
0xc2: {  	_ =	strace $0x90000047  }
0xc3: {  	[bflag:$0x2] =	sbarrier.arrive $0xFFFF  }
0xc4: {  	s0 =	rddreg [dreg:$0x2]  }
0xc5: {  	s0 =	sadd.s32 @!p0 $0x100000, s0  }
0xc6: {  	[sflag:s0] =	ssyncadd.tile.s32 @!p0 $0x1;
	_ =	shalt  }
.Lfunc_end2:
_tile_overlayer_lowered:
.L_overlay_start_2:
0xc7: {  	(tag) =	ssettag $0x2  }
0xc8: {  	s0 =	rddreg [dreg:$0x0];
	s2 =	stileid.u32  }
0xc9: {  	s1 =	rddreg [dreg:$0x1];
	p0 =	sne.s32 s2, $0x0  }
0xca: {  	s3 =	rddreg [dreg:$0x2];
	[bflag:$0x3] =	sbarrier.arrive $0xFFFF;
	s2 =	simm.s32 @!p0 $0x1C03  }
0xcb: {  	[timem:s3], [sflag:s2] =	dma.local @!p0 [hbm:s0], s1  }
0xcc: {  	s0 =	simm.s32 @!p0 $0x3  }
0xcd: {  	_ =	swait.ge @!p0 [sflag:s0], s1  }
0xce: {  	s1 =	ssub.s32 @!p0 $0x0, s1;
	[sflag:s0] =	ssyncset.done @!p0 $0x0  }
0xcf: {  	[sflag:s0] =	ssyncadd.s32 @!p0 s1  }
0xd0: {  	[bflag:$0x3] =	sbarrier.arrive $0xFFFF  }
0xd1: {  	_ =	shalt  }

// kernel: kernel.9.cloned.1.call-start
scs
__scs_entry_jumppad:
0x0: {  	(pc) =	sbr.rel $0x88, $3  }
0x1: {  	(tag) =	ssettag $0x0;
	lr =	simm.s32 $0x1  }
0x2: {  	[smem:$0x3F9B] =	sst lr;
	_ =	strace $0xD0000000  }
0x3: {  	_ = 	snop  }
0x4: {  	_ = 	snop  }
0x5: {  	_ = 	snop  }
0x6: {  	_ = 	snop  }
0x7: {  	_ = 	snop  }
__scs_overlays_trampoline_lowered:
0x8: {  	[smem:$0x3FAA] =	sst s0  }
0x9: {  	[smem:$0x3FAB] =	sst s1  }
0xa: {  	[smem:$0x3FAC] =	sst s2  }
0xb: {  	[smem:$0x3FAD] =	sst s3  }
0xc: {  	[smem:$0x3FAE] =	sst s4  }
0xd: {  	[smem:$0x3FAF] =	sst s5  }
0xe: {  	[smem:$0x3FB0] =	sst s6  }
0xf: {  	[smem:$0x3FB1] =	sst s7  }
0x10: {  	[smem:$0x3FB2] =	sst s8  }
0x11: {  	[smem:$0x3FB3] =	sst s9;
	s0 =	simm.s32 @!p0 $0x0  }
0x12: {  	s1 =	sld [smem:$0x3F99];
	s0 =	simm.s32 @p0 $0x1  }
0x13: {  	[smem:$0x3FB4] =	sst s0;
	s0 =	simm.s32 @!p1 $0x0  }
0x14: {  	s2 =	sld [smem:$0x3F98];
	s0 =	simm.s32 @p1 $0x1  }
0x15: {  	[smem:$0x3FB5] =	sst s0;
	s0 =	simm.s32 @!p2 $0x0  }
0x16: {  	s3 =	sld [smem:$0x3FDB];
	s0 =	simm.s32 @p2 $0x1  }
0x17: {  	s4 =	simm.s32 $0x1BF5;
	[smem:$0x3FB7] =	sst s0  }
0x18: {  	s0 =	sld [smem:$0x3F9A];
	_ =	swait.ge [sflag:s4], $0x0  }
0x19: {  	s7 =	sld [smem:$0x3F9B]  }
0x1a: {  	s8 =	sadd.s32 $0xFFFFE003, lr  }
0x1b: {  	s9 =	sadd.s32 $0xFFFFFEF7, lr;
	s5 =	simm.s32 $0xFFFFFFFF;
	p2 =	slt.u32 s8, $0xFFFFF086  }
0x1c: {  	p1 =	slt.u32 s9, $0xF7A;
	s5 =	simm.s32 @!p2 $0x0  }
0x1d: {  	s5 =	simm.s32 @p1 $0x1;
	p0 =	seq.s32 s7, s2  }
0x1e: {  	s7 =	smul.u32 @!p0 $0xF7A, s2;
	p2 =	seq.s32 @!p0 s5, $0x0  }
0x1f: {  	s9 =	smul.u32 $0xF7A, s1;
	s8 =	simm.s32 @!p0 $0x1BF5;
	p2 =	por !p2, p0  }
0x20: {  	[sflag:s8] =	ssyncset.s32 @!p0 $0xFFFFF086;
	s6 =	sadd.s32 @!p0 s3, s7;
	s7 =	simm.s32 @!p0 $0x108  }
0x21: {  	s3 =	sadd.s32 s3, s9;
	s6 =	sadd.s32 @!p0 $0x88, s6;
	s7 =	simm.s32 @p2 $0x1082  }
0x22: {  	[simem:s7], [sflag:s8] =	dma.local @!p0 [hbm:s6], $0xF7A  }
0x23: {  	s9 =	sor.u32 $0xD0000000, s2;
	s6 =	simm.s32 $0x108;
	_ =	swait.ge @!p0 [sflag:s8], $0x0  }
0x24: {  	s3 =	sadd.s32 $0x88, s3;
	s6 =	simm.s32 @!p1 $0x1082;
	[sflag:s4] =	ssyncset.s32 $0xFFFFF086  }
0x25: {  	[simem:s6], [sflag:s4] =	dma.local [hbm:s3], $0xF7A  }
0x26: {  	[smem:$0x3F9B] =	sst s1;
	(tag) =	ssettag s2;
	_ =	strace s9  }
0x27: {  	s1 =	sld [smem:$0x3FAB]  }
0x28: {  	s2 =	sld [smem:$0x3FAC]  }
0x29: {  	s4 =	sld [smem:$0x3FAE]  }
0x2a: {  	p0 =	seq.s32 s5, $0x0;
	s5 =	sld [smem:$0x3FAF]  }
0x2b: {  	s6 =	sld [smem:$0x3FB0]  }
0x2c: {  	s7 =	sld [smem:$0x3FB1]  }
0x2d: {  	s3 =	simm.s32 $0x108;
	s8 =	sld [smem:$0x3FB2]  }
0x2e: {  	s3 =	simm.s32 @!p0 $0x1082;
	s9 =	sld [smem:$0x3FB3]  }
0x2f: {  	lr =	sadd.s32 s0, s3;
	s0 =	sld [smem:$0x3FAA]  }
0x30: {  	s3 =	sld [smem:$0x3FAD]  }
0x31: {  	[smem:$0x3FB6] =	sst s10  }
0x32: {  	s10 =	sld [smem:$0x3FB4];
	_ =	sdelay $0x3  }
0x33: {  	p0 =	seq.s32 s10, $0x1;
	s10 =	sld [smem:$0x3FB6];
	_ =	sdelay $0x3  }
0x34: {  	[smem:$0x3FB6] =	sst s10  }
0x35: {  	s10 =	sld [smem:$0x3FB5];
	_ =	sdelay $0x3  }
0x36: {  	p1 =	seq.s32 s10, $0x1;
	s10 =	sld [smem:$0x3FB6];
	_ =	sdelay $0x3  }
0x37: {  	[smem:$0x3FB6] =	sst s10  }
0x38: {  	s10 =	sld [smem:$0x3FB7]  }
0x39: {  	_ = 	snop;
	(pc) =	sbr.ind lr, $3  }
0x3a: {  	_ = 	snop  }
0x3b: {  	_ = 	snop  }
0x3c: {  	p2 =	seq.s32 s10, $0x1;
	s10 =	sld [smem:$0x3FB6]  }
0x3d: {  	_ =	shalt  }
0x3e: {  	_ =	shalt  }
0x3f: {  	_ =	shalt  }
0x40: {  	_ =	shalt  }
0x41: {  	_ =	shalt  }
0x42: {  	_ =	shalt  }
0x43: {  	_ =	shalt  }
0x44: {  	_ =	shalt  }
0x45: {  	_ =	shalt  }
0x46: {  	_ =	shalt  }
0x47: {  	_ =	shalt  }
0x48: {  	_ =	shalt  }
0x49: {  	_ =	shalt  }
0x4a: {  	_ =	shalt  }
0x4b: {  	_ =	shalt  }
0x4c: {  	_ =	shalt  }
0x4d: {  	_ =	shalt  }
0x4e: {  	_ =	shalt  }
0x4f: {  	_ =	shalt  }
0x50: {  	_ =	shalt  }
0x51: {  	_ =	shalt  }
0x52: {  	_ =	shalt  }
0x53: {  	_ =	shalt  }
0x54: {  	_ =	shalt  }
0x55: {  	_ =	shalt  }
0x56: {  	_ =	shalt  }
0x57: {  	_ =	shalt  }
0x58: {  	_ =	shalt  }
0x59: {  	_ =	shalt  }
0x5a: {  	_ =	shalt  }
0x5b: {  	_ =	shalt  }
0x5c: {  	_ =	shalt  }
0x5d: {  	_ =	shalt  }
0x5e: {  	_ =	shalt  }
0x5f: {  	_ =	shalt  }
0x60: {  	_ =	shalt  }
0x61: {  	_ =	shalt  }
0x62: {  	_ =	shalt  }
0x63: {  	_ =	shalt  }
0x64: {  	_ =	shalt  }
0x65: {  	_ =	shalt  }
0x66: {  	_ =	shalt  }
0x67: {  	_ =	shalt  }
0x68: {  	_ =	shalt  }
0x69: {  	_ =	shalt  }
0x6a: {  	_ =	shalt  }
0x6b: {  	_ =	shalt  }
0x6c: {  	_ =	shalt  }
0x6d: {  	_ =	shalt  }
0x6e: {  	_ =	shalt  }
0x6f: {  	_ =	shalt  }
0x70: {  	_ =	shalt  }
0x71: {  	_ =	shalt  }
0x72: {  	_ =	shalt  }
0x73: {  	_ =	shalt  }
0x74: {  	_ =	shalt  }
0x75: {  	_ =	shalt  }
0x76: {  	_ =	shalt  }
0x77: {  	_ =	shalt  }
0x78: {  	_ =	shalt  }
0x79: {  	_ =	shalt  }
0x7a: {  	_ =	shalt  }
0x7b: {  	_ =	shalt  }
0x7c: {  	_ =	shalt  }
0x7d: {  	_ =	shalt  }
0x7e: {  	_ =	shalt  }
0x7f: {  	_ =	shalt  }
0x80: {  	_ =	shalt  }
0x81: {  	_ =	shalt  }
0x82: {  	_ =	shalt  }
0x83: {  	_ =	shalt  }
0x84: {  	_ =	shalt  }
0x85: {  	_ =	shalt  }
0x86: {  	_ =	shalt  }
0x87: {  	_ =	shalt  }
.Lfunc_end0:
.L_simem_size_0:
called_computation.1_lowered:
.L_overlay_start_0:
0x88: {  	s2 =	sld [smem:$0x3FD9]  }
0x89: {  	s3 =	sld [smem:$0x3FFE];
	_ =	sdelay $0x1  }
0x8a: {  	s1 =	srdreg.scid  }
0x8b: {  	s0 =	sand.u32 $0x1, s1  }
0x8c: {  	s16 =	sshll.u32 s0, $0xA;
	s2 =	sadd.s32 s3, s2  }
0x8d: {  	s2 =	sadd.s32 s2, s16  }
0x8e: {  	[smem:$0x3FC2] =	sst s2  }
0x8f: {  	_ = 	snop  }
0x90: {  	(tm) =	ssettm $0x1  }
0x91: {  	s17 =	sld [smem:$0x3FFB];
	_ =	sdelay $0x3  }
0x92: {  	_ =	strace s17  }
0x93: {  	s2 =	sld [smem:$0x3FFC];
	_ =	sdelay $0x3  }
0x94: {  	_ =	strace s2  }
0x95: {  	s2 =	sld [smem:$0x3FFD];
	_ =	sdelay $0x3  }
0x96: {  	_ =	strace s2  }
0x97: {  	_ =	strace $0x8FFFFFFF  }
0x98: {  	s18 =	sld [smem:$0x3FDB];
	_ =	sdelay $0x1  }
0x99: {  	s19 =	simm.s32 $_scs_section_size  }
0x9a: {  	s4 =	simm.s32 $_size__tile_overlayer_lowered;
	s5 =	simm.s32 $_tile_overlayer_lowered  }
0x9b: {  	s22 =	simm.s32 $0x1BFF;
	s21 =	sshll.u32 s5, $0x1;
	s2 =	sadd.s32 s19, s18  }
0x9c: {  	s6 =	simm.s32 $0x0;
	s20 =	sshll.u32 s4, $0x1;
	s4 =	sadd.s32 s21, s2  }
0x9d: {  	[timem:s6], [sflag:s22] =	dma.local [hbm:s4], s20  }
0x9e: {  	_ =	swait.ge [sflag:s22], s20  }
0x9f: {  	s3 =	ssub.s32 $0x0, s20;
	[sflag:s22] =	ssyncset.done $0x0  }
0xa0: {  	[sflag:s22] =	ssyncadd.s32 s3;
	_ =	sdelay $0x1  }
0xa1: {  	s23 =	simm.s32 $0x1B8B  }
0xa2: {  	_ =	swait.ge [sflag:s23], $0x1  }
0xa3: {  	[sflag:s23] =	ssyncset.done $0x0  }
0xa4: {  	s25 =	simm.s32 $0x1B8E;
	s24 =	sld [smem:$0x3FFE];
	[sflag:s23] =	ssyncadd.s32 $0xFFFFFFFF  }
0xa5: {  	s26 =	simm.s32 $execute0_lowered;
	[smem:$0x3FD2] =	sst s25  }
0xa6: {  	s4 =	sshll.u32 s26, $0x1;
	_ =	strace $0x80000049;
	[dreg:$0x1] =	wrdreg $0xFFFFFFFF  }
0xa7: {  	s28 =	simm.s32 $_size_execute0_lowered;
	s2 =	sadd.s32 s2, s4;
	[dreg:$0x0] =	wrdreg $0x0  }
0xa8: {  	s4 =	sshll.u32 s28, $0x1;
	[dreg:$0x2] =	wrdreg s2  }
0xa9: {  	[dreg:$0x3] =	wrdreg s4  }
0xaa: {  	[dreg:$0x4] =	wrdreg $0xC0  }
0xab: {  	_ =	task [dreg:s6], $0x5FFFF  }
0xac: {  	[dreg:$0x1] =	wrdreg $0xFFFFFFFF  }
0xad: {  	[dreg:$0x0] =	wrdreg $0x60  }
0xae: {  	[dreg:$0x2] =	wrdreg s24  }
0xaf: {  	[dreg:$0x3] =	wrdreg $0x0  }
0xb0: {  	[dreg:$0x4] =	wrdreg $0x188000  }
0xb1: {  	[dreg:$0x5] =	wrdreg $0x1A0800  }
0xb2: {  	[dreg:$0x6] =	wrdreg $0x9  }
0xb3: {  	_ =	task.clear_ibuf [dreg:s6], $0x7FFFF;
	_ =	strace $0x90000049  }
0xb4: {  	s29 =	simm.s32 $0x9;
	_ =	strace $0x8000004B  }
0xb5: {  	_ =	swait.ge [sflag:s29], $0x1  }
0xb6: {  	[sflag:s29] =	ssyncadd.s32 $0xFFFFFFFF  }
0xb7: {  	_ =	strace $0x9000004B  }
0xb8: {  	_ =	sfence  }
0xb9: {  	s30 =	sld [smem:$0x0];
	_ =	sdelay $0x2  }
0xba: {  	s31 =	sshll.u32 s1, $0xD;
	s1 =	sshrl.u32 s1, $0x2  }
0xbb: {  	s3 =	sand.u32 $0x4000, s31;
	s1 =	sadd.s32 s1, s30  }
0xbc: {  	s0 =	sor.u32 s3, s0;
	s1 =	sshll.u32 s1, $0x11  }
0xbd: {  	s0 =	sor.u32 s1, s0  }
0xbe: {  	s0 =	sadd.s32 $0x8F2B, s0  }
0xbf: {  	[sflag:s0] =	ssyncadd.remote.s32 $0x1  }
0xc0: {  	_ =	sfence.sel $0xFFFF  }
0xc1: {  	[dreg:$0x0] =	wrdreg $0xFFFFFFFF;
	(pc) =	sbr.abs _section_cstart, $3  }
0xc2: {  	[dreg:$0x1] =	wrdreg $0xFFFFFFFF  }
0xc3: {  	_ =	task.clear_ibuf [dreg:s6], $0x2FFFF;
	_ =	strace $0x9FFFFFFF  }
0xc4: {  	(tm) =	ssettm $0x7FFFFFFF  }
0xc5: {  	_ =	shalt  }
tec
execute0_lowered:
.L_overlay_start_1:
0x0: {  	(tag) =	ssettag $0x1  }
0x1: {  	s0 =	rddreg [dreg:$0x0]  }
0x2: {  	s1 =	rddreg [dreg:$0x1]  }
0x3: {  	s2 =	rddreg [dreg:$0x2]  }
0x4: {  	s3 =	rddreg [dreg:$0x3]  }
0x5: {  	s4 =	simm.s32 $0x0;
	s22 =	srdreg.scid;
	s16 =	stileid.u32  }
0x6: {  	s28 =	simm.s32 $0x1C100;
	s29 =	simm.s32 $0x3;
	s30 =	simm.s32 $0x80  }
0x7: {  	s31 =	simm.s32 $0x1E900;
	[smem:$0x7FF] =	sst s4;
	s4 =	sand.u32 $0x1, s22  }
0x8: {  	s5 =	smul.u32 $0x1880, s16;
	s8 =	sadd.s32 $0x33400, s0;
	s9 =	sadd.s32 $0x2600, s0  }
0x9: {  	s6 =	sadd.s32 $0x9B600, s0;
	s7 =	sadd.s32 $0x6A600, s0;
	s13 =	smul.u32 $0x30D0, s16  }
0xa: {  	s11 =	sadd.s32 $0x67400, s0;
	s23 =	sadd.s32 $0xCC600, s0;
	s15 =	smul.u32 $0x18680, s16  }
0xb: {  	s24 =	sadd.s32 $0x64200, s0;
	s19 =	sshll.u32 s16, $0x4;
	s20 =	smul.u32 $0x62000, s16  }
0xc: {  	p1 =	sgt.u32 s16, $0x3;
	_ =	strace $0x8000004A;
	[dreg:$0x5] =	wrdreg s11  }
0xd: {  	p2 =	seq.s32 s16, $0x1;
	s10 =	smul.u32 $0x18800, s4;
	[dreg:$0x6] =	wrdreg s23  }
0xe: {  	[dreg:$0x7] =	wrdreg s24;
	s12 =	ssub.s32 $0x2, s4;
	p0 =	seq.s32 s4, $0x1  }
0xf: {  	p3 =	sne.s32 @!p1 s4, $0x0;
	p4 =	seq.s32 s4, $0x0;
	s4 =	simm.s32 $0x1C900  }
0x10: {  	s14 =	sshrl.u32 s12, $0x1;
	s17 =	sadd.s32 s8, s13;
	s18 =	sadd.s32 s9, s13  }
0x11: {  	s15 =	sshrl.u32 s15, $0x3;
	s13 =	sor.u32 $0x30D00, s19;
	s22 =	sshrl.u32 s20, $0x2  }
0x12: {  	s24 =	sadd.s32 s5, s2;
	p5 =	por !p3, p1;
	p6 =	por p3, p1  }
0x13: {  	s10 =	sadd.s32 s5, s10;
	s26 =	ssub.s32 s12, s14;
	[dreg:$0x9] =	wrdreg s18  }
0x14: {  	s12 =	sadd.s32 $0x30C0, s15;
	s20 =	sadd.s32 $0x40, s18;
	[dreg:$0x8] =	wrdreg s17  }
0x15: {  	s5 =	simm.s32 @!p2 $0x0;
	s14 =	simm.s32 $0x1D900;
	s15 =	simm.s32 $0x1E100  }
0x16: {  	s25 =	sshll.u32 s10, $0x1;
	s10 =	sshrl.u32 s10, $0x3;
	s21 =	sadd.s32 s8, s12  }
0x17: {  	s12 =	sadd.s32 s9, s12;
	s8 =	sadd.s32 s8, s13;
	s9 =	sadd.s32 s9, s13  }
0x18: {  	s5 =	simm.s32 @p2 $0x1;
	p2 =	sne.s32 s16, $0x0;
	[dreg:$0xa] =	wrdreg s21  }
0x19: {  	s13 =	simm.s32 $0x1D100;
	s16 =	simm.s32 $0x1;
	[dreg:$0xb] =	wrdreg s12  }
0x1a: {  	s11 =	sadd.s32 s25, s0;
	s0 =	sadd.s32 s10, s0;
	[dreg:$0xc] =	wrdreg s8  }
0x1b: {  	[dreg:$0xd] =	wrdreg s9;
	s8 =	sadd.s32 s22, s1;
	s25 =	smax.u32 s26, $0x1  }
0x1c: {  	s21 =	sadd.s32 $0x40, s17;
	[smem:$0x7FC] =	sst s5;
	s22 =	simm.s32 $0x1E980  }
0x1d: {  	s9 =	simm.s32 $0x1EA00;
	s10 =	simm.s32 $0x1C280;
	s5 =	simm.s32 $0x1EA80  }
0x1e: {  	s17 =	simm.s32 $0x2;
	s23 =	sadd.s32 $0xFD600, s11;
	[dreg:$0x10] =	wrdreg s25  }
.Ltmp0:
0x1f: {  	s0 =	sadd.s32 $0x15F600, s0;
	[dreg:$0xe] =	wrdreg s23;
	(pc) =	sbr.rel .LBB2_1-.Ltmp0, $4  }
0x20: {  	s12 =	simm.s32 $0x0;
	[dreg:$0xf] =	wrdreg s0;
	s0 =	sshrl.u32 s24, $0x3  }
0x21: {  	s26 =	sshrl.u32 s8, $0x3;
	[dreg:$0x12] =	wrdreg s0;
	s0 =	simm.s32 @!p2 $0x0  }
0x22: {  	s25 =	simm.s32 $0x1B900;
	[dreg:$0x11] =	wrdreg s26;
	s0 =	simm.s32 @p2 $0x1  }
0x23: {  	s11 =	simm.s32 $0x4;
	s23 =	simm.s32 $0x6;
	[smem:$0x7FD] =	sst s0  }
.LBB2_17:
0x24: {  	_ =	swait.ge [sflag:s17], $0x800  }
0x25: {  	[sflag:s17] =	ssyncset.done $0x0  }
0x26: {  	[sflag:s17] =	ssyncadd.s32 $0xFFFFF800  }
0x27: {  	_ =	swait.ge [sflag:s17], $0x800  }
0x28: {  	[sflag:s17] =	ssyncset.done $0x0  }
0x29: {  	[sflag:s17] =	ssyncadd.s32 $0xFFFFF800  }
0x2a: {  	_ =	swait.ge [sflag:s17], $0x800  }
0x2b: {  	[sflag:s17] =	ssyncset.done $0x0  }
0x2c: {  	[sflag:s17] =	ssyncadd.s32 $0xFFFFF800  }
0x2d: {  	_ =	swait.ge [sflag:s17], $0x800  }
0x2e: {  	[sflag:s17] =	ssyncset.done $0x0  }
0x2f: {  	s0 =	simm.s32 @!p4 $0x5;
	[sflag:s17] =	ssyncadd.s32 $0xFFFFF800  }
0x30: {  	_ =	swait.ge @!p4 [sflag:s0], $0x80  }
0x31: {  	[sflag:s0] =	ssyncset.done @!p4 $0x0  }
0x32: {  	[sflag:s0] =	ssyncadd.s32 @!p4 $0xFFFFFF80  }
0x33: {  	_ =	swait.ge @!p4 [sflag:s0], $0x80  }
0x34: {  	[sflag:s0] =	ssyncset.done @!p4 $0x0  }
0x35: {  	[sflag:s0] =	ssyncadd.s32 @!p4 $0xFFFFFF80  }
0x36: {  	_ =	swait.ge @!p4 [sflag:s0], $0x80  }
0x37: {  	[sflag:s0] =	ssyncset.done @!p4 $0x0  }
0x38: {  	[sflag:s0] =	ssyncadd.s32 @!p4 $0xFFFFFF80  }
0x39: {  	_ =	swait.ge @!p4 [sflag:s0], $0x80  }
0x3a: {  	s26 =	simm.s32 $0x0;
	[sflag:s0] =	ssyncset.done @!p4 $0x0  }
0x3b: {  	s25 =	simm.s32 $0x1B900;
	s8 =	rddreg [dreg:$0xa];
	[sflag:s0] =	ssyncadd.s32 @!p4 $0xFFFFFF80  }
0x3c: {  	[tilespmem:s25], [sflag:$0x6] =	stream.linear.gather [hbm4b:s8+s26], $0x80, $0x38;
	[tilespmem:$0x1EB00] =	vst v63  }
0x3d: {  	_ =	swait.ge [sflag:s23], $0x80  }
0x3e: {  	[sflag:s23] =	ssyncset.done $0x0  }
0x3f: {  	s18 =	rddreg [dreg:$0xb];
	[sflag:s23] =	ssyncadd.s32 $0xFFFFFF80  }
0x40: {  	[tilespmem:s28], [sflag:$0x6] =	stream.linear.gather [hbm4b:s18+s26], $0x80, $0x38;
	[tilespmem:$0x1EB00] =	vst v63  }
0x41: {  	_ =	swait.ge [sflag:s23], $0x80  }
0x42: {  	s19 =	simm.s32 @p4 $0x1;
	s0 =	simm.s32 @p4 $0x80;
	[sflag:s23] =	ssyncset.done $0x0  }
0x43: {  	s8 =	simm.s32 @p4 $0x1B900;
	s18 =	simm.s32 @p4 $0x1C900;
	[sflag:s23] =	ssyncadd.s32 $0xFFFFFF80  }
0x44: {  	[tilespmem:s18], [sflag:$0x1] =	stream.indirect.gather @p4 [hbm4b:s6+s0], $0x10, s8, s0, $0xb8;
	[tilespmem:$0x1EB00] =	vst v63  }
0x45: {  	_ =	swait.ge @p4 [sflag:s19], $0x800  }
0x46: {  	[sflag:s19] =	ssyncset.done @p4 $0x0  }
0x47: {  	[sflag:s19] =	ssyncadd.s32 @p4 $0xFFFFF800;
	s19 =	simm.s32 @p4 $0x1C100  }
0x48: {  	[spmem:s1] =	stream.indirect.scatter.add.f32 @p4 [tilespmem:s18], [sflag:$0x6], $0x10, s19, s0, $0xb8;
	[tilespmem:$0x1EB00] =	vst v63  }
0x49: {  	s18 =	simm.s32 @p4 $0x6  }
0x4a: {  	_ =	swait.ge @p4 [sflag:s18], $0x800  }
0x4b: {  	[sflag:s18] =	ssyncset.done @p4 $0x0  }
0x4c: {  	s24 =	simm.s32 @p4 $0x1E900;
	[sflag:s18] =	ssyncadd.s32 @p4 $0xFFFFF800  }
0x4d: {  	[tilespmem:s24], [sflag:$0x4] =	stream.indirect.gather @p4 [spmem:s3], $0x1, s19, s0, $0xb8;
	[tilespmem:$0x1EB00] =	vst v63  }
0x4e: {  	s19 =	simm.s32 @p4 $0x4  }
0x4f: {  	_ =	swait.ge @p4 [sflag:s19], $0x80  }
0x50: {  	[sflag:s19] =	ssyncset.done @p4 $0x0  }
0x51: {  	[sflag:s19] =	ssyncadd.s32 @p4 $0xFFFFFF80  }
0x52: {  	[spmem:s2] =	stream.indirect.scatter.add.f32 @p4 [tilespmem:s24], [sflag:$0x6], $0x1, s8, s0, $0xb8;
	[tilespmem:$0x1EB00] =	vst v63  }
0x53: {  	_ =	swait.ge @p4 [sflag:s18], $0x80  }
0x54: {  	s0 =	simm.s32 @!p4 $0x80;
	[sflag:s18] =	ssyncset.done @p4 $0x0  }
0x55: {  	s8 =	simm.s32 @!p4 $0x1B900;
	[sflag:s18] =	ssyncadd.s32 @p4 $0xFFFFFF80;
	s18 =	simm.s32 @!p4 $0x1C900  }
0x56: {  	[tilespmem:s18], [sflag:$0x1] =	stream.indirect.gather @!p4 [hbm4b:s7+s0], $0x10, s8, s0, $0xb8;
	[tilespmem:$0x1EB00] =	vst v63  }
0x57: {  	s8 =	simm.s32 @!p4 $0x1  }
0x58: {  	_ =	swait.ge @!p4 [sflag:s8], $0x800  }
0x59: {  	[sflag:s8] =	ssyncset.done @!p4 $0x0  }
0x5a: {  	[sflag:s8] =	ssyncadd.s32 @!p4 $0xFFFFF800;
	s8 =	simm.s32 @!p4 $0x1C100  }
0x5b: {  	[spmem:s1] =	stream.indirect.scatter.add.f32 @!p4 [tilespmem:s18], [sflag:$0x6], $0x10, s8, s0, $0xb8;
	[tilespmem:$0x1EB00] =	vst v63  }
0x5c: {  	s0 =	simm.s32 @!p4 $0x6  }
0x5d: {  	_ =	swait.ge @!p4 [sflag:s0], $0x800  }
0x5e: {  	s8 =	simm.s32 @!p1 $0x1B900;
	[sflag:s0] =	ssyncset.done @!p4 $0x0  }
0x5f: {  	s18 =	rddreg [dreg:$0xc];
	[sflag:s0] =	ssyncadd.s32 @!p4 $0xFFFFF800;
	s0 =	simm.s32 @!p1 $0x0  }
0x60: {  	[tilespmem:s8], [sflag:$0x6] =	stream.linear.gather @!p1 [hbm4b:s18+s0], $0x80, $0x38;
	[tilespmem:$0x1EB00] =	vst v63  }
0x61: {  	s8 =	simm.s32 @!p1 $0x6  }
0x62: {  	_ =	swait.ge @!p1 [sflag:s8], $0x80  }
0x63: {  	[sflag:s8] =	ssyncset.done @!p1 $0x0  }
0x64: {  	s18 =	simm.s32 @!p1 $0x1C100;
	s19 =	rddreg [dreg:$0xd];
	[sflag:s8] =	ssyncadd.s32 @!p1 $0xFFFFFF80  }
0x65: {  	[tilespmem:s18], [sflag:$0x6] =	stream.linear.gather @!p1 [hbm4b:s19+s0], $0x80, $0x38;
	[tilespmem:$0x1EB00] =	vst v63  }
0x66: {  	_ =	swait.ge @!p1 [sflag:s8], $0x80  }
0x67: {  	s0 =	simm.s32 @!p5 $0x80;
	s18 =	simm.s32 @!p5 $0x1C900;
	[sflag:s8] =	ssyncset.done @!p1 $0x0  }
0x68: {  	s19 =	simm.s32 @!p5 $0x1;
	[sflag:s8] =	ssyncadd.s32 @!p1 $0xFFFFFF80;
	s8 =	simm.s32 @!p5 $0x1B900  }
0x69: {  	[tilespmem:s18], [sflag:$0x1] =	stream.indirect.gather @!p5 [hbm4b:s7+s0], $0x10, s8, s0, $0xb8;
	[tilespmem:$0x1EB00] =	vst v63  }
0x6a: {  	_ =	swait.ge @!p5 [sflag:s19], $0x800  }
0x6b: {  	[sflag:s19] =	ssyncset.done @!p5 $0x0  }
0x6c: {  	[sflag:s19] =	ssyncadd.s32 @!p5 $0xFFFFF800;
	s19 =	simm.s32 @!p5 $0x1C100  }
0x6d: {  	[spmem:s1] =	stream.indirect.scatter.add.f32 @!p5 [tilespmem:s18], [sflag:$0x6], $0x10, s19, s0, $0xb8;
	[tilespmem:$0x1EB00] =	vst v63  }
0x6e: {  	s18 =	simm.s32 @!p5 $0x6  }
0x6f: {  	_ =	swait.ge @!p5 [sflag:s18], $0x800  }
0x70: {  	[sflag:s18] =	ssyncset.done @!p5 $0x0  }
0x71: {  	s24 =	simm.s32 @!p5 $0x1E900;
	[sflag:s18] =	ssyncadd.s32 @!p5 $0xFFFFF800  }
0x72: {  	[tilespmem:s24], [sflag:$0x4] =	stream.indirect.gather @!p5 [spmem:s3], $0x1, s19, s0, $0xb8;
	[tilespmem:$0x1EB00] =	vst v63  }
0x73: {  	s19 =	simm.s32 @!p5 $0x4  }
0x74: {  	_ =	swait.ge @!p5 [sflag:s19], $0x80  }
0x75: {  	[sflag:s19] =	ssyncset.done @!p5 $0x0  }
0x76: {  	[sflag:s19] =	ssyncadd.s32 @!p5 $0xFFFFFF80  }
0x77: {  	[spmem:s2] =	stream.indirect.scatter.add.f32 @!p5 [tilespmem:s24], [sflag:$0x6], $0x1, s8, s0, $0xb8;
	[tilespmem:$0x1EB00] =	vst v63  }
0x78: {  	_ =	swait.ge @!p5 [sflag:s18], $0x80  }
0x79: {  	s0 =	simm.s32 @!p6 $0x80;
	[sflag:s18] =	ssyncset.done @!p5 $0x0  }
0x7a: {  	s8 =	simm.s32 @!p6 $0x1B900;
	[sflag:s18] =	ssyncadd.s32 @!p5 $0xFFFFFF80;
	s18 =	simm.s32 @!p6 $0x1C900  }
0x7b: {  	[tilespmem:s18], [sflag:$0x1] =	stream.indirect.gather @!p6 [hbm4b:s6+s0], $0x10, s8, s0, $0xb8;
	[tilespmem:$0x1EB00] =	vst v63  }
0x7c: {  	s8 =	simm.s32 @!p6 $0x1  }
0x7d: {  	_ =	swait.ge @!p6 [sflag:s8], $0x800  }
0x7e: {  	[sflag:s8] =	ssyncset.done @!p6 $0x0  }
0x7f: {  	[sflag:s8] =	ssyncadd.s32 @!p6 $0xFFFFF800;
	s8 =	simm.s32 @!p6 $0x1C100  }
0x80: {  	[spmem:s1] =	stream.indirect.scatter.add.f32 @!p6 [tilespmem:s18], [sflag:$0x6], $0x10, s8, s0, $0xb8;
	[tilespmem:$0x1EB00] =	vst v63  }
0x81: {  	s0 =	simm.s32 @!p6 $0x6  }
0x82: {  	_ =	swait.ge @!p6 [sflag:s0], $0x800  }
0x83: {  	[sflag:s0] =	ssyncset.done @!p6 $0x0  }
0x84: {  	[sflag:s0] =	ssyncadd.s32 @!p6 $0xFFFFF800  }
0x85: {  	s19 =	stileid.u32;
	[bflag:$0x0] =	sbarrier.arrive $0xFFFF  }
0x86: {  	s0 =	sshll.u32 s19, $0x6;
	s24 =	rddreg [dreg:$0xe]  }
0x87: {  	s0 =	sor.u32 $0x1C06, s0;
	s26 =	rddreg [dreg:$0x11]  }
0x88: {  	[hbm:s24], [sflag:s0] =	dma.local [spmem:s26], $0x3100  }
0x89: {  	_ =	swait.ge [sflag:s23], $0x3100  }
0x8a: {  	[sflag:s23] =	ssyncset.done $0x0;
	s19 =	rddreg [dreg:$0xf]  }
0x8b: {  	s24 =	rddreg [dreg:$0x12];
	[sflag:s23] =	ssyncadd.s32 $0xFFFFCF00  }
0x8c: {  	[hbm:s19], [sflag:s0] =	dma.local [spmem:s24], $0x310  }
0x8d: {  	_ =	swait.ge [sflag:s23], $0x310  }
0x8e: {  	s12 =	sadd.s32 $0x1, s12;
	s26 =	rddreg [dreg:$0x10]  }
0x8f: {  	p2 =	sne.s32 s12, s26  }
.Ltmp1:
0x90: {  	_ = 	snop;
	(pc) =	sbr.rel @!p2 .LBB2_18-.Ltmp1, $3  }
0x91: {  	_ =	sdelay $0x1  }
0x92: {  	[sflag:s23] =	ssyncset.done $0x0  }
0x93: {  	[sflag:s23] =	ssyncadd.s32 $0xFFFFFCF0  }
.LBB2_1:
0x94: {  	s0 =	sld [smem:$0x7FC];
	_ =	sdelay $0x2  }
0x95: {  	p2 =	seq.s32 s0, $0x1  }
.Ltmp2:
0x96: {  	_ = 	snop;
	(pc) =	sbr.rel @p2 .LBB2_4-.Ltmp2, $1  }
0x97: {  	_ =	sdelay $0x3  }
0x98: {  	s0 =	sld [smem:$0x7FD];
	_ =	sdelay $0x2  }
0x99: {  	p2 =	seq.s32 s0, $0x1  }
.Ltmp3:
0x9a: {  	_ = 	snop;
	(pc) =	sbr.rel @p2 .LBB2_6-.Ltmp3, $1  }
0x9b: {  	_ =	sdelay $0x3  }
0x9c: {  	s18 =	sshrl.u32 s1, $0x3;
	s0 =	rddreg [dreg:$0x6];
	s8 =	simm.s32 $0x1C06  }
0x9d: {  	[spmem:s18], [sflag:s8] =	dma.local [hbm:s0], $0x31000  }
.Ltmp4:
0x9e: {  	_ = 	snop;
	(pc) =	sbr.rel .LBB2_5-.Ltmp4, $4  }
0x9f: {  	_ =	swait.ge [sflag:s23], $0x31000  }
0xa0: {  	[sflag:s23] =	ssyncset.done $0x0  }
0xa1: {  	s24 =	sshrl.u32 s2, $0x3;
	s26 =	rddreg [dreg:$0x7];
	[sflag:s23] =	ssyncadd.s32 $0xFFFCF000  }
0xa2: {  	[spmem:s24], [sflag:s8] =	dma.local [hbm:s26], $0x3100  }
.LBB2_4:
0xa3: {  	s18 =	sshrl.u32 s3, $0x3;
	s0 =	rddreg [dreg:$0x5];
	s8 =	simm.s32 $0x1C46  }
0xa4: {  	[spmem:s18], [sflag:s8] =	dma.local [hbm:s0], $0x3100  }
.LBB2_5:
0xa5: {  	_ =	swait.ge [sflag:s23], $0x3100  }
0xa6: {  	[sflag:s23] =	ssyncset.done $0x0  }
0xa7: {  	[sflag:s23] =	ssyncadd.s32 $0xFFFFCF00  }
.LBB2_6:
0xa8: {  	[bflag:$0x0] =	sbarrier.arrive $0xFFFF  }
.Ltmp5:
0xa9: {  	s18 =	simm.s32 $0x0;
	s0 =	rddreg [dreg:$0x8];
	(pc) =	sbr.rel .LBB2_7-.Ltmp5, $4  }
0xaa: {  	[tilespmem:s25], [sflag:$0x3] =	stream.linear.gather [hbm4b:s0+s18], $0x200, $0x38;
	[tilespmem:$0x1EB00] =	vst v63  }
0xab: {  	s26 =	rddreg [dreg:$0x9]  }
0xac: {  	[tilespmem:s28], [sflag:$0x3] =	stream.linear.gather [hbm4b:s26+s18], $0x200, $0x38;
	[tilespmem:$0x1EB00] =	vst v63  }
0xad: {  	s19 =	simm.s32 $0x200;
	s26 =	simm.s32 $0x0  }
.LBB2_15:
0xae: {  	_ =	swait.ge [sflag:s11], $0x80  }
0xaf: {  	s0 =	sshll.u32 s24, $0x9;
	[sflag:s11] =	ssyncset.done $0x0  }
0xb0: {  	s8 =	sor.u32 $0x1B900, s0;
	[sflag:s11] =	ssyncadd.s32 $0xFFFFFF80  }
0xb1: {  	[spmem:s2] =	stream.indirect.scatter.add.f32 [tilespmem:s31], [sflag:$0x5], $0x1, s8, s30, $0xb8;
	[tilespmem:$0x1EB00] =	vst v63  }
0xb2: {  	_ =	swait.ge [sflag:s11], $0x80  }
0xb3: {  	[sflag:s11] =	ssyncset.done $0x0  }
0xb4: {  	s24 =	sor.u32 $0x1B980, s0;
	[sflag:s11] =	ssyncadd.s32 $0xFFFFFF80  }
0xb5: {  	[spmem:s2] =	stream.indirect.scatter.add.f32 [tilespmem:s22], [sflag:$0x5], $0x1, s24, s30, $0xb8;
	[tilespmem:$0x1EB00] =	vst v63  }
0xb6: {  	_ =	swait.ge [sflag:s11], $0x80  }
0xb7: {  	[sflag:s11] =	ssyncset.done $0x0  }
0xb8: {  	s25 =	sadd.s32 $0x1BA00, s0;
	[sflag:s11] =	ssyncadd.s32 $0xFFFFFF80  }
0xb9: {  	[spmem:s2] =	stream.indirect.scatter.add.f32 [tilespmem:s9], [sflag:$0x5], $0x1, s25, s30, $0xb8;
	[tilespmem:$0x1EB00] =	vst v63  }
0xba: {  	_ =	swait.ge [sflag:s11], $0x80  }
0xbb: {  	[sflag:s11] =	ssyncset.done $0x0  }
0xbc: {  	s0 =	sadd.s32 $0x1BA80, s0;
	[sflag:s11] =	ssyncadd.s32 $0xFFFFFF80  }
0xbd: {  	[spmem:s2] =	stream.indirect.scatter.add.f32 [tilespmem:s5], [sflag:$0x5], $0x1, s0, s30, $0xb8;
	[tilespmem:$0x1EB00] =	vst v63  }
.LBB2_16:
0xbe: {  	s18 =	sadd.s32 $0x40, s18  }
0xbf: {  	p2 =	sne.s32 s18, $0x30C0  }
.Ltmp6:
0xc0: {  	_ = 	snop;
	(pc) =	sbr.rel @!p2 .LBB2_17-.Ltmp6, $2  }
0xc1: {  	_ =	sdelay $0x2  }
0xc2: {  	s19 =	sadd.s32 $0x200, s19;
	s26 =	sadd.s32 $0x1, s26  }
.LBB2_7:
0xc3: {  	_ =	swait.ge [sflag:s29], $0x200  }
0xc4: {  	p3 =	seq.s32 s18, $0x3080;
	[sflag:s29] =	ssyncset.done $0x0  }
0xc5: {  	s24 =	sand.u32 @!p3 $0x600, s19;
	[sflag:s29] =	ssyncadd.s32 $0xFFFFFE00  }
0xc6: {  	s0 =	sadd.s32 @!p3 s18, s21;
	p2 =	sne.s32 @!p3 s18, $0x0;
	_ =	swait.ge [sflag:s29], $0x200  }
0xc7: {  	s8 =	simm.s32 @!p3 $0x0;
	p2 =	por p3, p2;
	[sflag:s29] =	ssyncset.done $0x0  }
.Ltmp7:
0xc8: {  	s25 =	sor.u32 @!p3 $0x1B900, s24;
	[sflag:s29] =	ssyncadd.s32 $0xFFFFFE00;
	(pc) =	sbr.rel @!p2 .LBB2_8-.Ltmp7, $4  }
0xc9: {  	[tilespmem:s25], [sflag:$0x3] =	stream.linear.gather @!p3 [hbm4b:s0+s8], $0x200, $0x38;
	[tilespmem:$0x1EB00] =	vst v63  }
0xca: {  	s0 =	sor.u32 @!p3 $0x1C100, s24;
	s24 =	sadd.s32 @!p3 s18, s20  }
0xcb: {  	[tilespmem:s0], [sflag:$0x3] =	stream.linear.gather @!p3 [hbm4b:s24+s8], $0x200, $0x38;
	[tilespmem:$0x1EB00] =	vst v63  }
0xcc: {  	s24 =	sand.u32 $0x3, s26  }
0xcd: {  	_ =	swait.ge [sflag:s17], $0x800  }
0xce: {  	[sflag:s17] =	ssyncset.done $0x0  }
0xcf: {  	[sflag:s17] =	ssyncadd.s32 $0xFFFFF800  }
0xd0: {  	_ =	swait.ge [sflag:s17], $0x800  }
0xd1: {  	[sflag:s17] =	ssyncset.done $0x0  }
0xd2: {  	[sflag:s17] =	ssyncadd.s32 $0xFFFFF800  }
0xd3: {  	_ =	swait.ge [sflag:s17], $0x800  }
0xd4: {  	p2 =	slt.u32 s26, $0x63;
	[sflag:s17] =	ssyncset.done $0x0  }
0xd5: {  	s0 =	simm.s32 $0x1;
	s8 =	simm.s32 $0x1;
	[sflag:s17] =	ssyncadd.s32 $0xFFFFF800  }
0xd6: {  	s0 =	simm.s32 @!p0 $0x0;
	s8 =	simm.s32 @!p2 $0x0;
	_ =	swait.ge [sflag:s17], $0x800  }
0xd7: {  	p3 =	seq.s32 s8, s0;
	[sflag:s17] =	ssyncset.done $0x0  }
0xd8: {  	s8 =	simm.s32 @!p3 $0x5;
	[sflag:s17] =	ssyncadd.s32 $0xFFFFF800  }
0xd9: {  	_ =	swait.ge @!p3 [sflag:s8], $0x80  }
0xda: {  	[sflag:s8] =	ssyncset.done @!p3 $0x0  }
0xdb: {  	[sflag:s8] =	ssyncadd.s32 @!p3 $0xFFFFFF80  }
0xdc: {  	_ =	swait.ge @!p3 [sflag:s8], $0x80  }
0xdd: {  	s25 =	simm.s32 $0x1;
	p2 =	slt.u32 s26, $0x62;
	[sflag:s8] =	ssyncset.done @!p3 $0x0  }
0xde: {  	s25 =	simm.s32 @!p2 $0x0;
	[sflag:s8] =	ssyncadd.s32 @!p3 $0xFFFFFF80  }
0xdf: {  	p2 =	seq.s32 s25, s0;
	_ =	swait.ge @!p3 [sflag:s8], $0x80  }
.Ltmp8:
0xe0: {  	[sflag:s8] =	ssyncset.done @!p3 $0x0;
	(pc) =	sbr.rel @p2 .LBB2_13-.Ltmp8, $4  }
0xe1: {  	[sflag:s8] =	ssyncadd.s32 @!p3 $0xFFFFFF80  }
0xe2: {  	_ =	swait.ge @!p3 [sflag:s8], $0x80  }
0xe3: {  	[sflag:s8] =	ssyncset.done @!p3 $0x0  }
0xe4: {  	[sflag:s8] =	ssyncadd.s32 @!p3 $0xFFFFFF80  }
0xe5: {  	s0 =	sshll.u32 s24, $0x9  }
0xe6: {  	s8 =	sor.u32 $0x1C100, s0  }
0xe7: {  	[tilespmem:s31], [sflag:$0x4] =	stream.indirect.gather [spmem:s3], $0x1, s8, s30, $0xb8;
	[tilespmem:$0x1EB00] =	vst v63  }
0xe8: {  	s25 =	sor.u32 $0x1C180, s0  }
0xe9: {  	[tilespmem:s22], [sflag:$0x4] =	stream.indirect.gather [spmem:s3], $0x1, s25, s30, $0xb8;
	[tilespmem:$0x1EB00] =	vst v63  }
.Ltmp9:
0xea: {  	_ = 	snop;
	(pc) =	sbr.rel @p0 .LBB2_14-.Ltmp9, $4  }
.Ltmp10:
0xeb: {  	s25 =	sadd.s32 $0x1C200, s0;
	(pc) =	sbr.rel @!p0 .LBB2_12-.Ltmp10, $4  }
0xec: {  	[tilespmem:s9], [sflag:$0x4] =	stream.indirect.gather [spmem:s3], $0x1, s25, s30, $0xb8;
	[tilespmem:$0x1EB00] =	vst v63  }
0xed: {  	p3 =	por $0x1, $0x1;
	s0 =	sadd.s32 $0x1C280, s0  }
0xee: {  	[tilespmem:s5], [sflag:$0x4] =	stream.indirect.gather [spmem:s3], $0x1, s0, s30, $0xb8;
	[tilespmem:$0x1EB00] =	vst v63  }
0xef: {  	_ = 	snop  }
.LBB2_8:
.Ltmp11:
0xf0: {  	(pc) =	sbr.rel @p0 .LBB2_14-.Ltmp11, $2  }
0xf1: {  	_ =	sdelay $0x2  }
0xf2: {  	p3 =	por $0x0, $0x0  }
0xf3: {  	[tilespmem:s31], [sflag:$0x4] =	stream.indirect.gather [spmem:s3], $0x1, s28, s30, $0xb8;
	[tilespmem:$0x1EB00] =	vst v63  }
0xf4: {  	s0 =	simm.s32 $0x1C180  }
0xf5: {  	[tilespmem:s22], [sflag:$0x4] =	stream.indirect.gather [spmem:s3], $0x1, s0, s30, $0xb8;
	[tilespmem:$0x1EB00] =	vst v63  }
.Ltmp12:
0xf6: {  	_ = 	snop;
	(pc) =	sbr.rel .LBB2_12-.Ltmp12, $4  }
0xf7: {  	s25 =	simm.s32 $0x1C200  }
0xf8: {  	[tilespmem:s9], [sflag:$0x4] =	stream.indirect.gather [spmem:s3], $0x1, s25, s30, $0xb8;
	[tilespmem:$0x1EB00] =	vst v63  }
0xf9: {  	p3 =	por $0x1, $0x1  }
0xfa: {  	[tilespmem:s5], [sflag:$0x4] =	stream.indirect.gather [spmem:s3], $0x1, s10, s30, $0xb8;
	[tilespmem:$0x1EB00] =	vst v63  }
.LBB2_13:
.Ltmp13:
0xfb: {  	(pc) =	sbr.rel @!p0 .LBB2_12-.Ltmp13, $2  }
0xfc: {  	_ =	sdelay $0x2  }
0xfd: {  	p3 =	por $0x0, $0x0  }
.LBB2_14:
0xfe: {  	s0 =	sshll.u32 s24, $0x9  }
0xff: {  	s8 =	sor.u32 $0x1B900, s0  }
0x100: {  	[tilespmem:s4], [sflag:$0x1] =	stream.indirect.gather [hbm4b:s7+s30], $0x10, s8, s30, $0xb8;
	[tilespmem:$0x1EB00] =	vst v63  }
0x101: {  	s25 =	sor.u32 $0x1B980, s0  }
0x102: {  	[tilespmem:s13], [sflag:$0x1] =	stream.indirect.gather [hbm4b:s7+s30], $0x10, s25, s30, $0xb8;
	[tilespmem:$0x1EB00] =	vst v63  }
0x103: {  	s25 =	sadd.s32 $0x1BA00, s0  }
0x104: {  	[tilespmem:s14], [sflag:$0x1] =	stream.indirect.gather [hbm4b:s7+s30], $0x10, s25, s30, $0xb8;
	[tilespmem:$0x1EB00] =	vst v63  }
0x105: {  	s25 =	sadd.s32 $0x1BA80, s0  }
0x106: {  	[tilespmem:s15], [sflag:$0x1] =	stream.indirect.gather [hbm4b:s7+s30], $0x10, s25, s30, $0xb8;
	[tilespmem:$0x1EB00] =	vst v63  }
0x107: {  	_ =	swait.ge [sflag:s16], $0x800  }
0x108: {  	[sflag:s16] =	ssyncset.done $0x0  }
0x109: {  	s25 =	sor.u32 $0x1C100, s0;
	[sflag:s16] =	ssyncadd.s32 $0xFFFFF800  }
0x10a: {  	[spmem:s1] =	stream.indirect.scatter.add.f32 [tilespmem:s4], [sflag:$0x2], $0x10, s25, s30, $0xb8;
	[tilespmem:$0x1EB00] =	vst v63  }
0x10b: {  	_ =	swait.ge [sflag:s16], $0x800  }
0x10c: {  	[sflag:s16] =	ssyncset.done $0x0  }
0x10d: {  	s25 =	sor.u32 $0x1C180, s0;
	[sflag:s16] =	ssyncadd.s32 $0xFFFFF800  }
0x10e: {  	[spmem:s1] =	stream.indirect.scatter.add.f32 [tilespmem:s13], [sflag:$0x2], $0x10, s25, s30, $0xb8;
	[tilespmem:$0x1EB00] =	vst v63  }
0x10f: {  	_ =	swait.ge [sflag:s16], $0x800  }
0x110: {  	[sflag:s16] =	ssyncset.done $0x0  }
0x111: {  	s25 =	sadd.s32 $0x1C200, s0;
	[sflag:s16] =	ssyncadd.s32 $0xFFFFF800  }
0x112: {  	[spmem:s1] =	stream.indirect.scatter.add.f32 [tilespmem:s14], [sflag:$0x2], $0x10, s25, s30, $0xb8;
	[tilespmem:$0x1EB00] =	vst v63  }
.Ltmp14:
0x113: {  	_ = 	snop;
	(pc) =	sbr.rel @!p3 .LBB2_16-.Ltmp14, $4  }
.Ltmp15:
0x114: {  	_ =	swait.ge [sflag:s16], $0x800;
	(pc) =	sbr.rel @p3 .LBB2_15-.Ltmp15, $4  }
0x115: {  	[sflag:s16] =	ssyncset.done $0x0  }
0x116: {  	s0 =	sadd.s32 $0x1C280, s0;
	[sflag:s16] =	ssyncadd.s32 $0xFFFFF800  }
0x117: {  	[spmem:s1] =	stream.indirect.scatter.add.f32 [tilespmem:s15], [sflag:$0x2], $0x10, s0, s30, $0xb8;
	[tilespmem:$0x1EB00] =	vst v63  }
0x118: {  	_ = 	snop  }
.LBB2_12:
0x119: {  	s0 =	sshll.u32 s24, $0x9  }
0x11a: {  	s8 =	sor.u32 $0x1B900, s0  }
0x11b: {  	[tilespmem:s4], [sflag:$0x1] =	stream.indirect.gather [hbm4b:s6+s30], $0x10, s8, s30, $0xb8;
	[tilespmem:$0x1EB00] =	vst v63  }
0x11c: {  	s25 =	sor.u32 $0x1B980, s0  }
0x11d: {  	[tilespmem:s13], [sflag:$0x1] =	stream.indirect.gather [hbm4b:s6+s30], $0x10, s25, s30, $0xb8;
	[tilespmem:$0x1EB00] =	vst v63  }
0x11e: {  	s25 =	sadd.s32 $0x1BA00, s0  }
0x11f: {  	[tilespmem:s14], [sflag:$0x1] =	stream.indirect.gather [hbm4b:s6+s30], $0x10, s25, s30, $0xb8;
	[tilespmem:$0x1EB00] =	vst v63  }
0x120: {  	s25 =	sadd.s32 $0x1BA80, s0  }
0x121: {  	[tilespmem:s15], [sflag:$0x1] =	stream.indirect.gather [hbm4b:s6+s30], $0x10, s25, s30, $0xb8;
	[tilespmem:$0x1EB00] =	vst v63  }
0x122: {  	_ =	swait.ge [sflag:s16], $0x800  }
0x123: {  	[sflag:s16] =	ssyncset.done $0x0  }
0x124: {  	s25 =	sor.u32 $0x1C100, s0;
	[sflag:s16] =	ssyncadd.s32 $0xFFFFF800  }
0x125: {  	[spmem:s1] =	stream.indirect.scatter.add.f32 [tilespmem:s4], [sflag:$0x2], $0x10, s25, s30, $0xb8;
	[tilespmem:$0x1EB00] =	vst v63  }
0x126: {  	_ =	swait.ge [sflag:s16], $0x800  }
0x127: {  	[sflag:s16] =	ssyncset.done $0x0  }
0x128: {  	s25 =	sor.u32 $0x1C180, s0;
	[sflag:s16] =	ssyncadd.s32 $0xFFFFF800  }
0x129: {  	[spmem:s1] =	stream.indirect.scatter.add.f32 [tilespmem:s13], [sflag:$0x2], $0x10, s25, s30, $0xb8;
	[tilespmem:$0x1EB00] =	vst v63  }
0x12a: {  	_ =	swait.ge [sflag:s16], $0x800  }
0x12b: {  	[sflag:s16] =	ssyncset.done $0x0  }
0x12c: {  	s25 =	sadd.s32 $0x1C200, s0;
	[sflag:s16] =	ssyncadd.s32 $0xFFFFF800  }
0x12d: {  	[spmem:s1] =	stream.indirect.scatter.add.f32 [tilespmem:s14], [sflag:$0x2], $0x10, s25, s30, $0xb8;
	[tilespmem:$0x1EB00] =	vst v63  }
.Ltmp16:
0x12e: {  	_ = 	snop;
	(pc) =	sbr.rel @p3 .LBB2_15-.Ltmp16, $4  }
.Ltmp17:
0x12f: {  	_ =	swait.ge [sflag:s16], $0x800;
	(pc) =	sbr.rel @!p3 .LBB2_16-.Ltmp17, $4  }
0x130: {  	[sflag:s16] =	ssyncset.done $0x0  }
0x131: {  	s0 =	sadd.s32 $0x1C280, s0;
	[sflag:s16] =	ssyncadd.s32 $0xFFFFF800  }
0x132: {  	[spmem:s1] =	stream.indirect.scatter.add.f32 [tilespmem:s15], [sflag:$0x2], $0x10, s0, s30, $0xb8;
	[tilespmem:$0x1EB00] =	vst v63  }
0x133: {  	_ = 	snop  }
.LBB2_18:
0x134: {  	_ =	sfence.sel $0x180000  }
0x135: {  	[bflag:$0x0] =	sbarrier.arrive $0xFFFF  }
0x136: {  	_ =	strace $0x9000004A  }
0x137: {  	[bflag:$0x2] =	sbarrier.arrive $0xFFFF  }
0x138: {  	s1 =	sld [smem:$0x7FD];
	_ =	sdelay $0x2  }
0x139: {  	s0 =	rddreg [dreg:$0x4];
	p0 =	seq.s32 s1, $0x1  }
0x13a: {  	s0 =	sadd.s32 @!p0 $0x100000, s0  }
0x13b: {  	[sflag:s0] =	ssyncadd.tile.s32 @!p0 $0x1;
	_ =	shalt  }
.Lfunc_end2:
_tile_overlayer_lowered:
.L_overlay_start_2:
0x13c: {  	(tag) =	ssettag $0x2  }
0x13d: {  	s0 =	rddreg [dreg:$0x0];
	s2 =	stileid.u32  }
0x13e: {  	s1 =	rddreg [dreg:$0x1];
	p0 =	sne.s32 s2, $0x0  }
0x13f: {  	s3 =	rddreg [dreg:$0x2];
	[bflag:$0x3] =	sbarrier.arrive $0xFFFF;
	s2 =	simm.s32 @!p0 $0x1C06  }
0x140: {  	[timem:s3], [sflag:s2] =	dma.local @!p0 [hbm:s0], s1  }
0x141: {  	s0 =	simm.s32 @!p0 $0x6  }
0x142: {  	_ =	swait.ge @!p0 [sflag:s0], s1  }
0x143: {  	s1 =	ssub.s32 @!p0 $0x0, s1;
	[sflag:s0] =	ssyncset.done @!p0 $0x0  }
0x144: {  	[sflag:s0] =	ssyncadd.s32 @!p0 s1  }
0x145: {  	[bflag:$0x3] =	sbarrier.arrive $0xFFFF  }
0x146: {  	_ =	shalt  }

</sc_bundles>
